<compile_context>
chip_gen: v7x
topology: tpu7x:2x2x1
jax: 0.10.2.dev20260603
libtpu: 0.0.44.dev20260713+nightly
codegen_flags: <defaults>
</compile_context>

<pallas_src>
import functools

import jax
import jax.numpy as jnp
from jax import lax
from jax.experimental import pallas as pl
from jax.experimental.pallas import tpu as pltpu
from jax.experimental.pallas import tpu_sc as plsc

VOCAB = 30522
EMBED = 128
HIDDEN = 64
PACKED = HIDDEN // 2
B = 1024
S = 512
ROWS = 3 * B
CHUNK = 128
NCHUNK = S // CHUNK
NBUF = 8

VOCABP = 30528
QROWS = VOCABP // 4
BLKR = 1272


def _round_to_bf16_bits(x):
    u = lax.bitcast_convert_type(x, jnp.int32)
    r = u + jnp.int32(0x7FFF) + ((u >> 16) & jnp.int32(1))
    return r & jnp.int32(-65536)


def _proj_body(t0, t1, t2, t3, we_ref, wo_ref, out_ref):
    we = we_ref[...].astype(jnp.bfloat16)
    wo = wo_ref[...].astype(jnp.bfloat16)
    parts = []
    for tr in (t0, t1, t2, t3):
        tab = tr[...].astype(jnp.bfloat16)
        pe = jnp.dot(tab, we, preferred_element_type=jnp.float32)
        po = jnp.dot(tab, wo, preferred_element_type=jnp.float32)
        parts.append(_round_to_bf16_bits(po)
                     | lax.shift_right_logical(_round_to_bf16_bits(pe), 16))
    out_ref[...] = jnp.concatenate(parts, axis=1)


def _project_table(table, we, wo):
    nblk = QROWS // BLKR
    in_specs = [
        pl.BlockSpec((BLKR, EMBED), (lambda i, j=j: (j * nblk + i, 0)))
        for j in range(4)
    ] + [
        pl.BlockSpec((EMBED, PACKED), lambda i: (0, 0)),
        pl.BlockSpec((EMBED, PACKED), lambda i: (0, 0)),
    ]
    return pl.pallas_call(
        _proj_body,
        grid=(nblk,),
        in_specs=in_specs,
        out_specs=pl.BlockSpec((BLKR, 4 * PACKED), lambda i: (i, 0)),
        out_shape=jax.ShapeDtypeStruct((QROWS, 4 * PACKED), jnp.int32),
    )(table, table, table, table, we, wo)


def _make_sc_pool():
    info = plsc.get_sparse_core_info()
    nc, ns = info.num_cores, info.num_subcores
    nw = nc * ns
    rpb = B // nw
    rpw = 3 * rpb

    mesh = plsc.VectorSubcoreMesh(core_axis_name="c", subcore_axis_name="s")

    @functools.partial(
        pl.kernel,
        mesh=mesh,
        out_type=jax.ShapeDtypeStruct((ROWS, HIDDEN), jnp.float32),
        scratch_types=[
            pltpu.VMEM((rpw, NCHUNK, CHUNK), jnp.int32),
            *[pltpu.VMEM((CHUNK, PACKED), jnp.int32) for _ in range(NBUF)],
            pltpu.VMEM((rpw, HIDDEN), jnp.float32),
            pltpu.VMEM((HIDDEN,), jnp.float32),
            *[pltpu.SemaphoreType.DMA for _ in range(NBUF)],
        ],
        compiler_params=pltpu.CompilerParams(
            use_tc_tiling_on_sc=False, needs_layout_passes=False),
    )
    def sc_pool(a_hbm, p_hbm, n_hbm, proj_hbm, bias_hbm, out_hbm,
                idx_v, *rest):
        wid = lax.axis_index("s") * nc + lax.axis_index("c")
        gbufs = rest[:NBUF]
        out_v, bias_v = rest[NBUF], rest[NBUF + 1]
        sems = rest[NBUF + 2:]
        pltpu.sync_copy(bias_hbm, bias_v)
        for t, ids_hbm in enumerate((a_hbm, p_hbm, n_hbm)):
            pltpu.async_copy(ids_hbm.at[pl.ds(wid * rpb, rpb)],
                             idx_v.at[pl.ds(t * rpb, rpb)], sems[t])
        for t in range(3):
            pltpu.make_async_copy(
                a_hbm.at[pl.ds(0, rpb)],
                idx_v.at[pl.ds(t * rpb, rpb)], sems[t]).wait()
        for k in range(NBUF - 1):
            pltpu.async_copy(proj_hbm.at[idx_v.at[k // NCHUNK, k % NCHUNK]],
                             gbufs[k], sems[k])
        dummy = proj_hbm.at[pl.ds(0, CHUNK)]

        grows = NBUF // NCHUNK

        def group_body(g, _):
            base_r = g * grows
            for half in range(grows):
                r = base_r + half
                accs = tuple(jnp.zeros((16,), jnp.float32) for _ in range(4))
                for c in range(NCHUNK):
                    m = half * NCHUNK + c
                    gcur, scur = gbufs[m], sems[m]
                    pltpu.make_async_copy(dummy, gcur, scur).wait()
                    tr_off = (m + NBUF - 1) // NCHUNK
                    tc = (m + NBUF - 1) % NCHUNK
                    tb = (m + NBUF - 1) % NBUF
                    tr = base_r + tr_off

                    @pl.when(tr < rpw)
                    def _():
                        pltpu.async_copy(
                            proj_hbm.at[idx_v.at[tr, tc]],
                            gbufs[tb], sems[tb])

                    @plsc.parallel_loop(0, CHUNK, unroll=16, carry=accs)
                    def accs(i, carry):
                        a0, a1, a2, a3 = carry
                        w0 = gcur[i, pl.ds(0, 16)]
                        w1 = gcur[i, pl.ds(16, 16)]
                        a0 += plsc.bitcast(w0 << 16, jnp.float32)
                        a1 += plsc.bitcast(w0 & jnp.int32(-65536), jnp.float32)
                        a2 += plsc.bitcast(w1 << 16, jnp.float32)
                        a3 += plsc.bitcast(w1 & jnp.int32(-65536), jnp.float32)
                        return a0, a1, a2, a3

                inv = jnp.float32(1.0 / S)
                for q in range(4):
                    val = jnp.maximum(
                        accs[q] * inv + bias_v[pl.ds(q * 16, 16)], 0.0)
                    out_v[r, pl.ds(q * 16, 16)] = val
            return 0

        lax.fori_loop(0, rpw // (NBUF // NCHUNK), group_body, 0)
        for t in range(3):
            pltpu.sync_copy(out_v.at[pl.ds(t * rpb, rpb)],
                            out_hbm.at[pl.ds(t * B + wid * rpb, rpb)])

    return sc_pool


def kernel(anchor_input_ids, anchor_attention_mask,
           positive_input_ids, positive_attention_mask,
           negative_input_ids, negative_attention_mask,
           emb_table, fc_W, fc_b):
    def prep(ids):
        v = ids.astype(jnp.int32)
        k = (v << 2) - (v // QROWS) * (4 * QROWS - 1)
        return k.reshape(B, NCHUNK, CHUNK)

    we = jnp.concatenate([fc_W[:, 0:16], fc_W[:, 32:48]], axis=1)
    wo = jnp.concatenate([fc_W[:, 16:32], fc_W[:, 48:64]], axis=1)
    proj = _project_table(emb_table, we, wo).reshape(VOCABP, PACKED)
    return _make_sc_pool()(
        prep(anchor_input_ids), prep(positive_input_ids),
        prep(negative_input_ids), proj, fc_b)

# --- scband reference (transcript-rebuilt; emitter-appended) ---
"""Pipeline reference for scband-triplet-model-64012192579740 (READ-ONLY COPY).

The authoritative reference and input builder live on the scoring server;
editing this copy changes nothing except your own understanding.
"""

import jax, jax.numpy as jnp
import numpy as np

VOCAB = 30522
EMBED = 128
HIDDEN = 64
B = 1024
S = 512

def setup_inputs(seed: int = 0) -> dict:
    key = jax.random.key(seed)
    k1, k2, k3, k4, k5, k6 = jax.random.split(key, 6)
    anchor_input_ids = jax.random.randint(k1, (B, S), 0, VOCAB, dtype=jnp.int64 if jax.config.jax_enable_x64 else jnp.int32)
    positive_input_ids = jax.random.randint(k2, (B, S), 0, VOCAB, dtype=jnp.int64 if jax.config.jax_enable_x64 else jnp.int32)
    negative_input_ids = jax.random.randint(k3, (B, S), 0, VOCAB, dtype=jnp.int64 if jax.config.jax_enable_x64 else jnp.int32)
    anchor_attention_mask = jnp.ones((B, S), dtype=jnp.int32)
    positive_attention_mask = jnp.ones((B, S), dtype=jnp.int32)
    negative_attention_mask = jnp.ones((B, S), dtype=jnp.int32)
    emb_table = jax.random.normal(k4, (VOCAB, EMBED), dtype=jnp.float32) * 0.05
    fc_W = jax.random.normal(k5, (EMBED, HIDDEN), dtype=jnp.float32) * (1.0 / np.sqrt(EMBED))
    fc_b = jnp.zeros((HIDDEN,), dtype=jnp.float32)
    return {
        'anchor_input_ids': anchor_input_ids,
        'anchor_attention_mask': anchor_attention_mask,
        'positive_input_ids': positive_input_ids,
        'positive_attention_mask': positive_attention_mask,
        'negative_input_ids': negative_input_ids,
        'negative_attention_mask': negative_attention_mask,
        'emb_table': emb_table,
        'fc_W': fc_W,
        'fc_b': fc_b,
    }

def _branch(ids, emb_table, fc_W, fc_b):
    # Embedding lookup (gather)
    e = jnp.take(emb_table, ids, axis=0)          # [B, S, EMBED]
    # Dropout in inference mode = identity
    pooled = jnp.mean(e, axis=1)                   # [B, EMBED]
    out = jnp.maximum(pooled @ fc_W + fc_b, 0.0)   # Dense + relu -> [B, HIDDEN]
    return out

def reference(anchor_input_ids, anchor_attention_mask, positive_input_ids, positive_attention_mask, negative_input_ids, negative_attention_mask, emb_table, fc_W, fc_b):
    a = _branch(anchor_input_ids, emb_table, fc_W, fc_b)
    p = _branch(positive_input_ids, emb_table, fc_W, fc_b)
    n = _branch(negative_input_ids, emb_table, fc_W, fc_b)
    return jnp.concatenate([a, p, n], axis=0)      # [3*B, HIDDEN]

if __name__ == "__main__":
    import jax
    _d = setup_inputs()
    print(jax.jit(kernel)(*tuple(_d.values())))

</pallas_src>

<mosaic_0001>
#map = affine_map<(d0, d1) -> (0, 0, 0)>
#map1 = affine_map<(d0, d1) -> (0, 0)>
#map2 = affine_map<(d0, d1) -> (0)>
module attributes {stable_mosaic.version = 14 : i64} {
  func.func @sc_pool(%arg0: i32, %arg1: i32, %arg2: memref<1024x4x128xi32, #tpu.memory_space<hbm>>, %arg3: memref<1024x4x128xi32, #tpu.memory_space<hbm>>, %arg4: memref<1024x4x128xi32, #tpu.memory_space<hbm>>, %arg5: memref<30528x32xi32, #tpu.memory_space<hbm>>, %arg6: memref<64xf32, #tpu.memory_space<hbm>>, %arg7: memref<3072x64xf32, #tpu.memory_space<hbm>>, %arg8: memref<96x4x128xi32, #tpu.memory_space<vmem>>, %arg9: memref<128x32xi32, #tpu.memory_space<vmem>>, %arg10: memref<128x32xi32, #tpu.memory_space<vmem>>, %arg11: memref<128x32xi32, #tpu.memory_space<vmem>>, %arg12: memref<128x32xi32, #tpu.memory_space<vmem>>, %arg13: memref<128x32xi32, #tpu.memory_space<vmem>>, %arg14: memref<128x32xi32, #tpu.memory_space<vmem>>, %arg15: memref<128x32xi32, #tpu.memory_space<vmem>>, %arg16: memref<128x32xi32, #tpu.memory_space<vmem>>, %arg17: memref<96x64xf32, #tpu.memory_space<vmem>>, %arg18: memref<64xf32, #tpu.memory_space<vmem>>, %arg19: memref<!tpu.dma_semaphore, #tpu.memory_space<semaphore_mem>>, %arg20: memref<!tpu.dma_semaphore, #tpu.memory_space<semaphore_mem>>, %arg21: memref<!tpu.dma_semaphore, #tpu.memory_space<semaphore_mem>>, %arg22: memref<!tpu.dma_semaphore, #tpu.memory_space<semaphore_mem>>, %arg23: memref<!tpu.dma_semaphore, #tpu.memory_space<semaphore_mem>>, %arg24: memref<!tpu.dma_semaphore, #tpu.memory_space<semaphore_mem>>, %arg25: memref<!tpu.dma_semaphore, #tpu.memory_space<semaphore_mem>>, %arg26: memref<!tpu.dma_semaphore, #tpu.memory_space<semaphore_mem>>) attributes {dimension_semantics = [#tpu.dimension_semantics<core_parallel>, #tpu.dimension_semantics<subcore_parallel>], iteration_bounds = array<i64: 2, 16>, scalar_prefetch = 0 : i64, scratch_operands = 19 : i64, tpu.core_type = #tpu.core_type<sc_vector_subcore>, window_params = [{transform_indices = #map}, {transform_indices = #map}, {transform_indices = #map}, {transform_indices = #map1}, {transform_indices = #map2}, {transform_indices = #map1}]} {
    %mul3A = arith.constant 2 : i32
    %mul3A_0 = arith.muli %arg1, %mul3A : i32
    %add3A = arith.addi %mul3A_0, %arg0 : i32
    "tpu.region"() ({
      %run_scoped3A = tpu.sem_alloc : memref<!tpu.dma_semaphore, #tpu.memory_space<semaphore_mem>>
      tpu.enqueue_dma source(%arg6 : memref<64xf32, #tpu.memory_space<hbm>>) target(%arg18 : memref<64xf32, #tpu.memory_space<vmem>>) target_semaphore(%run_scoped3A : memref<!tpu.dma_semaphore, #tpu.memory_space<semaphore_mem>>)
      tpu.wait_dma2 semaphore(%run_scoped3A : memref<!tpu.dma_semaphore, #tpu.memory_space<semaphore_mem>>) src(%arg6 : memref<64xf32, #tpu.memory_space<hbm>>) dst(%arg18 : memref<64xf32, #tpu.memory_space<vmem>>)
      tpu.yield
    }) : () -> ()
    %mul3A_1 = arith.constant 32 : i32
    %mul3A_2 = arith.muli %add3A, %mul3A_1 : i32
    %dma_start3A = arith.constant 0 : i32
    %dma_start3A_3 = arith.constant 0 : i32
    %dma_start3A_4 = arith.constant 0 : i32
    %dma_start3A_5 = tpu.memref_slice %arg8[%dma_start3A, %dma_start3A_3, %dma_start3A_4] : memref<96x4x128xi32, #tpu.memory_space<vmem>> -> memref<32x4x128xi32, #tpu.memory_space<vmem>>
    %dma_start3A_6 = arith.constant 0 : i32
    %dma_start3A_7 = arith.constant 0 : i32
    %dma_start3A_8 = tpu.memref_slice %arg2[%mul3A_2, %dma_start3A_6, %dma_start3A_7] : memref<1024x4x128xi32, #tpu.memory_space<hbm>> -> memref<32x4x128xi32, #tpu.memory_space<hbm>>
    %dma_start3A_9 = arith.constant 0 : i32
    %dma_start3A_10 = arith.constant 0 : i32
    %dma_start3A_11 = arith.constant 0 : i32
    %dma_start3A_12 = tpu.memref_slice %arg8[%dma_start3A_9, %dma_start3A_10, %dma_start3A_11] : memref<96x4x128xi32, #tpu.memory_space<vmem>> -> memref<32x4x128xi32, #tpu.memory_space<vmem>>
    %dma_start3A_13 = arith.constant 0 : i32
    %dma_start3A_14 = arith.constant 0 : i32
    %dma_start3A_15 = tpu.memref_slice %arg2[%mul3A_2, %dma_start3A_13, %dma_start3A_14] : memref<1024x4x128xi32, #tpu.memory_space<hbm>> -> memref<32x4x128xi32, #tpu.memory_space<hbm>>
    tpu.enqueue_dma source(%dma_start3A_15 : memref<32x4x128xi32, #tpu.memory_space<hbm>>) target(%dma_start3A_12 : memref<32x4x128xi32, #tpu.memory_space<vmem>>) target_semaphore(%arg19 : memref<!tpu.dma_semaphore, #tpu.memory_space<semaphore_mem>>)
    %mul3A_16 = arith.constant 32 : i32
    %mul3A_17 = arith.muli %add3A, %mul3A_16 : i32
    %dma_start3A_18 = arith.constant 32 : i32
    %dma_start3A_19 = arith.constant 0 : i32
    %dma_start3A_20 = arith.constant 0 : i32
    %dma_start3A_21 = tpu.memref_slice %arg8[%dma_start3A_18, %dma_start3A_19, %dma_start3A_20] : memref<96x4x128xi32, #tpu.memory_space<vmem>> -> memref<32x4x128xi32, #tpu.memory_space<vmem>>
    %dma_start3A_22 = arith.constant 0 : i32
    %dma_start3A_23 = arith.constant 0 : i32
    %dma_start3A_24 = tpu.memref_slice %arg3[%mul3A_17, %dma_start3A_22, %dma_start3A_23] : memref<1024x4x128xi32, #tpu.memory_space<hbm>> -> memref<32x4x128xi32, #tpu.memory_space<hbm>>
    %dma_start3A_25 = arith.constant 32 : i32
    %dma_start3A_26 = arith.constant 0 : i32
    %dma_start3A_27 = arith.constant 0 : i32
    %dma_start3A_28 = tpu.memref_slice %arg8[%dma_start3A_25, %dma_start3A_26, %dma_start3A_27] : memref<96x4x128xi32, #tpu.memory_space<vmem>> -> memref<32x4x128xi32, #tpu.memory_space<vmem>>
    %dma_start3A_29 = arith.constant 0 : i32
    %dma_start3A_30 = arith.constant 0 : i32
    %dma_start3A_31 = tpu.memref_slice %arg3[%mul3A_17, %dma_start3A_29, %dma_start3A_30] : memref<1024x4x128xi32, #tpu.memory_space<hbm>> -> memref<32x4x128xi32, #tpu.memory_space<hbm>>
    tpu.enqueue_dma source(%dma_start3A_31 : memref<32x4x128xi32, #tpu.memory_space<hbm>>) target(%dma_start3A_28 : memref<32x4x128xi32, #tpu.memory_space<vmem>>) target_semaphore(%arg20 : memref<!tpu.dma_semaphore, #tpu.memory_space<semaphore_mem>>)
    %mul3A_32 = arith.constant 32 : i32
    %mul3A_33 = arith.muli %add3A, %mul3A_32 : i32
    %dma_start3A_34 = arith.constant 64 : i32
    %dma_start3A_35 = arith.constant 0 : i32
    %dma_start3A_36 = arith.constant 0 : i32
    %dma_start3A_37 = tpu.memref_slice %arg8[%dma_start3A_34, %dma_start3A_35, %dma_start3A_36] : memref<96x4x128xi32, #tpu.memory_space<vmem>> -> memref<32x4x128xi32, #tpu.memory_space<vmem>>
    %dma_start3A_38 = arith.constant 0 : i32
    %dma_start3A_39 = arith.constant 0 : i32
    %dma_start3A_40 = tpu.memref_slice %arg4[%mul3A_33, %dma_start3A_38, %dma_start3A_39] : memref<1024x4x128xi32, #tpu.memory_space<hbm>> -> memref<32x4x128xi32, #tpu.memory_space<hbm>>
    %dma_start3A_41 = arith.constant 64 : i32
    %dma_start3A_42 = arith.constant 0 : i32
    %dma_start3A_43 = arith.constant 0 : i32
    %dma_start3A_44 = tpu.memref_slice %arg8[%dma_start3A_41, %dma_start3A_42, %dma_start3A_43] : memref<96x4x128xi32, #tpu.memory_space<vmem>> -> memref<32x4x128xi32, #tpu.memory_space<vmem>>
    %dma_start3A_45 = arith.constant 0 : i32
    %dma_start3A_46 = arith.constant 0 : i32
    %dma_start3A_47 = tpu.memref_slice %arg4[%mul3A_33, %dma_start3A_45, %dma_start3A_46] : memref<1024x4x128xi32, #tpu.memory_space<hbm>> -> memref<32x4x128xi32, #tpu.memory_space<hbm>>
    tpu.enqueue_dma source(%dma_start3A_47 : memref<32x4x128xi32, #tpu.memory_space<hbm>>) target(%dma_start3A_44 : memref<32x4x128xi32, #tpu.memory_space<vmem>>) target_semaphore(%arg21 : memref<!tpu.dma_semaphore, #tpu.memory_space<semaphore_mem>>)
    %dma_wait3A = arith.constant 0 : i32
    %dma_wait3A_48 = arith.constant 0 : i32
    %dma_wait3A_49 = arith.constant 0 : i32
    %dma_wait3A_50 = tpu.memref_slice %arg8[%dma_wait3A, %dma_wait3A_48, %dma_wait3A_49] : memref<96x4x128xi32, #tpu.memory_space<vmem>> -> memref<32x4x128xi32, #tpu.memory_space<vmem>>
    %dma_wait3A_51 = arith.constant 0 : i32
    %dma_wait3A_52 = arith.constant 0 : i32
    %dma_wait3A_53 = arith.constant 0 : i32
    %dma_wait3A_54 = tpu.memref_slice %arg2[%dma_wait3A_51, %dma_wait3A_52, %dma_wait3A_53] : memref<1024x4x128xi32, #tpu.memory_space<hbm>> -> memref<32x4x128xi32, #tpu.memory_space<hbm>>
    %dma_wait3A_55 = arith.constant 0 : i32
    %dma_wait3A_56 = arith.constant 0 : i32
    %dma_wait3A_57 = arith.constant 0 : i32
    %dma_wait3A_58 = tpu.memref_slice %arg8[%dma_wait3A_55, %dma_wait3A_56, %dma_wait3A_57] : memref<96x4x128xi32, #tpu.memory_space<vmem>> -> memref<32x4x128xi32, #tpu.memory_space<vmem>>
    %dma_wait3A_59 = arith.constant 0 : i32
    %dma_wait3A_60 = arith.constant 0 : i32
    %dma_wait3A_61 = arith.constant 0 : i32
    %dma_wait3A_62 = tpu.memref_slice %arg2[%dma_wait3A_59, %dma_wait3A_60, %dma_wait3A_61] : memref<1024x4x128xi32, #tpu.memory_space<hbm>> -> memref<32x4x128xi32, #tpu.memory_space<hbm>>
    tpu.wait_dma2 semaphore(%arg19 : memref<!tpu.dma_semaphore, #tpu.memory_space<semaphore_mem>>) src(%dma_wait3A_62 : memref<32x4x128xi32, #tpu.memory_space<hbm>>) dst(%dma_wait3A_58 : memref<32x4x128xi32, #tpu.memory_space<vmem>>)
    %dma_wait3A_63 = arith.constant 32 : i32
    %dma_wait3A_64 = arith.constant 0 : i32
    %dma_wait3A_65 = arith.constant 0 : i32
    %dma_wait3A_66 = tpu.memref_slice %arg8[%dma_wait3A_63, %dma_wait3A_64, %dma_wait3A_65] : memref<96x4x128xi32, #tpu.memory_space<vmem>> -> memref<32x4x128xi32, #tpu.memory_space<vmem>>
    %dma_wait3A_67 = arith.constant 0 : i32
    %dma_wait3A_68 = arith.constant 0 : i32
    %dma_wait3A_69 = arith.constant 0 : i32
    %dma_wait3A_70 = tpu.memref_slice %arg2[%dma_wait3A_67, %dma_wait3A_68, %dma_wait3A_69] : memref<1024x4x128xi32, #tpu.memory_space<hbm>> -> memref<32x4x128xi32, #tpu.memory_space<hbm>>
    %dma_wait3A_71 = arith.constant 32 : i32
    %dma_wait3A_72 = arith.constant 0 : i32
    %dma_wait3A_73 = arith.constant 0 : i32
    %dma_wait3A_74 = tpu.memref_slice %arg8[%dma_wait3A_71, %dma_wait3A_72, %dma_wait3A_73] : memref<96x4x128xi32, #tpu.memory_space<vmem>> -> memref<32x4x128xi32, #tpu.memory_space<vmem>>
    %dma_wait3A_75 = arith.constant 0 : i32
    %dma_wait3A_76 = arith.constant 0 : i32
    %dma_wait3A_77 = arith.constant 0 : i32
    %dma_wait3A_78 = tpu.memref_slice %arg2[%dma_wait3A_75, %dma_wait3A_76, %dma_wait3A_77] : memref<1024x4x128xi32, #tpu.memory_space<hbm>> -> memref<32x4x128xi32, #tpu.memory_space<hbm>>
    tpu.wait_dma2 semaphore(%arg20 : memref<!tpu.dma_semaphore, #tpu.memory_space<semaphore_mem>>) src(%dma_wait3A_78 : memref<32x4x128xi32, #tpu.memory_space<hbm>>) dst(%dma_wait3A_74 : memref<32x4x128xi32, #tpu.memory_space<vmem>>)
    %dma_wait3A_79 = arith.constant 64 : i32
    %dma_wait3A_80 = arith.constant 0 : i32
    %dma_wait3A_81 = arith.constant 0 : i32
    %dma_wait3A_82 = tpu.memref_slice %arg8[%dma_wait3A_79, %dma_wait3A_80, %dma_wait3A_81] : memref<96x4x128xi32, #tpu.memory_space<vmem>> -> memref<32x4x128xi32, #tpu.memory_space<vmem>>
    %dma_wait3A_83 = arith.constant 0 : i32
    %dma_wait3A_84 = arith.constant 0 : i32
    %dma_wait3A_85 = arith.constant 0 : i32
    %dma_wait3A_86 = tpu.memref_slice %arg2[%dma_wait3A_83, %dma_wait3A_84, %dma_wait3A_85] : memref<1024x4x128xi32, #tpu.memory_space<hbm>> -> memref<32x4x128xi32, #tpu.memory_space<hbm>>
    %dma_wait3A_87 = arith.constant 64 : i32
    %dma_wait3A_88 = arith.constant 0 : i32
    %dma_wait3A_89 = arith.constant 0 : i32
    %dma_wait3A_90 = tpu.memref_slice %arg8[%dma_wait3A_87, %dma_wait3A_88, %dma_wait3A_89] : memref<96x4x128xi32, #tpu.memory_space<vmem>> -> memref<32x4x128xi32, #tpu.memory_space<vmem>>
    %dma_wait3A_91 = arith.constant 0 : i32
    %dma_wait3A_92 = arith.constant 0 : i32
    %dma_wait3A_93 = arith.constant 0 : i32
    %dma_wait3A_94 = tpu.memref_slice %arg2[%dma_wait3A_91, %dma_wait3A_92, %dma_wait3A_93] : memref<1024x4x128xi32, #tpu.memory_space<hbm>> -> memref<32x4x128xi32, #tpu.memory_space<hbm>>
    tpu.wait_dma2 semaphore(%arg21 : memref<!tpu.dma_semaphore, #tpu.memory_space<semaphore_mem>>) src(%dma_wait3A_94 : memref<32x4x128xi32, #tpu.memory_space<hbm>>) dst(%dma_wait3A_90 : memref<32x4x128xi32, #tpu.memory_space<vmem>>)
    %dma_start3A_95 = arith.constant 0 : i32
    %dma_start3A_96 = arith.constant 0 : i32
    %dma_start3A_97 = arith.constant 0 : i32
    %dma_start3A_98 = tpu.memref_slice %arg8[%dma_start3A_95, %dma_start3A_96, %dma_start3A_97] : memref<96x4x128xi32, #tpu.memory_space<vmem>> -> memref<1x1x128xi32, #tpu.memory_space<vmem>>
    %dma_start3A_99 = tpu.memref_squeeze %dma_start3A_98 : memref<1x1x128xi32, #tpu.memory_space<vmem>> -> memref<128xi32, #tpu.memory_space<vmem>>
    %dma_start3A_100 = arith.constant 0 : i32
    %dma_start3A_101 = arith.constant 0 : i32
    %dma_start3A_102 = tpu.memref_slice %arg5[%dma_start3A_100, %dma_start3A_101] : memref<30528x32xi32, #tpu.memory_space<hbm>> -> memref<30528x32xi32, #tpu.memory_space<hbm>>
    tpu.enqueue_indirect_dma source(%dma_start3A_102 : memref<30528x32xi32, #tpu.memory_space<hbm>>) target(%arg9 : memref<128x32xi32, #tpu.memory_space<vmem>>) offsets(%dma_start3A_99 : memref<128xi32, #tpu.memory_space<vmem>>) semaphore(%arg19 : memref<!tpu.dma_semaphore, #tpu.memory_space<semaphore_mem>>)
    %dma_start3A_103 = arith.constant 0 : i32
    %dma_start3A_104 = arith.constant 1 : i32
    %dma_start3A_105 = arith.constant 0 : i32
    %dma_start3A_106 = tpu.memref_slice %arg8[%dma_start3A_103, %dma_start3A_104, %dma_start3A_105] : memref<96x4x128xi32, #tpu.memory_space<vmem>> -> memref<1x1x128xi32, #tpu.memory_space<vmem>>
    %dma_start3A_107 = tpu.memref_squeeze %dma_start3A_106 : memref<1x1x128xi32, #tpu.memory_space<vmem>> -> memref<128xi32, #tpu.memory_space<vmem>>
    %dma_start3A_108 = arith.constant 0 : i32
    %dma_start3A_109 = arith.constant 0 : i32
    %dma_start3A_110 = tpu.memref_slice %arg5[%dma_start3A_108, %dma_start3A_109] : memref<30528x32xi32, #tpu.memory_space<hbm>> -> memref<30528x32xi32, #tpu.memory_space<hbm>>
    tpu.enqueue_indirect_dma source(%dma_start3A_110 : memref<30528x32xi32, #tpu.memory_space<hbm>>) target(%arg10 : memref<128x32xi32, #tpu.memory_space<vmem>>) offsets(%dma_start3A_107 : memref<128xi32, #tpu.memory_space<vmem>>) semaphore(%arg20 : memref<!tpu.dma_semaphore, #tpu.memory_space<semaphore_mem>>)
    %dma_start3A_111 = arith.constant 0 : i32
    %dma_start3A_112 = arith.constant 2 : i32
    %dma_start3A_113 = arith.constant 0 : i32
    %dma_start3A_114 = tpu.memref_slice %arg8[%dma_start3A_111, %dma_start3A_112, %dma_start3A_113] : memref<96x4x128xi32, #tpu.memory_space<vmem>> -> memref<1x1x128xi32, #tpu.memory_space<vmem>>
    %dma_start3A_115 = tpu.memref_squeeze %dma_start3A_114 : memref<1x1x128xi32, #tpu.memory_space<vmem>> -> memref<128xi32, #tpu.memory_space<vmem>>
    %dma_start3A_116 = arith.constant 0 : i32
    %dma_start3A_117 = arith.constant 0 : i32
    %dma_start3A_118 = tpu.memref_slice %arg5[%dma_start3A_116, %dma_start3A_117] : memref<30528x32xi32, #tpu.memory_space<hbm>> -> memref<30528x32xi32, #tpu.memory_space<hbm>>
    tpu.enqueue_indirect_dma source(%dma_start3A_118 : memref<30528x32xi32, #tpu.memory_space<hbm>>) target(%arg11 : memref<128x32xi32, #tpu.memory_space<vmem>>) offsets(%dma_start3A_115 : memref<128xi32, #tpu.memory_space<vmem>>) semaphore(%arg21 : memref<!tpu.dma_semaphore, #tpu.memory_space<semaphore_mem>>)
    %dma_start3A_119 = arith.constant 0 : i32
    %dma_start3A_120 = arith.constant 3 : i32
    %dma_start3A_121 = arith.constant 0 : i32
    %dma_start3A_122 = tpu.memref_slice %arg8[%dma_start3A_119, %dma_start3A_120, %dma_start3A_121] : memref<96x4x128xi32, #tpu.memory_space<vmem>> -> memref<1x1x128xi32, #tpu.memory_space<vmem>>
    %dma_start3A_123 = tpu.memref_squeeze %dma_start3A_122 : memref<1x1x128xi32, #tpu.memory_space<vmem>> -> memref<128xi32, #tpu.memory_space<vmem>>
    %dma_start3A_124 = arith.constant 0 : i32
    %dma_start3A_125 = arith.constant 0 : i32
    %dma_start3A_126 = tpu.memref_slice %arg5[%dma_start3A_124, %dma_start3A_125] : memref<30528x32xi32, #tpu.memory_space<hbm>> -> memref<30528x32xi32, #tpu.memory_space<hbm>>
    tpu.enqueue_indirect_dma source(%dma_start3A_126 : memref<30528x32xi32, #tpu.memory_space<hbm>>) target(%arg12 : memref<128x32xi32, #tpu.memory_space<vmem>>) offsets(%dma_start3A_123 : memref<128xi32, #tpu.memory_space<vmem>>) semaphore(%arg22 : memref<!tpu.dma_semaphore, #tpu.memory_space<semaphore_mem>>)
    %dma_start3A_127 = arith.constant 1 : i32
    %dma_start3A_128 = arith.constant 0 : i32
    %dma_start3A_129 = arith.constant 0 : i32
    %dma_start3A_130 = tpu.memref_slice %arg8[%dma_start3A_127, %dma_start3A_128, %dma_start3A_129] : memref<96x4x128xi32, #tpu.memory_space<vmem>> -> memref<1x1x128xi32, #tpu.memory_space<vmem>>
    %dma_start3A_131 = tpu.memref_squeeze %dma_start3A_130 : memref<1x1x128xi32, #tpu.memory_space<vmem>> -> memref<128xi32, #tpu.memory_space<vmem>>
    %dma_start3A_132 = arith.constant 0 : i32
    %dma_start3A_133 = arith.constant 0 : i32
    %dma_start3A_134 = tpu.memref_slice %arg5[%dma_start3A_132, %dma_start3A_133] : memref<30528x32xi32, #tpu.memory_space<hbm>> -> memref<30528x32xi32, #tpu.memory_space<hbm>>
    tpu.enqueue_indirect_dma source(%dma_start3A_134 : memref<30528x32xi32, #tpu.memory_space<hbm>>) target(%arg13 : memref<128x32xi32, #tpu.memory_space<vmem>>) offsets(%dma_start3A_131 : memref<128xi32, #tpu.memory_space<vmem>>) semaphore(%arg23 : memref<!tpu.dma_semaphore, #tpu.memory_space<semaphore_mem>>)
    %dma_start3A_135 = arith.constant 1 : i32
    %dma_start3A_136 = arith.constant 1 : i32
    %dma_start3A_137 = arith.constant 0 : i32
    %dma_start3A_138 = tpu.memref_slice %arg8[%dma_start3A_135, %dma_start3A_136, %dma_start3A_137] : memref<96x4x128xi32, #tpu.memory_space<vmem>> -> memref<1x1x128xi32, #tpu.memory_space<vmem>>
    %dma_start3A_139 = tpu.memref_squeeze %dma_start3A_138 : memref<1x1x128xi32, #tpu.memory_space<vmem>> -> memref<128xi32, #tpu.memory_space<vmem>>
    %dma_start3A_140 = arith.constant 0 : i32
    %dma_start3A_141 = arith.constant 0 : i32
    %dma_start3A_142 = tpu.memref_slice %arg5[%dma_start3A_140, %dma_start3A_141] : memref<30528x32xi32, #tpu.memory_space<hbm>> -> memref<30528x32xi32, #tpu.memory_space<hbm>>
    tpu.enqueue_indirect_dma source(%dma_start3A_142 : memref<30528x32xi32, #tpu.memory_space<hbm>>) target(%arg14 : memref<128x32xi32, #tpu.memory_space<vmem>>) offsets(%dma_start3A_139 : memref<128xi32, #tpu.memory_space<vmem>>) semaphore(%arg24 : memref<!tpu.dma_semaphore, #tpu.memory_space<semaphore_mem>>)
    %dma_start3A_143 = arith.constant 1 : i32
    %dma_start3A_144 = arith.constant 2 : i32
    %dma_start3A_145 = arith.constant 0 : i32
    %dma_start3A_146 = tpu.memref_slice %arg8[%dma_start3A_143, %dma_start3A_144, %dma_start3A_145] : memref<96x4x128xi32, #tpu.memory_space<vmem>> -> memref<1x1x128xi32, #tpu.memory_space<vmem>>
    %dma_start3A_147 = tpu.memref_squeeze %dma_start3A_146 : memref<1x1x128xi32, #tpu.memory_space<vmem>> -> memref<128xi32, #tpu.memory_space<vmem>>
    %dma_start3A_148 = arith.constant 0 : i32
    %dma_start3A_149 = arith.constant 0 : i32
    %dma_start3A_150 = tpu.memref_slice %arg5[%dma_start3A_148, %dma_start3A_149] : memref<30528x32xi32, #tpu.memory_space<hbm>> -> memref<30528x32xi32, #tpu.memory_space<hbm>>
    tpu.enqueue_indirect_dma source(%dma_start3A_150 : memref<30528x32xi32, #tpu.memory_space<hbm>>) target(%arg15 : memref<128x32xi32, #tpu.memory_space<vmem>>) offsets(%dma_start3A_147 : memref<128xi32, #tpu.memory_space<vmem>>) semaphore(%arg25 : memref<!tpu.dma_semaphore, #tpu.memory_space<semaphore_mem>>)
    %scan3A = arith.constant 0 : i32
    %scan3A_151 = arith.constant 0 : i32
    %scan3A_152 = arith.constant 48 : i32
    %scan3A_153 = arith.addi %scan3A_151, %scan3A_152 : i32
    %scan3A_154 = arith.constant 1 : i32
    %scan3A_155 = scf.for %scan3A_169 = %scan3A_151 to %scan3A_153 step %scan3A_154 iter_args(%scan3A_170 = %scan3A) -> (i32)  : i32 {
      %mul3A_171 = arith.constant 2 : i32
      %mul3A_172 = arith.muli %scan3A_169, %mul3A_171 : i32
      %add3A_173 = arith.constant 0 : i32
      %add3A_174 = arith.addi %mul3A_172, %add3A_173 : i32
      %broadcast_in_dim3A = arith.constant 0.000000e+00 : f32
      %broadcast_in_dim3A_175 = vector.broadcast %broadcast_in_dim3A : f32 to vector<16xf32>
      %broadcast_in_dim3A_176 = arith.constant 0.000000e+00 : f32
      %broadcast_in_dim3A_177 = vector.broadcast %broadcast_in_dim3A_176 : f32 to vector<16xf32>
      %broadcast_in_dim3A_178 = arith.constant 0.000000e+00 : f32
      %broadcast_in_dim3A_179 = vector.broadcast %broadcast_in_dim3A_178 : f32 to vector<16xf32>
      %broadcast_in_dim3A_180 = arith.constant 0.000000e+00 : f32
      %broadcast_in_dim3A_181 = vector.broadcast %broadcast_in_dim3A_180 : f32 to vector<16xf32>
      %dma_wait3A_182 = arith.constant 0 : i32
      %dma_wait3A_183 = arith.constant 0 : i32
      %dma_wait3A_184 = tpu.memref_slice %arg5[%dma_wait3A_182, %dma_wait3A_183] : memref<30528x32xi32, #tpu.memory_space<hbm>> -> memref<128x32xi32, #tpu.memory_space<hbm>>
      %dma_wait3A_185 = arith.constant 0 : i32
      %dma_wait3A_186 = arith.constant 0 : i32
      %dma_wait3A_187 = tpu.memref_slice %arg5[%dma_wait3A_185, %dma_wait3A_186] : memref<30528x32xi32, #tpu.memory_space<hbm>> -> memref<128x32xi32, #tpu.memory_space<hbm>>
      tpu.wait_dma2 semaphore(%arg19 : memref<!tpu.dma_semaphore, #tpu.memory_space<semaphore_mem>>) src(%dma_wait3A_187 : memref<128x32xi32, #tpu.memory_space<hbm>>) dst(%arg9 : memref<128x32xi32, #tpu.memory_space<vmem>>)
      %add3A_188 = arith.constant 1 : i32
      %add3A_189 = arith.addi %mul3A_172, %add3A_188 : i32
      %lt3A = arith.constant 96 : i32
      %lt3A_190 = arith.cmpi slt, %add3A_189, %lt3A : i32
      %convert_element_type3A = arith.extui %lt3A_190 : i1 to i32
      %cond3A = arith.constant 0 : i32
      %cond3A_191 = arith.cmpi ne, %convert_element_type3A, %cond3A : i32
      scf.if %cond3A_191 {
        %dma_start3A_418 = arith.constant 3 : i32
        %dma_start3A_419 = arith.constant 0 : i32
        %dma_start3A_420 = tpu.memref_slice %arg8[%add3A_189, %dma_start3A_418, %dma_start3A_419] : memref<96x4x128xi32, #tpu.memory_space<vmem>> -> memref<1x1x128xi32, #tpu.memory_space<vmem>>
        %dma_start3A_421 = tpu.memref_squeeze %dma_start3A_420 : memref<1x1x128xi32, #tpu.memory_space<vmem>> -> memref<128xi32, #tpu.memory_space<vmem>>
        %dma_start3A_422 = arith.constant 0 : i32
        %dma_start3A_423 = arith.constant 0 : i32
        %dma_start3A_424 = tpu.memref_slice %arg5[%dma_start3A_422, %dma_start3A_423] : memref<30528x32xi32, #tpu.memory_space<hbm>> -> memref<30528x32xi32, #tpu.memory_space<hbm>>
        tpu.enqueue_indirect_dma source(%dma_start3A_424 : memref<30528x32xi32, #tpu.memory_space<hbm>>) target(%arg16 : memref<128x32xi32, #tpu.memory_space<vmem>>) offsets(%dma_start3A_421 : memref<128xi32, #tpu.memory_space<vmem>>) semaphore(%arg26 : memref<!tpu.dma_semaphore, #tpu.memory_space<semaphore_mem>>)
      } else {
      }
      %parallel_loop3A = arith.constant 0 : i32
      %parallel_loop3A_192 = arith.constant 128 : i32
      %parallel_loop3A_193 = arith.constant 1 : i32
      %parallel_loop3A_194:4 = scf.for %parallel_loop3A_418 = %parallel_loop3A to %parallel_loop3A_192 step %parallel_loop3A_193 iter_args(%parallel_loop3A_419 = %broadcast_in_dim3A_175, %parallel_loop3A_420 = %broadcast_in_dim3A_177, %parallel_loop3A_421 = %broadcast_in_dim3A_179, %parallel_loop3A_422 = %broadcast_in_dim3A_181) -> (vector<16xf32>, vector<16xf32>, vector<16xf32>, vector<16xf32>)  : i32 {
        %parallel_loop3A_423 = arith.index_cast %parallel_loop3A_418 : i32 to index
        %parallel_loop3A_424 = arith.constant 0 : index
        %parallel_loop3A_425 = tpu.vector_load %arg9[%parallel_loop3A_423, %parallel_loop3A_424] {strides = array<i32>} : memref<128x32xi32, #tpu.memory_space<vmem>>, vector<16xi32>,
        %parallel_loop3A_426 = arith.index_cast %parallel_loop3A_418 : i32 to index
        %parallel_loop3A_427 = arith.constant 16 : index
        %parallel_loop3A_428 = tpu.vector_load %arg9[%parallel_loop3A_426, %parallel_loop3A_427] {strides = array<i32>} : memref<128x32xi32, #tpu.memory_space<vmem>>, vector<16xi32>,
        %parallel_loop3A_429 = arith.constant 16 : i32
        %parallel_loop3A_430 = vector.broadcast %parallel_loop3A_429 : i32 to vector<16xi32>
        %parallel_loop3A_431 = arith.shli %parallel_loop3A_425, %parallel_loop3A_430 : vector<16xi32>
        %parallel_loop3A_432 = vector.bitcast %parallel_loop3A_431 : vector<16xi32> to vector<16xf32>
        %parallel_loop3A_433 = arith.addf %parallel_loop3A_419, %parallel_loop3A_432 : vector<16xf32>
        %parallel_loop3A_434 = arith.constant -65536 : i32
        %parallel_loop3A_435 = vector.broadcast %parallel_loop3A_434 : i32 to vector<16xi32>
        %parallel_loop3A_436 = arith.andi %parallel_loop3A_425, %parallel_loop3A_435 : vector<16xi32>
        %parallel_loop3A_437 = vector.bitcast %parallel_loop3A_436 : vector<16xi32> to vector<16xf32>
        %parallel_loop3A_438 = arith.addf %parallel_loop3A_420, %parallel_loop3A_437 : vector<16xf32>
        %parallel_loop3A_439 = arith.constant 16 : i32
        %parallel_loop3A_440 = vector.broadcast %parallel_loop3A_439 : i32 to vector<16xi32>
        %parallel_loop3A_441 = arith.shli %parallel_loop3A_428, %parallel_loop3A_440 : vector<16xi32>
        %parallel_loop3A_442 = vector.bitcast %parallel_loop3A_441 : vector<16xi32> to vector<16xf32>
        %parallel_loop3A_443 = arith.addf %parallel_loop3A_421, %parallel_loop3A_442 : vector<16xf32>
        %parallel_loop3A_444 = arith.constant -65536 : i32
        %parallel_loop3A_445 = vector.broadcast %parallel_loop3A_444 : i32 to vector<16xi32>
        %parallel_loop3A_446 = arith.andi %parallel_loop3A_428, %parallel_loop3A_445 : vector<16xi32>
        %parallel_loop3A_447 = vector.bitcast %parallel_loop3A_446 : vector<16xi32> to vector<16xf32>
        %parallel_loop3A_448 = arith.addf %parallel_loop3A_422, %parallel_loop3A_447 : vector<16xf32>
        scf.yield %parallel_loop3A_433, %parallel_loop3A_438, %parallel_loop3A_443, %parallel_loop3A_448 : vector<16xf32>, vector<16xf32>, vector<16xf32>, vector<16xf32>
      } {sc.loop_unroll_factor = 16 : i64, sc.parallel_access}
      %dma_wait3A_195 = arith.constant 0 : i32
      %dma_wait3A_196 = arith.constant 0 : i32
      %dma_wait3A_197 = tpu.memref_slice %arg5[%dma_wait3A_195, %dma_wait3A_196] : memref<30528x32xi32, #tpu.memory_space<hbm>> -> memref<128x32xi32, #tpu.memory_space<hbm>>
      %dma_wait3A_198 = arith.constant 0 : i32
      %dma_wait3A_199 = arith.constant 0 : i32
      %dma_wait3A_200 = tpu.memref_slice %arg5[%dma_wait3A_198, %dma_wait3A_199] : memref<30528x32xi32, #tpu.memory_space<hbm>> -> memref<128x32xi32, #tpu.memory_space<hbm>>
      tpu.wait_dma2 semaphore(%arg20 : memref<!tpu.dma_semaphore, #tpu.memory_space<semaphore_mem>>) src(%dma_wait3A_200 : memref<128x32xi32, #tpu.memory_space<hbm>>) dst(%arg10 : memref<128x32xi32, #tpu.memory_space<vmem>>)
      %add3A_201 = arith.constant 2 : i32
      %add3A_202 = arith.addi %mul3A_172, %add3A_201 : i32
      %lt3A_203 = arith.constant 96 : i32
      %lt3A_204 = arith.cmpi slt, %add3A_202, %lt3A_203 : i32
      %convert_element_type3A_205 = arith.extui %lt3A_204 : i1 to i32
      %cond3A_206 = arith.constant 0 : i32
      %cond3A_207 = arith.cmpi ne, %convert_element_type3A_205, %cond3A_206 : i32
      scf.if %cond3A_207 {
        %dma_start3A_418 = arith.constant 0 : i32
        %dma_start3A_419 = arith.constant 0 : i32
        %dma_start3A_420 = tpu.memref_slice %arg8[%add3A_202, %dma_start3A_418, %dma_start3A_419] : memref<96x4x128xi32, #tpu.memory_space<vmem>> -> memref<1x1x128xi32, #tpu.memory_space<vmem>>
        %dma_start3A_421 = tpu.memref_squeeze %dma_start3A_420 : memref<1x1x128xi32, #tpu.memory_space<vmem>> -> memref<128xi32, #tpu.memory_space<vmem>>
        %dma_start3A_422 = arith.constant 0 : i32
        %dma_start3A_423 = arith.constant 0 : i32
        %dma_start3A_424 = tpu.memref_slice %arg5[%dma_start3A_422, %dma_start3A_423] : memref<30528x32xi32, #tpu.memory_space<hbm>> -> memref<30528x32xi32, #tpu.memory_space<hbm>>
        tpu.enqueue_indirect_dma source(%dma_start3A_424 : memref<30528x32xi32, #tpu.memory_space<hbm>>) target(%arg9 : memref<128x32xi32, #tpu.memory_space<vmem>>) offsets(%dma_start3A_421 : memref<128xi32, #tpu.memory_space<vmem>>) semaphore(%arg19 : memref<!tpu.dma_semaphore, #tpu.memory_space<semaphore_mem>>)
      } else {
      }
      %parallel_loop3A_208 = arith.constant 0 : i32
      %parallel_loop3A_209 = arith.constant 128 : i32
      %parallel_loop3A_210 = arith.constant 1 : i32
      %parallel_loop3A_211:4 = scf.for %parallel_loop3A_418 = %parallel_loop3A_208 to %parallel_loop3A_209 step %parallel_loop3A_210 iter_args(%parallel_loop3A_419 = %parallel_loop3A_194#0, %parallel_loop3A_420 = %parallel_loop3A_194#1, %parallel_loop3A_421 = %parallel_loop3A_194#2, %parallel_loop3A_422 = %parallel_loop3A_194#3) -> (vector<16xf32>, vector<16xf32>, vector<16xf32>, vector<16xf32>)  : i32 {
        %parallel_loop3A_423 = arith.index_cast %parallel_loop3A_418 : i32 to index
        %parallel_loop3A_424 = arith.constant 0 : index
        %parallel_loop3A_425 = tpu.vector_load %arg10[%parallel_loop3A_423, %parallel_loop3A_424] {strides = array<i32>} : memref<128x32xi32, #tpu.memory_space<vmem>>, vector<16xi32>,
        %parallel_loop3A_426 = arith.index_cast %parallel_loop3A_418 : i32 to index
        %parallel_loop3A_427 = arith.constant 16 : index
        %parallel_loop3A_428 = tpu.vector_load %arg10[%parallel_loop3A_426, %parallel_loop3A_427] {strides = array<i32>} : memref<128x32xi32, #tpu.memory_space<vmem>>, vector<16xi32>,
        %parallel_loop3A_429 = arith.constant 16 : i32
        %parallel_loop3A_430 = vector.broadcast %parallel_loop3A_429 : i32 to vector<16xi32>
        %parallel_loop3A_431 = arith.shli %parallel_loop3A_425, %parallel_loop3A_430 : vector<16xi32>
        %parallel_loop3A_432 = vector.bitcast %parallel_loop3A_431 : vector<16xi32> to vector<16xf32>
        %parallel_loop3A_433 = arith.addf %parallel_loop3A_419, %parallel_loop3A_432 : vector<16xf32>
        %parallel_loop3A_434 = arith.constant -65536 : i32
        %parallel_loop3A_435 = vector.broadcast %parallel_loop3A_434 : i32 to vector<16xi32>
        %parallel_loop3A_436 = arith.andi %parallel_loop3A_425, %parallel_loop3A_435 : vector<16xi32>
        %parallel_loop3A_437 = vector.bitcast %parallel_loop3A_436 : vector<16xi32> to vector<16xf32>
        %parallel_loop3A_438 = arith.addf %parallel_loop3A_420, %parallel_loop3A_437 : vector<16xf32>
        %parallel_loop3A_439 = arith.constant 16 : i32
        %parallel_loop3A_440 = vector.broadcast %parallel_loop3A_439 : i32 to vector<16xi32>
        %parallel_loop3A_441 = arith.shli %parallel_loop3A_428, %parallel_loop3A_440 : vector<16xi32>
        %parallel_loop3A_442 = vector.bitcast %parallel_loop3A_441 : vector<16xi32> to vector<16xf32>
        %parallel_loop3A_443 = arith.addf %parallel_loop3A_421, %parallel_loop3A_442 : vector<16xf32>
        %parallel_loop3A_444 = arith.constant -65536 : i32
        %parallel_loop3A_445 = vector.broadcast %parallel_loop3A_444 : i32 to vector<16xi32>
        %parallel_loop3A_446 = arith.andi %parallel_loop3A_428, %parallel_loop3A_445 : vector<16xi32>
        %parallel_loop3A_447 = vector.bitcast %parallel_loop3A_446 : vector<16xi32> to vector<16xf32>
        %parallel_loop3A_448 = arith.addf %parallel_loop3A_422, %parallel_loop3A_447 : vector<16xf32>
        scf.yield %parallel_loop3A_433, %parallel_loop3A_438, %parallel_loop3A_443, %parallel_loop3A_448 : vector<16xf32>, vector<16xf32>, vector<16xf32>, vector<16xf32>
      } {sc.loop_unroll_factor = 16 : i64, sc.parallel_access}
      %dma_wait3A_212 = arith.constant 0 : i32
      %dma_wait3A_213 = arith.constant 0 : i32
      %dma_wait3A_214 = tpu.memref_slice %arg5[%dma_wait3A_212, %dma_wait3A_213] : memref<30528x32xi32, #tpu.memory_space<hbm>> -> memref<128x32xi32, #tpu.memory_space<hbm>>
      %dma_wait3A_215 = arith.constant 0 : i32
      %dma_wait3A_216 = arith.constant 0 : i32
      %dma_wait3A_217 = tpu.memref_slice %arg5[%dma_wait3A_215, %dma_wait3A_216] : memref<30528x32xi32, #tpu.memory_space<hbm>> -> memref<128x32xi32, #tpu.memory_space<hbm>>
      tpu.wait_dma2 semaphore(%arg21 : memref<!tpu.dma_semaphore, #tpu.memory_space<semaphore_mem>>) src(%dma_wait3A_217 : memref<128x32xi32, #tpu.memory_space<hbm>>) dst(%arg11 : memref<128x32xi32, #tpu.memory_space<vmem>>)
      %add3A_218 = arith.constant 2 : i32
      %add3A_219 = arith.addi %mul3A_172, %add3A_218 : i32
      %lt3A_220 = arith.constant 96 : i32
      %lt3A_221 = arith.cmpi slt, %add3A_219, %lt3A_220 : i32
      %convert_element_type3A_222 = arith.extui %lt3A_221 : i1 to i32
      %cond3A_223 = arith.constant 0 : i32
      %cond3A_224 = arith.cmpi ne, %convert_element_type3A_222, %cond3A_223 : i32
      scf.if %cond3A_224 {
        %dma_start3A_418 = arith.constant 1 : i32
        %dma_start3A_419 = arith.constant 0 : i32
        %dma_start3A_420 = tpu.memref_slice %arg8[%add3A_219, %dma_start3A_418, %dma_start3A_419] : memref<96x4x128xi32, #tpu.memory_space<vmem>> -> memref<1x1x128xi32, #tpu.memory_space<vmem>>
        %dma_start3A_421 = tpu.memref_squeeze %dma_start3A_420 : memref<1x1x128xi32, #tpu.memory_space<vmem>> -> memref<128xi32, #tpu.memory_space<vmem>>
        %dma_start3A_422 = arith.constant 0 : i32
        %dma_start3A_423 = arith.constant 0 : i32
        %dma_start3A_424 = tpu.memref_slice %arg5[%dma_start3A_422, %dma_start3A_423] : memref<30528x32xi32, #tpu.memory_space<hbm>> -> memref<30528x32xi32, #tpu.memory_space<hbm>>
        tpu.enqueue_indirect_dma source(%dma_start3A_424 : memref<30528x32xi32, #tpu.memory_space<hbm>>) target(%arg10 : memref<128x32xi32, #tpu.memory_space<vmem>>) offsets(%dma_start3A_421 : memref<128xi32, #tpu.memory_space<vmem>>) semaphore(%arg20 : memref<!tpu.dma_semaphore, #tpu.memory_space<semaphore_mem>>)
      } else {
      }
      %parallel_loop3A_225 = arith.constant 0 : i32
      %parallel_loop3A_226 = arith.constant 128 : i32
      %parallel_loop3A_227 = arith.constant 1 : i32
      %parallel_loop3A_228:4 = scf.for %parallel_loop3A_418 = %parallel_loop3A_225 to %parallel_loop3A_226 step %parallel_loop3A_227 iter_args(%parallel_loop3A_419 = %parallel_loop3A_211#0, %parallel_loop3A_420 = %parallel_loop3A_211#1, %parallel_loop3A_421 = %parallel_loop3A_211#2, %parallel_loop3A_422 = %parallel_loop3A_211#3) -> (vector<16xf32>, vector<16xf32>, vector<16xf32>, vector<16xf32>)  : i32 {
        %parallel_loop3A_423 = arith.index_cast %parallel_loop3A_418 : i32 to index
        %parallel_loop3A_424 = arith.constant 0 : index
        %parallel_loop3A_425 = tpu.vector_load %arg11[%parallel_loop3A_423, %parallel_loop3A_424] {strides = array<i32>} : memref<128x32xi32, #tpu.memory_space<vmem>>, vector<16xi32>,
        %parallel_loop3A_426 = arith.index_cast %parallel_loop3A_418 : i32 to index
        %parallel_loop3A_427 = arith.constant 16 : index
        %parallel_loop3A_428 = tpu.vector_load %arg11[%parallel_loop3A_426, %parallel_loop3A_427] {strides = array<i32>} : memref<128x32xi32, #tpu.memory_space<vmem>>, vector<16xi32>,
        %parallel_loop3A_429 = arith.constant 16 : i32
        %parallel_loop3A_430 = vector.broadcast %parallel_loop3A_429 : i32 to vector<16xi32>
        %parallel_loop3A_431 = arith.shli %parallel_loop3A_425, %parallel_loop3A_430 : vector<16xi32>
        %parallel_loop3A_432 = vector.bitcast %parallel_loop3A_431 : vector<16xi32> to vector<16xf32>
        %parallel_loop3A_433 = arith.addf %parallel_loop3A_419, %parallel_loop3A_432 : vector<16xf32>
        %parallel_loop3A_434 = arith.constant -65536 : i32
        %parallel_loop3A_435 = vector.broadcast %parallel_loop3A_434 : i32 to vector<16xi32>
        %parallel_loop3A_436 = arith.andi %parallel_loop3A_425, %parallel_loop3A_435 : vector<16xi32>
        %parallel_loop3A_437 = vector.bitcast %parallel_loop3A_436 : vector<16xi32> to vector<16xf32>
        %parallel_loop3A_438 = arith.addf %parallel_loop3A_420, %parallel_loop3A_437 : vector<16xf32>
        %parallel_loop3A_439 = arith.constant 16 : i32
        %parallel_loop3A_440 = vector.broadcast %parallel_loop3A_439 : i32 to vector<16xi32>
        %parallel_loop3A_441 = arith.shli %parallel_loop3A_428, %parallel_loop3A_440 : vector<16xi32>
        %parallel_loop3A_442 = vector.bitcast %parallel_loop3A_441 : vector<16xi32> to vector<16xf32>
        %parallel_loop3A_443 = arith.addf %parallel_loop3A_421, %parallel_loop3A_442 : vector<16xf32>
        %parallel_loop3A_444 = arith.constant -65536 : i32
        %parallel_loop3A_445 = vector.broadcast %parallel_loop3A_444 : i32 to vector<16xi32>
        %parallel_loop3A_446 = arith.andi %parallel_loop3A_428, %parallel_loop3A_445 : vector<16xi32>
        %parallel_loop3A_447 = vector.bitcast %parallel_loop3A_446 : vector<16xi32> to vector<16xf32>
        %parallel_loop3A_448 = arith.addf %parallel_loop3A_422, %parallel_loop3A_447 : vector<16xf32>
        scf.yield %parallel_loop3A_433, %parallel_loop3A_438, %parallel_loop3A_443, %parallel_loop3A_448 : vector<16xf32>, vector<16xf32>, vector<16xf32>, vector<16xf32>
      } {sc.loop_unroll_factor = 16 : i64, sc.parallel_access}
      %dma_wait3A_229 = arith.constant 0 : i32
      %dma_wait3A_230 = arith.constant 0 : i32
      %dma_wait3A_231 = tpu.memref_slice %arg5[%dma_wait3A_229, %dma_wait3A_230] : memref<30528x32xi32, #tpu.memory_space<hbm>> -> memref<128x32xi32, #tpu.memory_space<hbm>>
      %dma_wait3A_232 = arith.constant 0 : i32
      %dma_wait3A_233 = arith.constant 0 : i32
      %dma_wait3A_234 = tpu.memref_slice %arg5[%dma_wait3A_232, %dma_wait3A_233] : memref<30528x32xi32, #tpu.memory_space<hbm>> -> memref<128x32xi32, #tpu.memory_space<hbm>>
      tpu.wait_dma2 semaphore(%arg22 : memref<!tpu.dma_semaphore, #tpu.memory_space<semaphore_mem>>) src(%dma_wait3A_234 : memref<128x32xi32, #tpu.memory_space<hbm>>) dst(%arg12 : memref<128x32xi32, #tpu.memory_space<vmem>>)
      %add3A_235 = arith.constant 2 : i32
      %add3A_236 = arith.addi %mul3A_172, %add3A_235 : i32
      %lt3A_237 = arith.constant 96 : i32
      %lt3A_238 = arith.cmpi slt, %add3A_236, %lt3A_237 : i32
      %convert_element_type3A_239 = arith.extui %lt3A_238 : i1 to i32
      %cond3A_240 = arith.constant 0 : i32
      %cond3A_241 = arith.cmpi ne, %convert_element_type3A_239, %cond3A_240 : i32
      scf.if %cond3A_241 {
        %dma_start3A_418 = arith.constant 2 : i32
        %dma_start3A_419 = arith.constant 0 : i32
        %dma_start3A_420 = tpu.memref_slice %arg8[%add3A_236, %dma_start3A_418, %dma_start3A_419] : memref<96x4x128xi32, #tpu.memory_space<vmem>> -> memref<1x1x128xi32, #tpu.memory_space<vmem>>
        %dma_start3A_421 = tpu.memref_squeeze %dma_start3A_420 : memref<1x1x128xi32, #tpu.memory_space<vmem>> -> memref<128xi32, #tpu.memory_space<vmem>>
        %dma_start3A_422 = arith.constant 0 : i32
        %dma_start3A_423 = arith.constant 0 : i32
        %dma_start3A_424 = tpu.memref_slice %arg5[%dma_start3A_422, %dma_start3A_423] : memref<30528x32xi32, #tpu.memory_space<hbm>> -> memref<30528x32xi32, #tpu.memory_space<hbm>>
        tpu.enqueue_indirect_dma source(%dma_start3A_424 : memref<30528x32xi32, #tpu.memory_space<hbm>>) target(%arg11 : memref<128x32xi32, #tpu.memory_space<vmem>>) offsets(%dma_start3A_421 : memref<128xi32, #tpu.memory_space<vmem>>) semaphore(%arg21 : memref<!tpu.dma_semaphore, #tpu.memory_space<semaphore_mem>>)
      } else {
      }
      %parallel_loop3A_242 = arith.constant 0 : i32
      %parallel_loop3A_243 = arith.constant 128 : i32
      %parallel_loop3A_244 = arith.constant 1 : i32
      %parallel_loop3A_245:4 = scf.for %parallel_loop3A_418 = %parallel_loop3A_242 to %parallel_loop3A_243 step %parallel_loop3A_244 iter_args(%parallel_loop3A_419 = %parallel_loop3A_228#0, %parallel_loop3A_420 = %parallel_loop3A_228#1, %parallel_loop3A_421 = %parallel_loop3A_228#2, %parallel_loop3A_422 = %parallel_loop3A_228#3) -> (vector<16xf32>, vector<16xf32>, vector<16xf32>, vector<16xf32>)  : i32 {
        %parallel_loop3A_423 = arith.index_cast %parallel_loop3A_418 : i32 to index
        %parallel_loop3A_424 = arith.constant 0 : index
        %parallel_loop3A_425 = tpu.vector_load %arg12[%parallel_loop3A_423, %parallel_loop3A_424] {strides = array<i32>} : memref<128x32xi32, #tpu.memory_space<vmem>>, vector<16xi32>,
        %parallel_loop3A_426 = arith.index_cast %parallel_loop3A_418 : i32 to index
        %parallel_loop3A_427 = arith.constant 16 : index
        %parallel_loop3A_428 = tpu.vector_load %arg12[%parallel_loop3A_426, %parallel_loop3A_427] {strides = array<i32>} : memref<128x32xi32, #tpu.memory_space<vmem>>, vector<16xi32>,
        %parallel_loop3A_429 = arith.constant 16 : i32
        %parallel_loop3A_430 = vector.broadcast %parallel_loop3A_429 : i32 to vector<16xi32>
        %parallel_loop3A_431 = arith.shli %parallel_loop3A_425, %parallel_loop3A_430 : vector<16xi32>
        %parallel_loop3A_432 = vector.bitcast %parallel_loop3A_431 : vector<16xi32> to vector<16xf32>
        %parallel_loop3A_433 = arith.addf %parallel_loop3A_419, %parallel_loop3A_432 : vector<16xf32>
        %parallel_loop3A_434 = arith.constant -65536 : i32
        %parallel_loop3A_435 = vector.broadcast %parallel_loop3A_434 : i32 to vector<16xi32>
        %parallel_loop3A_436 = arith.andi %parallel_loop3A_425, %parallel_loop3A_435 : vector<16xi32>
        %parallel_loop3A_437 = vector.bitcast %parallel_loop3A_436 : vector<16xi32> to vector<16xf32>
        %parallel_loop3A_438 = arith.addf %parallel_loop3A_420, %parallel_loop3A_437 : vector<16xf32>
        %parallel_loop3A_439 = arith.constant 16 : i32
        %parallel_loop3A_440 = vector.broadcast %parallel_loop3A_439 : i32 to vector<16xi32>
        %parallel_loop3A_441 = arith.shli %parallel_loop3A_428, %parallel_loop3A_440 : vector<16xi32>
        %parallel_loop3A_442 = vector.bitcast %parallel_loop3A_441 : vector<16xi32> to vector<16xf32>
        %parallel_loop3A_443 = arith.addf %parallel_loop3A_421, %parallel_loop3A_442 : vector<16xf32>
        %parallel_loop3A_444 = arith.constant -65536 : i32
        %parallel_loop3A_445 = vector.broadcast %parallel_loop3A_444 : i32 to vector<16xi32>
        %parallel_loop3A_446 = arith.andi %parallel_loop3A_428, %parallel_loop3A_445 : vector<16xi32>
        %parallel_loop3A_447 = vector.bitcast %parallel_loop3A_446 : vector<16xi32> to vector<16xf32>
        %parallel_loop3A_448 = arith.addf %parallel_loop3A_422, %parallel_loop3A_447 : vector<16xf32>
        scf.yield %parallel_loop3A_433, %parallel_loop3A_438, %parallel_loop3A_443, %parallel_loop3A_448 : vector<16xf32>, vector<16xf32>, vector<16xf32>, vector<16xf32>
      } {sc.loop_unroll_factor = 16 : i64, sc.parallel_access}
      %mul3A_246 = arith.constant 0.001953125 : f32
      %mul3A_247 = vector.broadcast %mul3A_246 : f32 to vector<16xf32>
      %mul3A_248 = arith.mulf %parallel_loop3A_245#0, %mul3A_247 : vector<16xf32>
      %get3A = arith.constant 0 : index
      %get3A_249 = tpu.vector_load %arg18[%get3A] {strides = array<i32>} : memref<64xf32, #tpu.memory_space<vmem>>, vector<16xf32>,
      %add3A_250 = arith.addf %mul3A_248, %get3A_249 : vector<16xf32>
      %max3A = arith.constant 0.000000e+00 : f32
      %max3A_251 = vector.broadcast %max3A : f32 to vector<16xf32>
      %max3A_252 = arith.maximumf %add3A_250, %max3A_251 : vector<16xf32>
      %swap3A = arith.index_cast %add3A_174 : i32 to index
      %swap3A_253 = arith.constant 0 : index
      %swap3A_254 = tpu.vector_load %arg17[%swap3A, %swap3A_253] {strides = array<i32>} : memref<96x64xf32, #tpu.memory_space<vmem>>, vector<16xf32>,
      tpu.vector_store %arg17[%swap3A, %swap3A_253], %max3A_252 {strides = array<i32>} : memref<96x64xf32, #tpu.memory_space<vmem>>, vector<16xf32>,
      %mul3A_255 = arith.constant 0.001953125 : f32
      %mul3A_256 = vector.broadcast %mul3A_255 : f32 to vector<16xf32>
      %mul3A_257 = arith.mulf %parallel_loop3A_245#1, %mul3A_256 : vector<16xf32>
      %get3A_258 = arith.constant 16 : index
      %get3A_259 = tpu.vector_load %arg18[%get3A_258] {strides = array<i32>} : memref<64xf32, #tpu.memory_space<vmem>>, vector<16xf32>,
      %add3A_260 = arith.addf %mul3A_257, %get3A_259 : vector<16xf32>
      %max3A_261 = arith.constant 0.000000e+00 : f32
      %max3A_262 = vector.broadcast %max3A_261 : f32 to vector<16xf32>
      %max3A_263 = arith.maximumf %add3A_260, %max3A_262 : vector<16xf32>
      %swap3A_264 = arith.index_cast %add3A_174 : i32 to index
      %swap3A_265 = arith.constant 16 : index
      %swap3A_266 = tpu.vector_load %arg17[%swap3A_264, %swap3A_265] {strides = array<i32>} : memref<96x64xf32, #tpu.memory_space<vmem>>, vector<16xf32>,
      tpu.vector_store %arg17[%swap3A_264, %swap3A_265], %max3A_263 {strides = array<i32>} : memref<96x64xf32, #tpu.memory_space<vmem>>, vector<16xf32>,
      %mul3A_267 = arith.constant 0.001953125 : f32
      %mul3A_268 = vector.broadcast %mul3A_267 : f32 to vector<16xf32>
      %mul3A_269 = arith.mulf %parallel_loop3A_245#2, %mul3A_268 : vector<16xf32>
      %get3A_270 = arith.constant 32 : index
      %get3A_271 = tpu.vector_load %arg18[%get3A_270] {strides = array<i32>} : memref<64xf32, #tpu.memory_space<vmem>>, vector<16xf32>,
      %add3A_272 = arith.addf %mul3A_269, %get3A_271 : vector<16xf32>
      %max3A_273 = arith.constant 0.000000e+00 : f32
      %max3A_274 = vector.broadcast %max3A_273 : f32 to vector<16xf32>
      %max3A_275 = arith.maximumf %add3A_272, %max3A_274 : vector<16xf32>
      %swap3A_276 = arith.index_cast %add3A_174 : i32 to index
      %swap3A_277 = arith.constant 32 : index
      %swap3A_278 = tpu.vector_load %arg17[%swap3A_276, %swap3A_277] {strides = array<i32>} : memref<96x64xf32, #tpu.memory_space<vmem>>, vector<16xf32>,
      tpu.vector_store %arg17[%swap3A_276, %swap3A_277], %max3A_275 {strides = array<i32>} : memref<96x64xf32, #tpu.memory_space<vmem>>, vector<16xf32>,
      %mul3A_279 = arith.constant 0.001953125 : f32
      %mul3A_280 = vector.broadcast %mul3A_279 : f32 to vector<16xf32>
      %mul3A_281 = arith.mulf %parallel_loop3A_245#3, %mul3A_280 : vector<16xf32>
      %get3A_282 = arith.constant 48 : index
      %get3A_283 = tpu.vector_load %arg18[%get3A_282] {strides = array<i32>} : memref<64xf32, #tpu.memory_space<vmem>>, vector<16xf32>,
      %add3A_284 = arith.addf %mul3A_281, %get3A_283 : vector<16xf32>
      %max3A_285 = arith.constant 0.000000e+00 : f32
      %max3A_286 = vector.broadcast %max3A_285 : f32 to vector<16xf32>
      %max3A_287 = arith.maximumf %add3A_284, %max3A_286 : vector<16xf32>
      %swap3A_288 = arith.index_cast %add3A_174 : i32 to index
      %swap3A_289 = arith.constant 48 : index
      %swap3A_290 = tpu.vector_load %arg17[%swap3A_288, %swap3A_289] {strides = array<i32>} : memref<96x64xf32, #tpu.memory_space<vmem>>, vector<16xf32>,
      tpu.vector_store %arg17[%swap3A_288, %swap3A_289], %max3A_287 {strides = array<i32>} : memref<96x64xf32, #tpu.memory_space<vmem>>, vector<16xf32>,
      %add3A_291 = arith.constant 1 : i32
      %add3A_292 = arith.addi %mul3A_172, %add3A_291 : i32
      %broadcast_in_dim3A_293 = arith.constant 0.000000e+00 : f32
      %broadcast_in_dim3A_294 = vector.broadcast %broadcast_in_dim3A_293 : f32 to vector<16xf32>
      %broadcast_in_dim3A_295 = arith.constant 0.000000e+00 : f32
      %broadcast_in_dim3A_296 = vector.broadcast %broadcast_in_dim3A_295 : f32 to vector<16xf32>
      %broadcast_in_dim3A_297 = arith.constant 0.000000e+00 : f32
      %broadcast_in_dim3A_298 = vector.broadcast %broadcast_in_dim3A_297 : f32 to vector<16xf32>
      %broadcast_in_dim3A_299 = arith.constant 0.000000e+00 : f32
      %broadcast_in_dim3A_300 = vector.broadcast %broadcast_in_dim3A_299 : f32 to vector<16xf32>
      %dma_wait3A_301 = arith.constant 0 : i32
      %dma_wait3A_302 = arith.constant 0 : i32
      %dma_wait3A_303 = tpu.memref_slice %arg5[%dma_wait3A_301, %dma_wait3A_302] : memref<30528x32xi32, #tpu.memory_space<hbm>> -> memref<128x32xi32, #tpu.memory_space<hbm>>
      %dma_wait3A_304 = arith.constant 0 : i32
      %dma_wait3A_305 = arith.constant 0 : i32
      %dma_wait3A_306 = tpu.memref_slice %arg5[%dma_wait3A_304, %dma_wait3A_305] : memref<30528x32xi32, #tpu.memory_space<hbm>> -> memref<128x32xi32, #tpu.memory_space<hbm>>
      tpu.wait_dma2 semaphore(%arg23 : memref<!tpu.dma_semaphore, #tpu.memory_space<semaphore_mem>>) src(%dma_wait3A_306 : memref<128x32xi32, #tpu.memory_space<hbm>>) dst(%arg13 : memref<128x32xi32, #tpu.memory_space<vmem>>)
      %add3A_307 = arith.constant 2 : i32
      %add3A_308 = arith.addi %mul3A_172, %add3A_307 : i32
      %lt3A_309 = arith.constant 96 : i32
      %lt3A_310 = arith.cmpi slt, %add3A_308, %lt3A_309 : i32
      %convert_element_type3A_311 = arith.extui %lt3A_310 : i1 to i32
      %cond3A_312 = arith.constant 0 : i32
      %cond3A_313 = arith.cmpi ne, %convert_element_type3A_311, %cond3A_312 : i32
      scf.if %cond3A_313 {
        %dma_start3A_418 = arith.constant 3 : i32
        %dma_start3A_419 = arith.constant 0 : i32
        %dma_start3A_420 = tpu.memref_slice %arg8[%add3A_308, %dma_start3A_418, %dma_start3A_419] : memref<96x4x128xi32, #tpu.memory_space<vmem>> -> memref<1x1x128xi32, #tpu.memory_space<vmem>>
        %dma_start3A_421 = tpu.memref_squeeze %dma_start3A_420 : memref<1x1x128xi32, #tpu.memory_space<vmem>> -> memref<128xi32, #tpu.memory_space<vmem>>
        %dma_start3A_422 = arith.constant 0 : i32
        %dma_start3A_423 = arith.constant 0 : i32
        %dma_start3A_424 = tpu.memref_slice %arg5[%dma_start3A_422, %dma_start3A_423] : memref<30528x32xi32, #tpu.memory_space<hbm>> -> memref<30528x32xi32, #tpu.memory_space<hbm>>
        tpu.enqueue_indirect_dma source(%dma_start3A_424 : memref<30528x32xi32, #tpu.memory_space<hbm>>) target(%arg12 : memref<128x32xi32, #tpu.memory_space<vmem>>) offsets(%dma_start3A_421 : memref<128xi32, #tpu.memory_space<vmem>>) semaphore(%arg22 : memref<!tpu.dma_semaphore, #tpu.memory_space<semaphore_mem>>)
      } else {
      }
      %parallel_loop3A_314 = arith.constant 0 : i32
      %parallel_loop3A_315 = arith.constant 128 : i32
      %parallel_loop3A_316 = arith.constant 1 : i32
      %parallel_loop3A_317:4 = scf.for %parallel_loop3A_418 = %parallel_loop3A_314 to %parallel_loop3A_315 step %parallel_loop3A_316 iter_args(%parallel_loop3A_419 = %broadcast_in_dim3A_294, %parallel_loop3A_420 = %broadcast_in_dim3A_296, %parallel_loop3A_421 = %broadcast_in_dim3A_298, %parallel_loop3A_422 = %broadcast_in_dim3A_300) -> (vector<16xf32>, vector<16xf32>, vector<16xf32>, vector<16xf32>)  : i32 {
        %parallel_loop3A_423 = arith.index_cast %parallel_loop3A_418 : i32 to index
        %parallel_loop3A_424 = arith.constant 0 : index
        %parallel_loop3A_425 = tpu.vector_load %arg13[%parallel_loop3A_423, %parallel_loop3A_424] {strides = array<i32>} : memref<128x32xi32, #tpu.memory_space<vmem>>, vector<16xi32>,
        %parallel_loop3A_426 = arith.index_cast %parallel_loop3A_418 : i32 to index
        %parallel_loop3A_427 = arith.constant 16 : index
        %parallel_loop3A_428 = tpu.vector_load %arg13[%parallel_loop3A_426, %parallel_loop3A_427] {strides = array<i32>} : memref<128x32xi32, #tpu.memory_space<vmem>>, vector<16xi32>,
        %parallel_loop3A_429 = arith.constant 16 : i32
        %parallel_loop3A_430 = vector.broadcast %parallel_loop3A_429 : i32 to vector<16xi32>
        %parallel_loop3A_431 = arith.shli %parallel_loop3A_425, %parallel_loop3A_430 : vector<16xi32>
        %parallel_loop3A_432 = vector.bitcast %parallel_loop3A_431 : vector<16xi32> to vector<16xf32>
        %parallel_loop3A_433 = arith.addf %parallel_loop3A_419, %parallel_loop3A_432 : vector<16xf32>
        %parallel_loop3A_434 = arith.constant -65536 : i32
        %parallel_loop3A_435 = vector.broadcast %parallel_loop3A_434 : i32 to vector<16xi32>
        %parallel_loop3A_436 = arith.andi %parallel_loop3A_425, %parallel_loop3A_435 : vector<16xi32>
        %parallel_loop3A_437 = vector.bitcast %parallel_loop3A_436 : vector<16xi32> to vector<16xf32>
        %parallel_loop3A_438 = arith.addf %parallel_loop3A_420, %parallel_loop3A_437 : vector<16xf32>
        %parallel_loop3A_439 = arith.constant 16 : i32
        %parallel_loop3A_440 = vector.broadcast %parallel_loop3A_439 : i32 to vector<16xi32>
        %parallel_loop3A_441 = arith.shli %parallel_loop3A_428, %parallel_loop3A_440 : vector<16xi32>
        %parallel_loop3A_442 = vector.bitcast %parallel_loop3A_441 : vector<16xi32> to vector<16xf32>
        %parallel_loop3A_443 = arith.addf %parallel_loop3A_421, %parallel_loop3A_442 : vector<16xf32>
        %parallel_loop3A_444 = arith.constant -65536 : i32
        %parallel_loop3A_445 = vector.broadcast %parallel_loop3A_444 : i32 to vector<16xi32>
        %parallel_loop3A_446 = arith.andi %parallel_loop3A_428, %parallel_loop3A_445 : vector<16xi32>
        %parallel_loop3A_447 = vector.bitcast %parallel_loop3A_446 : vector<16xi32> to vector<16xf32>
        %parallel_loop3A_448 = arith.addf %parallel_loop3A_422, %parallel_loop3A_447 : vector<16xf32>
        scf.yield %parallel_loop3A_433, %parallel_loop3A_438, %parallel_loop3A_443, %parallel_loop3A_448 : vector<16xf32>, vector<16xf32>, vector<16xf32>, vector<16xf32>
      } {sc.loop_unroll_factor = 16 : i64, sc.parallel_access}
      %dma_wait3A_318 = arith.constant 0 : i32
      %dma_wait3A_319 = arith.constant 0 : i32
      %dma_wait3A_320 = tpu.memref_slice %arg5[%dma_wait3A_318, %dma_wait3A_319] : memref<30528x32xi32, #tpu.memory_space<hbm>> -> memref<128x32xi32, #tpu.memory_space<hbm>>
      %dma_wait3A_321 = arith.constant 0 : i32
      %dma_wait3A_322 = arith.constant 0 : i32
      %dma_wait3A_323 = tpu.memref_slice %arg5[%dma_wait3A_321, %dma_wait3A_322] : memref<30528x32xi32, #tpu.memory_space<hbm>> -> memref<128x32xi32, #tpu.memory_space<hbm>>
      tpu.wait_dma2 semaphore(%arg24 : memref<!tpu.dma_semaphore, #tpu.memory_space<semaphore_mem>>) src(%dma_wait3A_323 : memref<128x32xi32, #tpu.memory_space<hbm>>) dst(%arg14 : memref<128x32xi32, #tpu.memory_space<vmem>>)
      %add3A_324 = arith.constant 3 : i32
      %add3A_325 = arith.addi %mul3A_172, %add3A_324 : i32
      %lt3A_326 = arith.constant 96 : i32
      %lt3A_327 = arith.cmpi slt, %add3A_325, %lt3A_326 : i32
      %convert_element_type3A_328 = arith.extui %lt3A_327 : i1 to i32
      %cond3A_329 = arith.constant 0 : i32
      %cond3A_330 = arith.cmpi ne, %convert_element_type3A_328, %cond3A_329 : i32
      scf.if %cond3A_330 {
        %dma_start3A_418 = arith.constant 0 : i32
        %dma_start3A_419 = arith.constant 0 : i32
        %dma_start3A_420 = tpu.memref_slice %arg8[%add3A_325, %dma_start3A_418, %dma_start3A_419] : memref<96x4x128xi32, #tpu.memory_space<vmem>> -> memref<1x1x128xi32, #tpu.memory_space<vmem>>
        %dma_start3A_421 = tpu.memref_squeeze %dma_start3A_420 : memref<1x1x128xi32, #tpu.memory_space<vmem>> -> memref<128xi32, #tpu.memory_space<vmem>>
        %dma_start3A_422 = arith.constant 0 : i32
        %dma_start3A_423 = arith.constant 0 : i32
        %dma_start3A_424 = tpu.memref_slice %arg5[%dma_start3A_422, %dma_start3A_423] : memref<30528x32xi32, #tpu.memory_space<hbm>> -> memref<30528x32xi32, #tpu.memory_space<hbm>>
        tpu.enqueue_indirect_dma source(%dma_start3A_424 : memref<30528x32xi32, #tpu.memory_space<hbm>>) target(%arg13 : memref<128x32xi32, #tpu.memory_space<vmem>>) offsets(%dma_start3A_421 : memref<128xi32, #tpu.memory_space<vmem>>) semaphore(%arg23 : memref<!tpu.dma_semaphore, #tpu.memory_space<semaphore_mem>>)
      } else {
      }
      %parallel_loop3A_331 = arith.constant 0 : i32
      %parallel_loop3A_332 = arith.constant 128 : i32
      %parallel_loop3A_333 = arith.constant 1 : i32
      %parallel_loop3A_334:4 = scf.for %parallel_loop3A_418 = %parallel_loop3A_331 to %parallel_loop3A_332 step %parallel_loop3A_333 iter_args(%parallel_loop3A_419 = %parallel_loop3A_317#0, %parallel_loop3A_420 = %parallel_loop3A_317#1, %parallel_loop3A_421 = %parallel_loop3A_317#2, %parallel_loop3A_422 = %parallel_loop3A_317#3) -> (vector<16xf32>, vector<16xf32>, vector<16xf32>, vector<16xf32>)  : i32 {
        %parallel_loop3A_423 = arith.index_cast %parallel_loop3A_418 : i32 to index
        %parallel_loop3A_424 = arith.constant 0 : index
        %parallel_loop3A_425 = tpu.vector_load %arg14[%parallel_loop3A_423, %parallel_loop3A_424] {strides = array<i32>} : memref<128x32xi32, #tpu.memory_space<vmem>>, vector<16xi32>,
        %parallel_loop3A_426 = arith.index_cast %parallel_loop3A_418 : i32 to index
        %parallel_loop3A_427 = arith.constant 16 : index
        %parallel_loop3A_428 = tpu.vector_load %arg14[%parallel_loop3A_426, %parallel_loop3A_427] {strides = array<i32>} : memref<128x32xi32, #tpu.memory_space<vmem>>, vector<16xi32>,
        %parallel_loop3A_429 = arith.constant 16 : i32
        %parallel_loop3A_430 = vector.broadcast %parallel_loop3A_429 : i32 to vector<16xi32>
        %parallel_loop3A_431 = arith.shli %parallel_loop3A_425, %parallel_loop3A_430 : vector<16xi32>
        %parallel_loop3A_432 = vector.bitcast %parallel_loop3A_431 : vector<16xi32> to vector<16xf32>
        %parallel_loop3A_433 = arith.addf %parallel_loop3A_419, %parallel_loop3A_432 : vector<16xf32>
        %parallel_loop3A_434 = arith.constant -65536 : i32
        %parallel_loop3A_435 = vector.broadcast %parallel_loop3A_434 : i32 to vector<16xi32>
        %parallel_loop3A_436 = arith.andi %parallel_loop3A_425, %parallel_loop3A_435 : vector<16xi32>
        %parallel_loop3A_437 = vector.bitcast %parallel_loop3A_436 : vector<16xi32> to vector<16xf32>
        %parallel_loop3A_438 = arith.addf %parallel_loop3A_420, %parallel_loop3A_437 : vector<16xf32>
        %parallel_loop3A_439 = arith.constant 16 : i32
        %parallel_loop3A_440 = vector.broadcast %parallel_loop3A_439 : i32 to vector<16xi32>
        %parallel_loop3A_441 = arith.shli %parallel_loop3A_428, %parallel_loop3A_440 : vector<16xi32>
        %parallel_loop3A_442 = vector.bitcast %parallel_loop3A_441 : vector<16xi32> to vector<16xf32>
        %parallel_loop3A_443 = arith.addf %parallel_loop3A_421, %parallel_loop3A_442 : vector<16xf32>
        %parallel_loop3A_444 = arith.constant -65536 : i32
        %parallel_loop3A_445 = vector.broadcast %parallel_loop3A_444 : i32 to vector<16xi32>
        %parallel_loop3A_446 = arith.andi %parallel_loop3A_428, %parallel_loop3A_445 : vector<16xi32>
        %parallel_loop3A_447 = vector.bitcast %parallel_loop3A_446 : vector<16xi32> to vector<16xf32>
        %parallel_loop3A_448 = arith.addf %parallel_loop3A_422, %parallel_loop3A_447 : vector<16xf32>
        scf.yield %parallel_loop3A_433, %parallel_loop3A_438, %parallel_loop3A_443, %parallel_loop3A_448 : vector<16xf32>, vector<16xf32>, vector<16xf32>, vector<16xf32>
      } {sc.loop_unroll_factor = 16 : i64, sc.parallel_access}
      %dma_wait3A_335 = arith.constant 0 : i32
      %dma_wait3A_336 = arith.constant 0 : i32
      %dma_wait3A_337 = tpu.memref_slice %arg5[%dma_wait3A_335, %dma_wait3A_336] : memref<30528x32xi32, #tpu.memory_space<hbm>> -> memref<128x32xi32, #tpu.memory_space<hbm>>
      %dma_wait3A_338 = arith.constant 0 : i32
      %dma_wait3A_339 = arith.constant 0 : i32
      %dma_wait3A_340 = tpu.memref_slice %arg5[%dma_wait3A_338, %dma_wait3A_339] : memref<30528x32xi32, #tpu.memory_space<hbm>> -> memref<128x32xi32, #tpu.memory_space<hbm>>
      tpu.wait_dma2 semaphore(%arg25 : memref<!tpu.dma_semaphore, #tpu.memory_space<semaphore_mem>>) src(%dma_wait3A_340 : memref<128x32xi32, #tpu.memory_space<hbm>>) dst(%arg15 : memref<128x32xi32, #tpu.memory_space<vmem>>)
      %add3A_341 = arith.constant 3 : i32
      %add3A_342 = arith.addi %mul3A_172, %add3A_341 : i32
      %lt3A_343 = arith.constant 96 : i32
      %lt3A_344 = arith.cmpi slt, %add3A_342, %lt3A_343 : i32
      %convert_element_type3A_345 = arith.extui %lt3A_344 : i1 to i32
      %cond3A_346 = arith.constant 0 : i32
      %cond3A_347 = arith.cmpi ne, %convert_element_type3A_345, %cond3A_346 : i32
      scf.if %cond3A_347 {
        %dma_start3A_418 = arith.constant 1 : i32
        %dma_start3A_419 = arith.constant 0 : i32
        %dma_start3A_420 = tpu.memref_slice %arg8[%add3A_342, %dma_start3A_418, %dma_start3A_419] : memref<96x4x128xi32, #tpu.memory_space<vmem>> -> memref<1x1x128xi32, #tpu.memory_space<vmem>>
        %dma_start3A_421 = tpu.memref_squeeze %dma_start3A_420 : memref<1x1x128xi32, #tpu.memory_space<vmem>> -> memref<128xi32, #tpu.memory_space<vmem>>
        %dma_start3A_422 = arith.constant 0 : i32
        %dma_start3A_423 = arith.constant 0 : i32
        %dma_start3A_424 = tpu.memref_slice %arg5[%dma_start3A_422, %dma_start3A_423] : memref<30528x32xi32, #tpu.memory_space<hbm>> -> memref<30528x32xi32, #tpu.memory_space<hbm>>
        tpu.enqueue_indirect_dma source(%dma_start3A_424 : memref<30528x32xi32, #tpu.memory_space<hbm>>) target(%arg14 : memref<128x32xi32, #tpu.memory_space<vmem>>) offsets(%dma_start3A_421 : memref<128xi32, #tpu.memory_space<vmem>>) semaphore(%arg24 : memref<!tpu.dma_semaphore, #tpu.memory_space<semaphore_mem>>)
      } else {
      }
      %parallel_loop3A_348 = arith.constant 0 : i32
      %parallel_loop3A_349 = arith.constant 128 : i32
      %parallel_loop3A_350 = arith.constant 1 : i32
      %parallel_loop3A_351:4 = scf.for %parallel_loop3A_418 = %parallel_loop3A_348 to %parallel_loop3A_349 step %parallel_loop3A_350 iter_args(%parallel_loop3A_419 = %parallel_loop3A_334#0, %parallel_loop3A_420 = %parallel_loop3A_334#1, %parallel_loop3A_421 = %parallel_loop3A_334#2, %parallel_loop3A_422 = %parallel_loop3A_334#3) -> (vector<16xf32>, vector<16xf32>, vector<16xf32>, vector<16xf32>)  : i32 {
        %parallel_loop3A_423 = arith.index_cast %parallel_loop3A_418 : i32 to index
        %parallel_loop3A_424 = arith.constant 0 : index
        %parallel_loop3A_425 = tpu.vector_load %arg15[%parallel_loop3A_423, %parallel_loop3A_424] {strides = array<i32>} : memref<128x32xi32, #tpu.memory_space<vmem>>, vector<16xi32>,
        %parallel_loop3A_426 = arith.index_cast %parallel_loop3A_418 : i32 to index
        %parallel_loop3A_427 = arith.constant 16 : index
        %parallel_loop3A_428 = tpu.vector_load %arg15[%parallel_loop3A_426, %parallel_loop3A_427] {strides = array<i32>} : memref<128x32xi32, #tpu.memory_space<vmem>>, vector<16xi32>,
        %parallel_loop3A_429 = arith.constant 16 : i32
        %parallel_loop3A_430 = vector.broadcast %parallel_loop3A_429 : i32 to vector<16xi32>
        %parallel_loop3A_431 = arith.shli %parallel_loop3A_425, %parallel_loop3A_430 : vector<16xi32>
        %parallel_loop3A_432 = vector.bitcast %parallel_loop3A_431 : vector<16xi32> to vector<16xf32>
        %parallel_loop3A_433 = arith.addf %parallel_loop3A_419, %parallel_loop3A_432 : vector<16xf32>
        %parallel_loop3A_434 = arith.constant -65536 : i32
        %parallel_loop3A_435 = vector.broadcast %parallel_loop3A_434 : i32 to vector<16xi32>
        %parallel_loop3A_436 = arith.andi %parallel_loop3A_425, %parallel_loop3A_435 : vector<16xi32>
        %parallel_loop3A_437 = vector.bitcast %parallel_loop3A_436 : vector<16xi32> to vector<16xf32>
        %parallel_loop3A_438 = arith.addf %parallel_loop3A_420, %parallel_loop3A_437 : vector<16xf32>
        %parallel_loop3A_439 = arith.constant 16 : i32
        %parallel_loop3A_440 = vector.broadcast %parallel_loop3A_439 : i32 to vector<16xi32>
        %parallel_loop3A_441 = arith.shli %parallel_loop3A_428, %parallel_loop3A_440 : vector<16xi32>
        %parallel_loop3A_442 = vector.bitcast %parallel_loop3A_441 : vector<16xi32> to vector<16xf32>
        %parallel_loop3A_443 = arith.addf %parallel_loop3A_421, %parallel_loop3A_442 : vector<16xf32>
        %parallel_loop3A_444 = arith.constant -65536 : i32
        %parallel_loop3A_445 = vector.broadcast %parallel_loop3A_444 : i32 to vector<16xi32>
        %parallel_loop3A_446 = arith.andi %parallel_loop3A_428, %parallel_loop3A_445 : vector<16xi32>
        %parallel_loop3A_447 = vector.bitcast %parallel_loop3A_446 : vector<16xi32> to vector<16xf32>
        %parallel_loop3A_448 = arith.addf %parallel_loop3A_422, %parallel_loop3A_447 : vector<16xf32>
        scf.yield %parallel_loop3A_433, %parallel_loop3A_438, %parallel_loop3A_443, %parallel_loop3A_448 : vector<16xf32>, vector<16xf32>, vector<16xf32>, vector<16xf32>
      } {sc.loop_unroll_factor = 16 : i64, sc.parallel_access}
      %dma_wait3A_352 = arith.constant 0 : i32
      %dma_wait3A_353 = arith.constant 0 : i32
      %dma_wait3A_354 = tpu.memref_slice %arg5[%dma_wait3A_352, %dma_wait3A_353] : memref<30528x32xi32, #tpu.memory_space<hbm>> -> memref<128x32xi32, #tpu.memory_space<hbm>>
      %dma_wait3A_355 = arith.constant 0 : i32
      %dma_wait3A_356 = arith.constant 0 : i32
      %dma_wait3A_357 = tpu.memref_slice %arg5[%dma_wait3A_355, %dma_wait3A_356] : memref<30528x32xi32, #tpu.memory_space<hbm>> -> memref<128x32xi32, #tpu.memory_space<hbm>>
      tpu.wait_dma2 semaphore(%arg26 : memref<!tpu.dma_semaphore, #tpu.memory_space<semaphore_mem>>) src(%dma_wait3A_357 : memref<128x32xi32, #tpu.memory_space<hbm>>) dst(%arg16 : memref<128x32xi32, #tpu.memory_space<vmem>>)
      %add3A_358 = arith.constant 3 : i32
      %add3A_359 = arith.addi %mul3A_172, %add3A_358 : i32
      %lt3A_360 = arith.constant 96 : i32
      %lt3A_361 = arith.cmpi slt, %add3A_359, %lt3A_360 : i32
      %convert_element_type3A_362 = arith.extui %lt3A_361 : i1 to i32
      %cond3A_363 = arith.constant 0 : i32
      %cond3A_364 = arith.cmpi ne, %convert_element_type3A_362, %cond3A_363 : i32
      scf.if %cond3A_364 {
        %dma_start3A_418 = arith.constant 2 : i32
        %dma_start3A_419 = arith.constant 0 : i32
        %dma_start3A_420 = tpu.memref_slice %arg8[%add3A_359, %dma_start3A_418, %dma_start3A_419] : memref<96x4x128xi32, #tpu.memory_space<vmem>> -> memref<1x1x128xi32, #tpu.memory_space<vmem>>
        %dma_start3A_421 = tpu.memref_squeeze %dma_start3A_420 : memref<1x1x128xi32, #tpu.memory_space<vmem>> -> memref<128xi32, #tpu.memory_space<vmem>>
        %dma_start3A_422 = arith.constant 0 : i32
        %dma_start3A_423 = arith.constant 0 : i32
        %dma_start3A_424 = tpu.memref_slice %arg5[%dma_start3A_422, %dma_start3A_423] : memref<30528x32xi32, #tpu.memory_space<hbm>> -> memref<30528x32xi32, #tpu.memory_space<hbm>>
        tpu.enqueue_indirect_dma source(%dma_start3A_424 : memref<30528x32xi32, #tpu.memory_space<hbm>>) target(%arg15 : memref<128x32xi32, #tpu.memory_space<vmem>>) offsets(%dma_start3A_421 : memref<128xi32, #tpu.memory_space<vmem>>) semaphore(%arg25 : memref<!tpu.dma_semaphore, #tpu.memory_space<semaphore_mem>>)
      } else {
      }
      %parallel_loop3A_365 = arith.constant 0 : i32
      %parallel_loop3A_366 = arith.constant 128 : i32
      %parallel_loop3A_367 = arith.constant 1 : i32
      %parallel_loop3A_368:4 = scf.for %parallel_loop3A_418 = %parallel_loop3A_365 to %parallel_loop3A_366 step %parallel_loop3A_367 iter_args(%parallel_loop3A_419 = %parallel_loop3A_351#0, %parallel_loop3A_420 = %parallel_loop3A_351#1, %parallel_loop3A_421 = %parallel_loop3A_351#2, %parallel_loop3A_422 = %parallel_loop3A_351#3) -> (vector<16xf32>, vector<16xf32>, vector<16xf32>, vector<16xf32>)  : i32 {
        %parallel_loop3A_423 = arith.index_cast %parallel_loop3A_418 : i32 to index
        %parallel_loop3A_424 = arith.constant 0 : index
        %parallel_loop3A_425 = tpu.vector_load %arg16[%parallel_loop3A_423, %parallel_loop3A_424] {strides = array<i32>} : memref<128x32xi32, #tpu.memory_space<vmem>>, vector<16xi32>,
        %parallel_loop3A_426 = arith.index_cast %parallel_loop3A_418 : i32 to index
        %parallel_loop3A_427 = arith.constant 16 : index
        %parallel_loop3A_428 = tpu.vector_load %arg16[%parallel_loop3A_426, %parallel_loop3A_427] {strides = array<i32>} : memref<128x32xi32, #tpu.memory_space<vmem>>, vector<16xi32>,
        %parallel_loop3A_429 = arith.constant 16 : i32
        %parallel_loop3A_430 = vector.broadcast %parallel_loop3A_429 : i32 to vector<16xi32>
        %parallel_loop3A_431 = arith.shli %parallel_loop3A_425, %parallel_loop3A_430 : vector<16xi32>
        %parallel_loop3A_432 = vector.bitcast %parallel_loop3A_431 : vector<16xi32> to vector<16xf32>
        %parallel_loop3A_433 = arith.addf %parallel_loop3A_419, %parallel_loop3A_432 : vector<16xf32>
        %parallel_loop3A_434 = arith.constant -65536 : i32
        %parallel_loop3A_435 = vector.broadcast %parallel_loop3A_434 : i32 to vector<16xi32>
        %parallel_loop3A_436 = arith.andi %parallel_loop3A_425, %parallel_loop3A_435 : vector<16xi32>
        %parallel_loop3A_437 = vector.bitcast %parallel_loop3A_436 : vector<16xi32> to vector<16xf32>
        %parallel_loop3A_438 = arith.addf %parallel_loop3A_420, %parallel_loop3A_437 : vector<16xf32>
        %parallel_loop3A_439 = arith.constant 16 : i32
        %parallel_loop3A_440 = vector.broadcast %parallel_loop3A_439 : i32 to vector<16xi32>
        %parallel_loop3A_441 = arith.shli %parallel_loop3A_428, %parallel_loop3A_440 : vector<16xi32>
        %parallel_loop3A_442 = vector.bitcast %parallel_loop3A_441 : vector<16xi32> to vector<16xf32>
        %parallel_loop3A_443 = arith.addf %parallel_loop3A_421, %parallel_loop3A_442 : vector<16xf32>
        %parallel_loop3A_444 = arith.constant -65536 : i32
        %parallel_loop3A_445 = vector.broadcast %parallel_loop3A_444 : i32 to vector<16xi32>
        %parallel_loop3A_446 = arith.andi %parallel_loop3A_428, %parallel_loop3A_445 : vector<16xi32>
        %parallel_loop3A_447 = vector.bitcast %parallel_loop3A_446 : vector<16xi32> to vector<16xf32>
        %parallel_loop3A_448 = arith.addf %parallel_loop3A_422, %parallel_loop3A_447 : vector<16xf32>
        scf.yield %parallel_loop3A_433, %parallel_loop3A_438, %parallel_loop3A_443, %parallel_loop3A_448 : vector<16xf32>, vector<16xf32>, vector<16xf32>, vector<16xf32>
      } {sc.loop_unroll_factor = 16 : i64, sc.parallel_access}
      %mul3A_369 = arith.constant 0.001953125 : f32
      %mul3A_370 = vector.broadcast %mul3A_369 : f32 to vector<16xf32>
      %mul3A_371 = arith.mulf %parallel_loop3A_368#0, %mul3A_370 : vector<16xf32>
      %get3A_372 = arith.constant 0 : index
      %get3A_373 = tpu.vector_load %arg18[%get3A_372] {strides = array<i32>} : memref<64xf32, #tpu.memory_space<vmem>>, vector<16xf32>,
      %add3A_374 = arith.addf %mul3A_371, %get3A_373 : vector<16xf32>
      %max3A_375 = arith.constant 0.000000e+00 : f32
      %max3A_376 = vector.broadcast %max3A_375 : f32 to vector<16xf32>
      %max3A_377 = arith.maximumf %add3A_374, %max3A_376 : vector<16xf32>
      %swap3A_378 = arith.index_cast %add3A_292 : i32 to index
      %swap3A_379 = arith.constant 0 : index
      %swap3A_380 = tpu.vector_load %arg17[%swap3A_378, %swap3A_379] {strides = array<i32>} : memref<96x64xf32, #tpu.memory_space<vmem>>, vector<16xf32>,
      tpu.vector_store %arg17[%swap3A_378, %swap3A_379], %max3A_377 {strides = array<i32>} : memref<96x64xf32, #tpu.memory_space<vmem>>, vector<16xf32>,
      %mul3A_381 = arith.constant 0.001953125 : f32
      %mul3A_382 = vector.broadcast %mul3A_381 : f32 to vector<16xf32>
      %mul3A_383 = arith.mulf %parallel_loop3A_368#1, %mul3A_382 : vector<16xf32>
      %get3A_384 = arith.constant 16 : index
      %get3A_385 = tpu.vector_load %arg18[%get3A_384] {strides = array<i32>} : memref<64xf32, #tpu.memory_space<vmem>>, vector<16xf32>,
      %add3A_386 = arith.addf %mul3A_383, %get3A_385 : vector<16xf32>
      %max3A_387 = arith.constant 0.000000e+00 : f32
      %max3A_388 = vector.broadcast %max3A_387 : f32 to vector<16xf32>
      %max3A_389 = arith.maximumf %add3A_386, %max3A_388 : vector<16xf32>
      %swap3A_390 = arith.index_cast %add3A_292 : i32 to index
      %swap3A_391 = arith.constant 16 : index
      %swap3A_392 = tpu.vector_load %arg17[%swap3A_390, %swap3A_391] {strides = array<i32>} : memref<96x64xf32, #tpu.memory_space<vmem>>, vector<16xf32>,
      tpu.vector_store %arg17[%swap3A_390, %swap3A_391], %max3A_389 {strides = array<i32>} : memref<96x64xf32, #tpu.memory_space<vmem>>, vector<16xf32>,
      %mul3A_393 = arith.constant 0.001953125 : f32
      %mul3A_394 = vector.broadcast %mul3A_393 : f32 to vector<16xf32>
      %mul3A_395 = arith.mulf %parallel_loop3A_368#2, %mul3A_394 : vector<16xf32>
      %get3A_396 = arith.constant 32 : index
      %get3A_397 = tpu.vector_load %arg18[%get3A_396] {strides = array<i32>} : memref<64xf32, #tpu.memory_space<vmem>>, vector<16xf32>,
      %add3A_398 = arith.addf %mul3A_395, %get3A_397 : vector<16xf32>
      %max3A_399 = arith.constant 0.000000e+00 : f32
      %max3A_400 = vector.broadcast %max3A_399 : f32 to vector<16xf32>
      %max3A_401 = arith.maximumf %add3A_398, %max3A_400 : vector<16xf32>
      %swap3A_402 = arith.index_cast %add3A_292 : i32 to index
      %swap3A_403 = arith.constant 32 : index
      %swap3A_404 = tpu.vector_load %arg17[%swap3A_402, %swap3A_403] {strides = array<i32>} : memref<96x64xf32, #tpu.memory_space<vmem>>, vector<16xf32>,
      tpu.vector_store %arg17[%swap3A_402, %swap3A_403], %max3A_401 {strides = array<i32>} : memref<96x64xf32, #tpu.memory_space<vmem>>, vector<16xf32>,
      %mul3A_405 = arith.constant 0.001953125 : f32
      %mul3A_406 = vector.broadcast %mul3A_405 : f32 to vector<16xf32>
      %mul3A_407 = arith.mulf %parallel_loop3A_368#3, %mul3A_406 : vector<16xf32>
      %get3A_408 = arith.constant 48 : index
      %get3A_409 = tpu.vector_load %arg18[%get3A_408] {strides = array<i32>} : memref<64xf32, #tpu.memory_space<vmem>>, vector<16xf32>,
      %add3A_410 = arith.addf %mul3A_407, %get3A_409 : vector<16xf32>
      %max3A_411 = arith.constant 0.000000e+00 : f32
      %max3A_412 = vector.broadcast %max3A_411 : f32 to vector<16xf32>
      %max3A_413 = arith.maximumf %add3A_410, %max3A_412 : vector<16xf32>
      %swap3A_414 = arith.index_cast %add3A_292 : i32 to index
      %swap3A_415 = arith.constant 48 : index
      %swap3A_416 = tpu.vector_load %arg17[%swap3A_414, %swap3A_415] {strides = array<i32>} : memref<96x64xf32, #tpu.memory_space<vmem>>, vector<16xf32>,
      tpu.vector_store %arg17[%swap3A_414, %swap3A_415], %max3A_413 {strides = array<i32>} : memref<96x64xf32, #tpu.memory_space<vmem>>, vector<16xf32>,
      %scan3A_417 = arith.constant 0 : i32
      scf.yield %scan3A_417 : i32
    }
    %scan3A_156 = arith.constant 48 : i32
    %mul3A_157 = arith.constant 32 : i32
    %mul3A_158 = arith.muli %add3A, %mul3A_157 : i32
    %add3A_159 = arith.constant 0 : i32
    %add3A_160 = arith.addi %add3A_159, %mul3A_158 : i32
    "tpu.region"() ({
      %run_scoped3A = tpu.sem_alloc : memref<!tpu.dma_semaphore, #tpu.memory_space<semaphore_mem>>
      %dma_start3A_169 = arith.constant 0 : i32
      %dma_start3A_170 = arith.constant 0 : i32
      %dma_start3A_171 = tpu.memref_slice %arg17[%dma_start3A_169, %dma_start3A_170] : memref<96x64xf32, #tpu.memory_space<vmem>> -> memref<32x64xf32, #tpu.memory_space<vmem>>
      %dma_start3A_172 = arith.constant 0 : i32
      %dma_start3A_173 = tpu.memref_slice %arg7[%add3A_160, %dma_start3A_172] : memref<3072x64xf32, #tpu.memory_space<hbm>> -> memref<32x64xf32, #tpu.memory_space<hbm>>
      %dma_start3A_174 = arith.constant 0 : i32
      %dma_start3A_175 = tpu.memref_slice %arg7[%add3A_160, %dma_start3A_174] : memref<3072x64xf32, #tpu.memory_space<hbm>> -> memref<32x64xf32, #tpu.memory_space<hbm>>
      %dma_start3A_176 = arith.constant 0 : i32
      %dma_start3A_177 = arith.constant 0 : i32
      %dma_start3A_178 = tpu.memref_slice %arg17[%dma_start3A_176, %dma_start3A_177] : memref<96x64xf32, #tpu.memory_space<vmem>> -> memref<32x64xf32, #tpu.memory_space<vmem>>
      tpu.enqueue_dma source(%dma_start3A_178 : memref<32x64xf32, #tpu.memory_space<vmem>>) target(%dma_start3A_175 : memref<32x64xf32, #tpu.memory_space<hbm>>) target_semaphore(%run_scoped3A : memref<!tpu.dma_semaphore, #tpu.memory_space<semaphore_mem>>)
      %dma_wait3A_179 = arith.constant 0 : i32
      %dma_wait3A_180 = arith.constant 0 : i32
      %dma_wait3A_181 = tpu.memref_slice %arg17[%dma_wait3A_179, %dma_wait3A_180] : memref<96x64xf32, #tpu.memory_space<vmem>> -> memref<32x64xf32, #tpu.memory_space<vmem>>
      %dma_wait3A_182 = arith.constant 0 : i32
      %dma_wait3A_183 = tpu.memref_slice %arg7[%add3A_160, %dma_wait3A_182] : memref<3072x64xf32, #tpu.memory_space<hbm>> -> memref<32x64xf32, #tpu.memory_space<hbm>>
      %dma_wait3A_184 = arith.constant 0 : i32
      %dma_wait3A_185 = tpu.memref_slice %arg7[%add3A_160, %dma_wait3A_184] : memref<3072x64xf32, #tpu.memory_space<hbm>> -> memref<32x64xf32, #tpu.memory_space<hbm>>
      %dma_wait3A_186 = arith.constant 0 : i32
      %dma_wait3A_187 = arith.constant 0 : i32
      %dma_wait3A_188 = tpu.memref_slice %arg17[%dma_wait3A_186, %dma_wait3A_187] : memref<96x64xf32, #tpu.memory_space<vmem>> -> memref<32x64xf32, #tpu.memory_space<vmem>>
      tpu.wait_dma2 semaphore(%run_scoped3A : memref<!tpu.dma_semaphore, #tpu.memory_space<semaphore_mem>>) src(%dma_wait3A_188 : memref<32x64xf32, #tpu.memory_space<vmem>>) dst(%dma_wait3A_185 : memref<32x64xf32, #tpu.memory_space<hbm>>)
      tpu.yield
    }) : () -> ()
    %mul3A_161 = arith.constant 32 : i32
    %mul3A_162 = arith.muli %add3A, %mul3A_161 : i32
    %add3A_163 = arith.constant 1024 : i32
    %add3A_164 = arith.addi %add3A_163, %mul3A_162 : i32
    "tpu.region"() ({
      %run_scoped3A = tpu.sem_alloc : memref<!tpu.dma_semaphore, #tpu.memory_space<semaphore_mem>>
      %dma_start3A_169 = arith.constant 32 : i32
      %dma_start3A_170 = arith.constant 0 : i32
      %dma_start3A_171 = tpu.memref_slice %arg17[%dma_start3A_169, %dma_start3A_170] : memref<96x64xf32, #tpu.memory_space<vmem>> -> memref<32x64xf32, #tpu.memory_space<vmem>>
      %dma_start3A_172 = arith.constant 0 : i32
      %dma_start3A_173 = tpu.memref_slice %arg7[%add3A_164, %dma_start3A_172] : memref<3072x64xf32, #tpu.memory_space<hbm>> -> memref<32x64xf32, #tpu.memory_space<hbm>>
      %dma_start3A_174 = arith.constant 0 : i32
      %dma_start3A_175 = tpu.memref_slice %arg7[%add3A_164, %dma_start3A_174] : memref<3072x64xf32, #tpu.memory_space<hbm>> -> memref<32x64xf32, #tpu.memory_space<hbm>>
      %dma_start3A_176 = arith.constant 32 : i32
      %dma_start3A_177 = arith.constant 0 : i32
      %dma_start3A_178 = tpu.memref_slice %arg17[%dma_start3A_176, %dma_start3A_177] : memref<96x64xf32, #tpu.memory_space<vmem>> -> memref<32x64xf32, #tpu.memory_space<vmem>>
      tpu.enqueue_dma source(%dma_start3A_178 : memref<32x64xf32, #tpu.memory_space<vmem>>) target(%dma_start3A_175 : memref<32x64xf32, #tpu.memory_space<hbm>>) target_semaphore(%run_scoped3A : memref<!tpu.dma_semaphore, #tpu.memory_space<semaphore_mem>>)
      %dma_wait3A_179 = arith.constant 32 : i32
      %dma_wait3A_180 = arith.constant 0 : i32
      %dma_wait3A_181 = tpu.memref_slice %arg17[%dma_wait3A_179, %dma_wait3A_180] : memref<96x64xf32, #tpu.memory_space<vmem>> -> memref<32x64xf32, #tpu.memory_space<vmem>>
      %dma_wait3A_182 = arith.constant 0 : i32
      %dma_wait3A_183 = tpu.memref_slice %arg7[%add3A_164, %dma_wait3A_182] : memref<3072x64xf32, #tpu.memory_space<hbm>> -> memref<32x64xf32, #tpu.memory_space<hbm>>
      %dma_wait3A_184 = arith.constant 0 : i32
      %dma_wait3A_185 = tpu.memref_slice %arg7[%add3A_164, %dma_wait3A_184] : memref<3072x64xf32, #tpu.memory_space<hbm>> -> memref<32x64xf32, #tpu.memory_space<hbm>>
      %dma_wait3A_186 = arith.constant 32 : i32
      %dma_wait3A_187 = arith.constant 0 : i32
      %dma_wait3A_188 = tpu.memref_slice %arg17[%dma_wait3A_186, %dma_wait3A_187] : memref<96x64xf32, #tpu.memory_space<vmem>> -> memref<32x64xf32, #tpu.memory_space<vmem>>
      tpu.wait_dma2 semaphore(%run_scoped3A : memref<!tpu.dma_semaphore, #tpu.memory_space<semaphore_mem>>) src(%dma_wait3A_188 : memref<32x64xf32, #tpu.memory_space<vmem>>) dst(%dma_wait3A_185 : memref<32x64xf32, #tpu.memory_space<hbm>>)
      tpu.yield
    }) : () -> ()
    %mul3A_165 = arith.constant 32 : i32
    %mul3A_166 = arith.muli %add3A, %mul3A_165 : i32
    %add3A_167 = arith.constant 2048 : i32
    %add3A_168 = arith.addi %add3A_167, %mul3A_166 : i32
    "tpu.region"() ({
      %run_scoped3A = tpu.sem_alloc : memref<!tpu.dma_semaphore, #tpu.memory_space<semaphore_mem>>
      %dma_start3A_169 = arith.constant 64 : i32
      %dma_start3A_170 = arith.constant 0 : i32
      %dma_start3A_171 = tpu.memref_slice %arg17[%dma_start3A_169, %dma_start3A_170] : memref<96x64xf32, #tpu.memory_space<vmem>> -> memref<32x64xf32, #tpu.memory_space<vmem>>
      %dma_start3A_172 = arith.constant 0 : i32
      %dma_start3A_173 = tpu.memref_slice %arg7[%add3A_168, %dma_start3A_172] : memref<3072x64xf32, #tpu.memory_space<hbm>> -> memref<32x64xf32, #tpu.memory_space<hbm>>
      %dma_start3A_174 = arith.constant 0 : i32
      %dma_start3A_175 = tpu.memref_slice %arg7[%add3A_168, %dma_start3A_174] : memref<3072x64xf32, #tpu.memory_space<hbm>> -> memref<32x64xf32, #tpu.memory_space<hbm>>
      %dma_start3A_176 = arith.constant 64 : i32
      %dma_start3A_177 = arith.constant 0 : i32
      %dma_start3A_178 = tpu.memref_slice %arg17[%dma_start3A_176, %dma_start3A_177] : memref<96x64xf32, #tpu.memory_space<vmem>> -> memref<32x64xf32, #tpu.memory_space<vmem>>
      tpu.enqueue_dma source(%dma_start3A_178 : memref<32x64xf32, #tpu.memory_space<vmem>>) target(%dma_start3A_175 : memref<32x64xf32, #tpu.memory_space<hbm>>) target_semaphore(%run_scoped3A : memref<!tpu.dma_semaphore, #tpu.memory_space<semaphore_mem>>)
      %dma_wait3A_179 = arith.constant 64 : i32
      %dma_wait3A_180 = arith.constant 0 : i32
      %dma_wait3A_181 = tpu.memref_slice %arg17[%dma_wait3A_179, %dma_wait3A_180] : memref<96x64xf32, #tpu.memory_space<vmem>> -> memref<32x64xf32, #tpu.memory_space<vmem>>
      %dma_wait3A_182 = arith.constant 0 : i32
      %dma_wait3A_183 = tpu.memref_slice %arg7[%add3A_168, %dma_wait3A_182] : memref<3072x64xf32, #tpu.memory_space<hbm>> -> memref<32x64xf32, #tpu.memory_space<hbm>>
      %dma_wait3A_184 = arith.constant 0 : i32
      %dma_wait3A_185 = tpu.memref_slice %arg7[%add3A_168, %dma_wait3A_184] : memref<3072x64xf32, #tpu.memory_space<hbm>> -> memref<32x64xf32, #tpu.memory_space<hbm>>
      %dma_wait3A_186 = arith.constant 64 : i32
      %dma_wait3A_187 = arith.constant 0 : i32
      %dma_wait3A_188 = tpu.memref_slice %arg17[%dma_wait3A_186, %dma_wait3A_187] : memref<96x64xf32, #tpu.memory_space<vmem>> -> memref<32x64xf32, #tpu.memory_space<vmem>>
      tpu.wait_dma2 semaphore(%run_scoped3A : memref<!tpu.dma_semaphore, #tpu.memory_space<semaphore_mem>>) src(%dma_wait3A_188 : memref<32x64xf32, #tpu.memory_space<vmem>>) dst(%dma_wait3A_185 : memref<32x64xf32, #tpu.memory_space<hbm>>)
      tpu.yield
    }) : () -> ()
    return
  }
}

module attributes {stable_mosaic.version = 14 : i64} {
  func.func @_proj_body(%arg0: i32, %arg1: memref<1272x128xf32, #tpu.memory_space<vmem>>, %arg2: memref<1272x128xf32, #tpu.memory_space<vmem>>, %arg3: memref<1272x128xf32, #tpu.memory_space<vmem>>, %arg4: memref<1272x128xf32, #tpu.memory_space<vmem>>, %arg5: memref<128x32xf32, #tpu.memory_space<vmem>>, %arg6: memref<128x32xf32, #tpu.memory_space<vmem>>, %arg7: memref<1272x128xi32, #tpu.memory_space<vmem>>) attributes {dimension_semantics = [#tpu.dimension_semantics<arbitrary>], iteration_bounds = array<i64: 6>, scalar_prefetch = 0 : i64, scratch_operands = 0 : i64, tpu.core_type = #tpu.core_type<tc>, window_params = [{transform_indices = @transform_0, window_bounds = array<i64: 1272, 128>}, {transform_indices = @transform_1, window_bounds = array<i64: 1272, 128>}, {transform_indices = @transform_2, window_bounds = array<i64: 1272, 128>}, {transform_indices = @transform_3, window_bounds = array<i64: 1272, 128>}, {pipeline_mode = #tpu.pipeline_mode<synchronous>, transform_indices = @transform_4, window_bounds = array<i64: 128, 32>}, {pipeline_mode = #tpu.pipeline_mode<synchronous>, transform_indices = @transform_5, window_bounds = array<i64: 128, 32>}, {transform_indices = @transform_6, window_bounds = array<i64: 1272, 128>}]} {
    %get3A = arith.constant 0 : index
    %get3A_0 = arith.constant 0 : index
    %get3A_1 = vector.load %arg5[%get3A, %get3A_0] : memref<128x32xf32, #tpu.memory_space<vmem>>, vector<128x32xf32>
    %convert_element_type3A = arith.truncf %get3A_1 : vector<128x32xf32> to vector<128x32xbf16>
    %get3A_2 = arith.constant 0 : index
    %get3A_3 = arith.constant 0 : index
    %get3A_4 = vector.load %arg6[%get3A_2, %get3A_3] : memref<128x32xf32, #tpu.memory_space<vmem>>, vector<128x32xf32>
    %convert_element_type3A_5 = arith.truncf %get3A_4 : vector<128x32xf32> to vector<128x32xbf16>
    %get3A_6 = arith.constant 0 : index
    %get3A_7 = arith.constant 0 : index
    %get3A_8 = vector.load %arg1[%get3A_6, %get3A_7] : memref<1272x128xf32, #tpu.memory_space<vmem>>, vector<1272x128xf32>
    %convert_element_type3A_9 = arith.truncf %get3A_8 : vector<1272x128xf32> to vector<1272x128xbf16>
    %dot_general3A = arith.constant dense<0.000000e+00> : vector<1272x32xf32>
    %dot_general3A_10 = tpu.matmul %convert_element_type3A_9, %convert_element_type3A, %dot_general3A {dimension_numbers = #tpu.dot_dimension_numbers<[1], [0], [0], [1], [0, 0, 1, 1], [], []>, transpose_lhs_hint = false} : vector<1272x128xbf16>, vector<128x32xbf16>, vector<1272x32xf32> -> vector<1272x32xf32>
    %dot_general3A_11 = arith.constant dense<0.000000e+00> : vector<1272x32xf32>
    %dot_general3A_12 = tpu.matmul %convert_element_type3A_9, %convert_element_type3A_5, %dot_general3A_11 {dimension_numbers = #tpu.dot_dimension_numbers<[1], [0], [0], [1], [0, 0, 1, 1], [], []>, transpose_lhs_hint = false} : vector<1272x128xbf16>, vector<128x32xbf16>, vector<1272x32xf32> -> vector<1272x32xf32>
    %bitcast_convert_type3A = tpu.bitcast %dot_general3A_12 : vector<1272x32xf32> -> vector<1272x32xi32>
    %add3A = arith.constant 32767 : i32
    %add3A_13 = vector.broadcast %add3A : i32 to vector<1272x32xi32>
    %add3A_14 = arith.addi %bitcast_convert_type3A, %add3A_13 : vector<1272x32xi32>
    %shift_right_arithmetic3A = arith.constant 16 : i32
    %shift_right_arithmetic3A_15 = vector.broadcast %shift_right_arithmetic3A : i32 to vector<1272x32xi32>
    %shift_right_arithmetic3A_16 = arith.shrsi %bitcast_convert_type3A, %shift_right_arithmetic3A_15 : vector<1272x32xi32>
    %and3A = arith.constant 1 : i32
    %and3A_17 = vector.broadcast %and3A : i32 to vector<1272x32xi32>
    %and3A_18 = arith.andi %shift_right_arithmetic3A_16, %and3A_17 : vector<1272x32xi32>
    %add3A_19 = arith.addi %add3A_14, %and3A_18 : vector<1272x32xi32>
    %and3A_20 = arith.constant -65536 : i32
    %and3A_21 = vector.broadcast %and3A_20 : i32 to vector<1272x32xi32>
    %and3A_22 = arith.andi %add3A_19, %and3A_21 : vector<1272x32xi32>
    %bitcast_convert_type3A_23 = tpu.bitcast %dot_general3A_10 : vector<1272x32xf32> -> vector<1272x32xi32>
    %add3A_24 = arith.constant 32767 : i32
    %add3A_25 = vector.broadcast %add3A_24 : i32 to vector<1272x32xi32>
    %add3A_26 = arith.addi %bitcast_convert_type3A_23, %add3A_25 : vector<1272x32xi32>
    %shift_right_arithmetic3A_27 = arith.constant 16 : i32
    %shift_right_arithmetic3A_28 = vector.broadcast %shift_right_arithmetic3A_27 : i32 to vector<1272x32xi32>
    %shift_right_arithmetic3A_29 = arith.shrsi %bitcast_convert_type3A_23, %shift_right_arithmetic3A_28 : vector<1272x32xi32>
    %and3A_30 = arith.constant 1 : i32
    %and3A_31 = vector.broadcast %and3A_30 : i32 to vector<1272x32xi32>
    %and3A_32 = arith.andi %shift_right_arithmetic3A_29, %and3A_31 : vector<1272x32xi32>
    %add3A_33 = arith.addi %add3A_26, %and3A_32 : vector<1272x32xi32>
    %and3A_34 = arith.constant -65536 : i32
    %and3A_35 = vector.broadcast %and3A_34 : i32 to vector<1272x32xi32>
    %and3A_36 = arith.andi %add3A_33, %and3A_35 : vector<1272x32xi32>
    %shift_right_logical3A = arith.constant 16 : i32
    %shift_right_logical3A_37 = vector.broadcast %shift_right_logical3A : i32 to vector<1272x32xi32>
    %shift_right_logical3A_38 = arith.shrui %and3A_36, %shift_right_logical3A_37 : vector<1272x32xi32>
    %or3A = arith.ori %and3A_22, %shift_right_logical3A_38 : vector<1272x32xi32>
    %get3A_39 = arith.constant 0 : index
    %get3A_40 = arith.constant 0 : index
    %get3A_41 = vector.load %arg2[%get3A_39, %get3A_40] : memref<1272x128xf32, #tpu.memory_space<vmem>>, vector<1272x128xf32>
    %convert_element_type3A_42 = arith.truncf %get3A_41 : vector<1272x128xf32> to vector<1272x128xbf16>
    %dot_general3A_43 = arith.constant dense<0.000000e+00> : vector<1272x32xf32>
    %dot_general3A_44 = tpu.matmul %convert_element_type3A_42, %convert_element_type3A, %dot_general3A_43 {dimension_numbers = #tpu.dot_dimension_numbers<[1], [0], [0], [1], [0, 0, 1, 1], [], []>, transpose_lhs_hint = false} : vector<1272x128xbf16>, vector<128x32xbf16>, vector<1272x32xf32> -> vector<1272x32xf32>
    %dot_general3A_45 = arith.constant dense<0.000000e+00> : vector<1272x32xf32>
    %dot_general3A_46 = tpu.matmul %convert_element_type3A_42, %convert_element_type3A_5, %dot_general3A_45 {dimension_numbers = #tpu.dot_dimension_numbers<[1], [0], [0], [1], [0, 0, 1, 1], [], []>, transpose_lhs_hint = false} : vector<1272x128xbf16>, vector<128x32xbf16>, vector<1272x32xf32> -> vector<1272x32xf32>
    %bitcast_convert_type3A_47 = tpu.bitcast %dot_general3A_46 : vector<1272x32xf32> -> vector<1272x32xi32>
    %add3A_48 = arith.constant 32767 : i32
    %add3A_49 = vector.broadcast %add3A_48 : i32 to vector<1272x32xi32>
    %add3A_50 = arith.addi %bitcast_convert_type3A_47, %add3A_49 : vector<1272x32xi32>
    %shift_right_arithmetic3A_51 = arith.constant 16 : i32
    %shift_right_arithmetic3A_52 = vector.broadcast %shift_right_arithmetic3A_51 : i32 to vector<1272x32xi32>
    %shift_right_arithmetic3A_53 = arith.shrsi %bitcast_convert_type3A_47, %shift_right_arithmetic3A_52 : vector<1272x32xi32>
    %and3A_54 = arith.constant 1 : i32
    %and3A_55 = vector.broadcast %and3A_54 : i32 to vector<1272x32xi32>
    %and3A_56 = arith.andi %shift_right_arithmetic3A_53, %and3A_55 : vector<1272x32xi32>
    %add3A_57 = arith.addi %add3A_50, %and3A_56 : vector<1272x32xi32>
    %and3A_58 = arith.constant -65536 : i32
    %and3A_59 = vector.broadcast %and3A_58 : i32 to vector<1272x32xi32>
    %and3A_60 = arith.andi %add3A_57, %and3A_59 : vector<1272x32xi32>
    %bitcast_convert_type3A_61 = tpu.bitcast %dot_general3A_44 : vector<1272x32xf32> -> vector<1272x32xi32>
    %add3A_62 = arith.constant 32767 : i32
    %add3A_63 = vector.broadcast %add3A_62 : i32 to vector<1272x32xi32>
    %add3A_64 = arith.addi %bitcast_convert_type3A_61, %add3A_63 : vector<1272x32xi32>
    %shift_right_arithmetic3A_65 = arith.constant 16 : i32
    %shift_right_arithmetic3A_66 = vector.broadcast %shift_right_arithmetic3A_65 : i32 to vector<1272x32xi32>
    %shift_right_arithmetic3A_67 = arith.shrsi %bitcast_convert_type3A_61, %shift_right_arithmetic3A_66 : vector<1272x32xi32>
    %and3A_68 = arith.constant 1 : i32
    %and3A_69 = vector.broadcast %and3A_68 : i32 to vector<1272x32xi32>
    %and3A_70 = arith.andi %shift_right_arithmetic3A_67, %and3A_69 : vector<1272x32xi32>
    %add3A_71 = arith.addi %add3A_64, %and3A_70 : vector<1272x32xi32>
    %and3A_72 = arith.constant -65536 : i32
    %and3A_73 = vector.broadcast %and3A_72 : i32 to vector<1272x32xi32>
    %and3A_74 = arith.andi %add3A_71, %and3A_73 : vector<1272x32xi32>
    %shift_right_logical3A_75 = arith.constant 16 : i32
    %shift_right_logical3A_76 = vector.broadcast %shift_right_logical3A_75 : i32 to vector<1272x32xi32>
    %shift_right_logical3A_77 = arith.shrui %and3A_74, %shift_right_logical3A_76 : vector<1272x32xi32>
    %or3A_78 = arith.ori %and3A_60, %shift_right_logical3A_77 : vector<1272x32xi32>
    %get3A_79 = arith.constant 0 : index
    %get3A_80 = arith.constant 0 : index
    %get3A_81 = vector.load %arg3[%get3A_79, %get3A_80] : memref<1272x128xf32, #tpu.memory_space<vmem>>, vector<1272x128xf32>
    %convert_element_type3A_82 = arith.truncf %get3A_81 : vector<1272x128xf32> to vector<1272x128xbf16>
    %dot_general3A_83 = arith.constant dense<0.000000e+00> : vector<1272x32xf32>
    %dot_general3A_84 = tpu.matmul %convert_element_type3A_82, %convert_element_type3A, %dot_general3A_83 {dimension_numbers = #tpu.dot_dimension_numbers<[1], [0], [0], [1], [0, 0, 1, 1], [], []>, transpose_lhs_hint = false} : vector<1272x128xbf16>, vector<128x32xbf16>, vector<1272x32xf32> -> vector<1272x32xf32>
    %dot_general3A_85 = arith.constant dense<0.000000e+00> : vector<1272x32xf32>
    %dot_general3A_86 = tpu.matmul %convert_element_type3A_82, %convert_element_type3A_5, %dot_general3A_85 {dimension_numbers = #tpu.dot_dimension_numbers<[1], [0], [0], [1], [0, 0, 1, 1], [], []>, transpose_lhs_hint = false} : vector<1272x128xbf16>, vector<128x32xbf16>, vector<1272x32xf32> -> vector<1272x32xf32>
    %bitcast_convert_type3A_87 = tpu.bitcast %dot_general3A_86 : vector<1272x32xf32> -> vector<1272x32xi32>
    %add3A_88 = arith.constant 32767 : i32
    %add3A_89 = vector.broadcast %add3A_88 : i32 to vector<1272x32xi32>
    %add3A_90 = arith.addi %bitcast_convert_type3A_87, %add3A_89 : vector<1272x32xi32>
    %shift_right_arithmetic3A_91 = arith.constant 16 : i32
    %shift_right_arithmetic3A_92 = vector.broadcast %shift_right_arithmetic3A_91 : i32 to vector<1272x32xi32>
    %shift_right_arithmetic3A_93 = arith.shrsi %bitcast_convert_type3A_87, %shift_right_arithmetic3A_92 : vector<1272x32xi32>
    %and3A_94 = arith.constant 1 : i32
    %and3A_95 = vector.broadcast %and3A_94 : i32 to vector<1272x32xi32>
    %and3A_96 = arith.andi %shift_right_arithmetic3A_93, %and3A_95 : vector<1272x32xi32>
    %add3A_97 = arith.addi %add3A_90, %and3A_96 : vector<1272x32xi32>
    %and3A_98 = arith.constant -65536 : i32
    %and3A_99 = vector.broadcast %and3A_98 : i32 to vector<1272x32xi32>
    %and3A_100 = arith.andi %add3A_97, %and3A_99 : vector<1272x32xi32>
    %bitcast_convert_type3A_101 = tpu.bitcast %dot_general3A_84 : vector<1272x32xf32> -> vector<1272x32xi32>
    %add3A_102 = arith.constant 32767 : i32
    %add3A_103 = vector.broadcast %add3A_102 : i32 to vector<1272x32xi32>
    %add3A_104 = arith.addi %bitcast_convert_type3A_101, %add3A_103 : vector<1272x32xi32>
    %shift_right_arithmetic3A_105 = arith.constant 16 : i32
    %shift_right_arithmetic3A_106 = vector.broadcast %shift_right_arithmetic3A_105 : i32 to vector<1272x32xi32>
    %shift_right_arithmetic3A_107 = arith.shrsi %bitcast_convert_type3A_101, %shift_right_arithmetic3A_106 : vector<1272x32xi32>
    %and3A_108 = arith.constant 1 : i32
    %and3A_109 = vector.broadcast %and3A_108 : i32 to vector<1272x32xi32>
    %and3A_110 = arith.andi %shift_right_arithmetic3A_107, %and3A_109 : vector<1272x32xi32>
    %add3A_111 = arith.addi %add3A_104, %and3A_110 : vector<1272x32xi32>
    %and3A_112 = arith.constant -65536 : i32
    %and3A_113 = vector.broadcast %and3A_112 : i32 to vector<1272x32xi32>
    %and3A_114 = arith.andi %add3A_111, %and3A_113 : vector<1272x32xi32>
    %shift_right_logical3A_115 = arith.constant 16 : i32
    %shift_right_logical3A_116 = vector.broadcast %shift_right_logical3A_115 : i32 to vector<1272x32xi32>
    %shift_right_logical3A_117 = arith.shrui %and3A_114, %shift_right_logical3A_116 : vector<1272x32xi32>
    %or3A_118 = arith.ori %and3A_100, %shift_right_logical3A_117 : vector<1272x32xi32>
    %get3A_119 = arith.constant 0 : index
    %get3A_120 = arith.constant 0 : index
    %get3A_121 = vector.load %arg4[%get3A_119, %get3A_120] : memref<1272x128xf32, #tpu.memory_space<vmem>>, vector<1272x128xf32>
    %convert_element_type3A_122 = arith.truncf %get3A_121 : vector<1272x128xf32> to vector<1272x128xbf16>
    %dot_general3A_123 = arith.constant dense<0.000000e+00> : vector<1272x32xf32>
    %dot_general3A_124 = tpu.matmul %convert_element_type3A_122, %convert_element_type3A, %dot_general3A_123 {dimension_numbers = #tpu.dot_dimension_numbers<[1], [0], [0], [1], [0, 0, 1, 1], [], []>, transpose_lhs_hint = false} : vector<1272x128xbf16>, vector<128x32xbf16>, vector<1272x32xf32> -> vector<1272x32xf32>
    %dot_general3A_125 = arith.constant dense<0.000000e+00> : vector<1272x32xf32>
    %dot_general3A_126 = tpu.matmul %convert_element_type3A_122, %convert_element_type3A_5, %dot_general3A_125 {dimension_numbers = #tpu.dot_dimension_numbers<[1], [0], [0], [1], [0, 0, 1, 1], [], []>, transpose_lhs_hint = false} : vector<1272x128xbf16>, vector<128x32xbf16>, vector<1272x32xf32> -> vector<1272x32xf32>
    %bitcast_convert_type3A_127 = tpu.bitcast %dot_general3A_126 : vector<1272x32xf32> -> vector<1272x32xi32>
    %add3A_128 = arith.constant 32767 : i32
    %add3A_129 = vector.broadcast %add3A_128 : i32 to vector<1272x32xi32>
    %add3A_130 = arith.addi %bitcast_convert_type3A_127, %add3A_129 : vector<1272x32xi32>
    %shift_right_arithmetic3A_131 = arith.constant 16 : i32
    %shift_right_arithmetic3A_132 = vector.broadcast %shift_right_arithmetic3A_131 : i32 to vector<1272x32xi32>
    %shift_right_arithmetic3A_133 = arith.shrsi %bitcast_convert_type3A_127, %shift_right_arithmetic3A_132 : vector<1272x32xi32>
    %and3A_134 = arith.constant 1 : i32
    %and3A_135 = vector.broadcast %and3A_134 : i32 to vector<1272x32xi32>
    %and3A_136 = arith.andi %shift_right_arithmetic3A_133, %and3A_135 : vector<1272x32xi32>
    %add3A_137 = arith.addi %add3A_130, %and3A_136 : vector<1272x32xi32>
    %and3A_138 = arith.constant -65536 : i32
    %and3A_139 = vector.broadcast %and3A_138 : i32 to vector<1272x32xi32>
    %and3A_140 = arith.andi %add3A_137, %and3A_139 : vector<1272x32xi32>
    %bitcast_convert_type3A_141 = tpu.bitcast %dot_general3A_124 : vector<1272x32xf32> -> vector<1272x32xi32>
    %add3A_142 = arith.constant 32767 : i32
    %add3A_143 = vector.broadcast %add3A_142 : i32 to vector<1272x32xi32>
    %add3A_144 = arith.addi %bitcast_convert_type3A_141, %add3A_143 : vector<1272x32xi32>
    %shift_right_arithmetic3A_145 = arith.constant 16 : i32
    %shift_right_arithmetic3A_146 = vector.broadcast %shift_right_arithmetic3A_145 : i32 to vector<1272x32xi32>
    %shift_right_arithmetic3A_147 = arith.shrsi %bitcast_convert_type3A_141, %shift_right_arithmetic3A_146 : vector<1272x32xi32>
    %and3A_148 = arith.constant 1 : i32
    %and3A_149 = vector.broadcast %and3A_148 : i32 to vector<1272x32xi32>
    %and3A_150 = arith.andi %shift_right_arithmetic3A_147, %and3A_149 : vector<1272x32xi32>
    %add3A_151 = arith.addi %add3A_144, %and3A_150 : vector<1272x32xi32>
    %and3A_152 = arith.constant -65536 : i32
    %and3A_153 = vector.broadcast %and3A_152 : i32 to vector<1272x32xi32>
    %and3A_154 = arith.andi %add3A_151, %and3A_153 : vector<1272x32xi32>
    %shift_right_logical3A_155 = arith.constant 16 : i32
    %shift_right_logical3A_156 = vector.broadcast %shift_right_logical3A_155 : i32 to vector<1272x32xi32>
    %shift_right_logical3A_157 = arith.shrui %and3A_154, %shift_right_logical3A_156 : vector<1272x32xi32>
    %or3A_158 = arith.ori %and3A_140, %shift_right_logical3A_157 : vector<1272x32xi32>
    %concatenate3A = tpu.concatenate %or3A, %or3A_78, %or3A_118, %or3A_158 in 1 : vector<1272x32xi32>, vector<1272x32xi32>, vector<1272x32xi32>, vector<1272x32xi32> -> vector<1272x128xi32>
    %swap3A = arith.constant 0 : index
    %swap3A_159 = arith.constant 0 : index
    %swap3A_160 = vector.load %arg7[%swap3A, %swap3A_159] : memref<1272x128xi32, #tpu.memory_space<vmem>>, vector<1272x128xi32>
    tpu.vector_store %arg7[%swap3A, %swap3A_159], %concatenate3A {strides = array<i32>} : memref<1272x128xi32, #tpu.memory_space<vmem>>, vector<1272x128xi32>,
    return
  }
  func.func @transform_0(%arg0: i32) -> (i32, i32) {
    %add3A = arith.constant 0 : i32
    %add3A_0 = arith.addi %add3A, %arg0 : i32
    %c0_i32 = arith.constant 0 : i32
    %c0_i32_1 = arith.constant 0 : i32
    return %add3A_0, %c0_i32 : i32, i32
  }
  func.func @transform_1(%arg0: i32) -> (i32, i32) {
    %add3A = arith.constant 6 : i32
    %add3A_0 = arith.addi %add3A, %arg0 : i32
    %c0_i32 = arith.constant 0 : i32
    %c0_i32_1 = arith.constant 0 : i32
    return %add3A_0, %c0_i32 : i32, i32
  }
  func.func @transform_2(%arg0: i32) -> (i32, i32) {
    %add3A = arith.constant 12 : i32
    %add3A_0 = arith.addi %add3A, %arg0 : i32
    %c0_i32 = arith.constant 0 : i32
    %c0_i32_1 = arith.constant 0 : i32
    return %add3A_0, %c0_i32 : i32, i32
  }
  func.func @transform_3(%arg0: i32) -> (i32, i32) {
    %add3A = arith.constant 18 : i32
    %add3A_0 = arith.addi %add3A, %arg0 : i32
    %c0_i32 = arith.constant 0 : i32
    %c0_i32_1 = arith.constant 0 : i32
    return %add3A_0, %c0_i32 : i32, i32
  }
  func.func @transform_4(%arg0: i32) -> (i32, i32) {
    %c0_i32 = arith.constant 0 : i32
    %c0_i32_0 = arith.constant 0 : i32
    %c0_i32_1 = arith.constant 0 : i32
    return %c0_i32, %c0_i32_0 : i32, i32
  }
  func.func @transform_5(%arg0: i32) -> (i32, i32) {
    %c0_i32 = arith.constant 0 : i32
    %c0_i32_0 = arith.constant 0 : i32
    %c0_i32_1 = arith.constant 0 : i32
    return %c0_i32, %c0_i32_0 : i32, i32
  }
  func.func @transform_6(%arg0: i32) -> (i32, i32) {
    %c0_i32 = arith.constant 0 : i32
    %c0_i32_0 = arith.constant 0 : i32
    return %arg0, %c0_i32 : i32, i32
  }
}

</mosaic_0001>

<sc_bundles>
// kernel: kernel.4.cloned.1.call-start
scs
__scs_entry_jumppad:
0x0: {  	(pc) =	sbr.rel $0x88, $3  }
0x1: {  	(tag) =	ssettag $0x0;
	lr =	simm.s32 $0x1  }
0x2: {  	[smem:$0x3F9B] =	sst lr;
	_ =	strace $0xD0000000  }
0x3: {  	_ = 	snop  }
0x4: {  	_ = 	snop  }
0x5: {  	_ = 	snop  }
0x6: {  	_ = 	snop  }
0x7: {  	_ = 	snop  }
__scs_overlays_trampoline_lowered:
0x8: {  	[smem:$0x3FAA] =	sst s0  }
0x9: {  	[smem:$0x3FAB] =	sst s1  }
0xa: {  	[smem:$0x3FAC] =	sst s2  }
0xb: {  	[smem:$0x3FAD] =	sst s3  }
0xc: {  	[smem:$0x3FAE] =	sst s4  }
0xd: {  	[smem:$0x3FAF] =	sst s5  }
0xe: {  	[smem:$0x3FB0] =	sst s6  }
0xf: {  	[smem:$0x3FB1] =	sst s7  }
0x10: {  	[smem:$0x3FB2] =	sst s8  }
0x11: {  	[smem:$0x3FB3] =	sst s9;
	s0 =	simm.s32 @!p0 $0x0  }
0x12: {  	s1 =	sld [smem:$0x3F99];
	s0 =	simm.s32 @p0 $0x1  }
0x13: {  	[smem:$0x3FB4] =	sst s0;
	s0 =	simm.s32 @!p1 $0x0  }
0x14: {  	s2 =	sld [smem:$0x3F98];
	s0 =	simm.s32 @p1 $0x1  }
0x15: {  	[smem:$0x3FB5] =	sst s0;
	s0 =	simm.s32 @!p2 $0x0  }
0x16: {  	s3 =	sld [smem:$0x3FDB];
	s0 =	simm.s32 @p2 $0x1  }
0x17: {  	s4 =	simm.s32 $0x1BF5;
	[smem:$0x3FB7] =	sst s0  }
0x18: {  	s0 =	sld [smem:$0x3F9A];
	_ =	swait.ge [sflag:s4], $0x0  }
0x19: {  	s7 =	sld [smem:$0x3F9B]  }
0x1a: {  	s8 =	sadd.s32 $0xFFFFE003, lr  }
0x1b: {  	s9 =	sadd.s32 $0xFFFFFEF7, lr;
	s5 =	simm.s32 $0xFFFFFFFF;
	p2 =	slt.u32 s8, $0xFFFFF086  }
0x1c: {  	p1 =	slt.u32 s9, $0xF7A;
	s5 =	simm.s32 @!p2 $0x0  }
0x1d: {  	s5 =	simm.s32 @p1 $0x1;
	p0 =	seq.s32 s7, s2  }
0x1e: {  	s7 =	smul.u32 @!p0 $0xF7A, s2;
	p2 =	seq.s32 @!p0 s5, $0x0  }
0x1f: {  	s9 =	smul.u32 $0xF7A, s1;
	s8 =	simm.s32 @!p0 $0x1BF5;
	p2 =	por !p2, p0  }
0x20: {  	[sflag:s8] =	ssyncset.s32 @!p0 $0xFFFFF086;
	s6 =	sadd.s32 @!p0 s3, s7;
	s7 =	simm.s32 @!p0 $0x108  }
0x21: {  	s3 =	sadd.s32 s3, s9;
	s6 =	sadd.s32 @!p0 $0x88, s6;
	s7 =	simm.s32 @p2 $0x1082  }
0x22: {  	[simem:s7], [sflag:s8] =	dma.local @!p0 [hbm:s6], $0xF7A  }
0x23: {  	s9 =	sor.u32 $0xD0000000, s2;
	s6 =	simm.s32 $0x108;
	_ =	swait.ge @!p0 [sflag:s8], $0x0  }
0x24: {  	s3 =	sadd.s32 $0x88, s3;
	s6 =	simm.s32 @!p1 $0x1082;
	[sflag:s4] =	ssyncset.s32 $0xFFFFF086  }
0x25: {  	[simem:s6], [sflag:s4] =	dma.local [hbm:s3], $0xF7A  }
0x26: {  	[smem:$0x3F9B] =	sst s1;
	(tag) =	ssettag s2;
	_ =	strace s9  }
0x27: {  	s1 =	sld [smem:$0x3FAB]  }
0x28: {  	s2 =	sld [smem:$0x3FAC]  }
0x29: {  	s4 =	sld [smem:$0x3FAE]  }
0x2a: {  	p0 =	seq.s32 s5, $0x0;
	s5 =	sld [smem:$0x3FAF]  }
0x2b: {  	s6 =	sld [smem:$0x3FB0]  }
0x2c: {  	s7 =	sld [smem:$0x3FB1]  }
0x2d: {  	s3 =	simm.s32 $0x108;
	s8 =	sld [smem:$0x3FB2]  }
0x2e: {  	s3 =	simm.s32 @!p0 $0x1082;
	s9 =	sld [smem:$0x3FB3]  }
0x2f: {  	lr =	sadd.s32 s0, s3;
	s0 =	sld [smem:$0x3FAA]  }
0x30: {  	s3 =	sld [smem:$0x3FAD]  }
0x31: {  	[smem:$0x3FB6] =	sst s10  }
0x32: {  	s10 =	sld [smem:$0x3FB4];
	_ =	sdelay $0x3  }
0x33: {  	p0 =	seq.s32 s10, $0x1;
	s10 =	sld [smem:$0x3FB6];
	_ =	sdelay $0x3  }
0x34: {  	[smem:$0x3FB6] =	sst s10  }
0x35: {  	s10 =	sld [smem:$0x3FB5];
	_ =	sdelay $0x3  }
0x36: {  	p1 =	seq.s32 s10, $0x1;
	s10 =	sld [smem:$0x3FB6];
	_ =	sdelay $0x3  }
0x37: {  	[smem:$0x3FB6] =	sst s10  }
0x38: {  	s10 =	sld [smem:$0x3FB7]  }
0x39: {  	_ = 	snop;
	(pc) =	sbr.ind lr, $3  }
0x3a: {  	_ = 	snop  }
0x3b: {  	_ = 	snop  }
0x3c: {  	p2 =	seq.s32 s10, $0x1;
	s10 =	sld [smem:$0x3FB6]  }
0x3d: {  	_ =	shalt  }
0x3e: {  	_ =	shalt  }
0x3f: {  	_ =	shalt  }
0x40: {  	_ =	shalt  }
0x41: {  	_ =	shalt  }
0x42: {  	_ =	shalt  }
0x43: {  	_ =	shalt  }
0x44: {  	_ =	shalt  }
0x45: {  	_ =	shalt  }
0x46: {  	_ =	shalt  }
0x47: {  	_ =	shalt  }
0x48: {  	_ =	shalt  }
0x49: {  	_ =	shalt  }
0x4a: {  	_ =	shalt  }
0x4b: {  	_ =	shalt  }
0x4c: {  	_ =	shalt  }
0x4d: {  	_ =	shalt  }
0x4e: {  	_ =	shalt  }
0x4f: {  	_ =	shalt  }
0x50: {  	_ =	shalt  }
0x51: {  	_ =	shalt  }
0x52: {  	_ =	shalt  }
0x53: {  	_ =	shalt  }
0x54: {  	_ =	shalt  }
0x55: {  	_ =	shalt  }
0x56: {  	_ =	shalt  }
0x57: {  	_ =	shalt  }
0x58: {  	_ =	shalt  }
0x59: {  	_ =	shalt  }
0x5a: {  	_ =	shalt  }
0x5b: {  	_ =	shalt  }
0x5c: {  	_ =	shalt  }
0x5d: {  	_ =	shalt  }
0x5e: {  	_ =	shalt  }
0x5f: {  	_ =	shalt  }
0x60: {  	_ =	shalt  }
0x61: {  	_ =	shalt  }
0x62: {  	_ =	shalt  }
0x63: {  	_ =	shalt  }
0x64: {  	_ =	shalt  }
0x65: {  	_ =	shalt  }
0x66: {  	_ =	shalt  }
0x67: {  	_ =	shalt  }
0x68: {  	_ =	shalt  }
0x69: {  	_ =	shalt  }
0x6a: {  	_ =	shalt  }
0x6b: {  	_ =	shalt  }
0x6c: {  	_ =	shalt  }
0x6d: {  	_ =	shalt  }
0x6e: {  	_ =	shalt  }
0x6f: {  	_ =	shalt  }
0x70: {  	_ =	shalt  }
0x71: {  	_ =	shalt  }
0x72: {  	_ =	shalt  }
0x73: {  	_ =	shalt  }
0x74: {  	_ =	shalt  }
0x75: {  	_ =	shalt  }
0x76: {  	_ =	shalt  }
0x77: {  	_ =	shalt  }
0x78: {  	_ =	shalt  }
0x79: {  	_ =	shalt  }
0x7a: {  	_ =	shalt  }
0x7b: {  	_ =	shalt  }
0x7c: {  	_ =	shalt  }
0x7d: {  	_ =	shalt  }
0x7e: {  	_ =	shalt  }
0x7f: {  	_ =	shalt  }
0x80: {  	_ =	shalt  }
0x81: {  	_ =	shalt  }
0x82: {  	_ =	shalt  }
0x83: {  	_ =	shalt  }
0x84: {  	_ =	shalt  }
0x85: {  	_ =	shalt  }
0x86: {  	_ =	shalt  }
0x87: {  	_ =	shalt  }
.Lfunc_end0:
.L_simem_size_0:
called_computation_lowered:
.L_overlay_start_0:
0x88: {  	s2 =	sld [smem:$0x3FD9]  }
0x89: {  	s3 =	sld [smem:$0x3FFE];
	_ =	sdelay $0x1  }
0x8a: {  	s1 =	srdreg.scid  }
0x8b: {  	s0 =	sand.u32 $0x1, s1  }
0x8c: {  	s17 =	sshll.u32 s0, $0xA;
	s2 =	sadd.s32 s3, s2  }
0x8d: {  	s2 =	sadd.s32 s2, s17  }
0x8e: {  	[smem:$0x3FC2] =	sst s2  }
0x8f: {  	_ = 	snop  }
0x90: {  	s2 =	sld [smem:$0x3FC4]  }
0x91: {  	s18 =	sld [smem:$0x3FD0];
	(tm) =	ssettm $0x1  }
0x92: {  	s4 =	sld [smem:$0x3FFB];
	_ =	sdelay $0x3  }
0x93: {  	_ =	strace s4  }
0x94: {  	s4 =	sld [smem:$0x3FFC];
	_ =	sdelay $0x3  }
0x95: {  	_ =	strace s4  }
0x96: {  	s4 =	sld [smem:$0x3FFD];
	_ =	sdelay $0x3  }
0x97: {  	_ =	strace s4  }
0x98: {  	_ =	strace $0x8FFFFFFF  }
0x99: {  	s19 =	sld [smem:$0x3FDB];
	_ =	sdelay $0x1  }
0x9a: {  	s5 =	simm.s32 $_scs_section_size  }
0x9b: {  	s6 =	simm.s32 $_size__tile_overlayer_lowered;
	s7 =	simm.s32 $_tile_overlayer_lowered  }
0x9c: {  	s22 =	simm.s32 $0x1BFF;
	s21 =	sshll.u32 s7, $0x1;
	s4 =	sadd.s32 s5, s19  }
0x9d: {  	s8 =	simm.s32 $0x0;
	s20 =	sshll.u32 s6, $0x1;
	s6 =	sadd.s32 s21, s4  }
0x9e: {  	[timem:s8], [sflag:s22] =	dma.local [hbm:s6], s20  }
0x9f: {  	_ =	swait.ge [sflag:s22], s20  }
0xa0: {  	s5 =	ssub.s32 $0x0, s20;
	[sflag:s22] =	ssyncset.done $0x0  }
0xa1: {  	[sflag:s22] =	ssyncadd.s32 s5;
	_ =	sdelay $0x1  }
0xa2: {  	s23 =	simm.s32 $0x1B8B  }
0xa3: {  	_ =	swait.ge [sflag:s23], $0x1  }
0xa4: {  	[sflag:s23] =	ssyncset.done $0x0  }
0xa5: {  	s25 =	simm.s32 $0x1B8E;
	s24 =	sld [smem:$0x3FFE];
	[sflag:s23] =	ssyncadd.s32 $0xFFFFFFFF  }
0xa6: {  	s26 =	simm.s32 $execute0_lowered;
	[smem:$0x3FD2] =	sst s25  }
0xa7: {  	s6 =	sshll.u32 s26, $0x1;
	_ =	strace $0x80000046;
	[dreg:$0x1] =	wrdreg $0xFFFFFFFF  }
0xa8: {  	s28 =	simm.s32 $_size_execute0_lowered;
	s4 =	sadd.s32 s4, s6;
	[dreg:$0x0] =	wrdreg $0x0  }
0xa9: {  	s6 =	sshll.u32 s28, $0x1;
	[dreg:$0x2] =	wrdreg s4  }
0xaa: {  	[dreg:$0x3] =	wrdreg s6  }
0xab: {  	[dreg:$0x4] =	wrdreg $0xC0  }
0xac: {  	_ =	task [dreg:s8], $0x5FFFF  }
0xad: {  	[dreg:$0x1] =	wrdreg $0xFFFFFFFF  }
0xae: {  	[dreg:$0x0] =	wrdreg $0x60  }
0xaf: {  	[dreg:$0x2] =	wrdreg s24  }
0xb0: {  	[dreg:$0x3] =	wrdreg s2  }
0xb1: {  	[dreg:$0x4] =	wrdreg s18  }
0xb2: {  	[dreg:$0x5] =	wrdreg $0x9  }
0xb3: {  	_ =	task.clear_ibuf [dreg:s8], $0x6FFFF;
	_ =	strace $0x90000046  }
0xb4: {  	s29 =	simm.s32 $0x9;
	_ =	strace $0x80000048  }
0xb5: {  	_ =	swait.ge [sflag:s29], $0x1  }
0xb6: {  	[sflag:s29] =	ssyncadd.s32 $0xFFFFFFFF  }
0xb7: {  	_ =	strace $0x90000048  }
0xb8: {  	_ =	sfence  }
0xb9: {  	s30 =	sld [smem:$0x0];
	_ =	sdelay $0x2  }
0xba: {  	s31 =	sshll.u32 s1, $0xD;
	s1 =	sshrl.u32 s1, $0x2  }
0xbb: {  	s3 =	sand.u32 $0x4000, s31;
	s1 =	sadd.s32 s1, s30  }
0xbc: {  	s0 =	sor.u32 s3, s0;
	s1 =	sshll.u32 s1, $0x11  }
0xbd: {  	s0 =	sor.u32 s1, s0  }
0xbe: {  	s0 =	sadd.s32 $0x8F2B, s0  }
0xbf: {  	[sflag:s0] =	ssyncadd.remote.s32 $0x1  }
0xc0: {  	_ =	sfence.sel $0xFFFF  }
0xc1: {  	[dreg:$0x0] =	wrdreg $0xFFFFFFFF;
	(pc) =	sbr.abs _section_cstart, $3  }
0xc2: {  	[dreg:$0x1] =	wrdreg $0xFFFFFFFF  }
0xc3: {  	_ =	task.clear_ibuf [dreg:s8], $0x2FFFF;
	_ =	strace $0x9FFFFFFF  }
0xc4: {  	(tm) =	ssettm $0x7FFFFFFF  }
0xc5: {  	_ =	shalt  }
tec
execute0_lowered:
.L_overlay_start_1:
0x0: {  	(tag) =	ssettag $0x1  }
0x1: {  	s0 =	rddreg [dreg:$0x0]  }
0x2: {  	s1 =	rddreg [dreg:$0x2]  }
0x3: {  	s2 =	srdreg.scid;
	s4 =	stileid.u32  }
0x4: {  	s3 =	simm.s32 $0x0;
	s13 =	simm.s32 $0x9;
	s16 =	simm.s32 $0x1  }
0x5: {  	s17 =	simm.s32 $0x2;
	s18 =	simm.s32 $0x3;
	s19 =	simm.s32 $0x80  }
0x6: {  	s12 =	simm.s32 $0x5;
	s14 =	simm.s32 $0x6;
	s15 =	simm.s32 $0x7  }
0x7: {  	s20 =	simm.s32 $0x8;
	s21 =	simm.s32 $0x14000;
	s22 =	simm.s32 $0x14800  }
0x8: {  	s23 =	simm.s32 $0x15000;
	s24 =	simm.s32 $0x0;
	s2 =	sand.u32 $0x1, s2  }
0x9: {  	s4 =	sshll.u32 s4, $0x6;
	[smem:$0x7FF] =	sst s3;
	s5 =	sshll.u32 s2, $0x5  }
0xa: {  	_ =	strace $0x80000047;
	s2 =	ssub.s32 $0x2, s2;
	s6 =	sor.u32 s5, s4  }
0xb: {  	s30 =	sshrl.u32 s2, $0x1;
	s4 =	sshll.u32 s6, $0x6;
	s31 =	sshll.u32 s6, $0x3  }
0xc: {  	s7 =	sadd.s32 s4, s0;
	s4 =	sadd.s32 $0x31000, s0;
	s0 =	ssub.s32 s2, s30  }
0xd: {  	s8 =	sadd.s32 s1, s31;
	s1 =	simm.s32 $0x13000;
	s2 =	simm.s32 $0x4  }
0xe: {  	s5 =	sadd.s32 $0x1000, s7;
	s6 =	sadd.s32 $0x11000, s7;
	s7 =	sadd.s32 $0x21000, s7  }
0xf: {  	s9 =	sadd.s32 $0x2000, s8;
	s10 =	sadd.s32 $0x4000, s8;
	s11 =	smax.u32 s0, $0x1  }
.LBB2_1:
0x10: {  	s0 =	rddreg [dreg:$0x1];
	s25 =	simm.s32 $0x15800  }
0x11: {  	[tilespmem:s25], [sflag:$0x9] =	stream.linear.gather [hbm4b:s0+s3], $0x40, $0x38;
	[tilespmem:$0x15840] =	vst v63  }
0x12: {  	_ =	swait.ge [sflag:s13], $0x40  }
0x13: {  	[sflag:s13] =	ssyncset.done $0x0  }
0x14: {  	[sflag:s13] =	ssyncadd.s32 $0xFFFFFFC0  }
0x15: {  	[tilespmem:s3], [sflag:$0x1] =	stream.linear.gather [hbm4b:s5+s3], $0x4000, $0x38;
	[tilespmem:$0x15840] =	vst v63  }
0x16: {  	s30 =	simm.s32 $0x4000  }
0x17: {  	[tilespmem:s30], [sflag:$0x2] =	stream.linear.gather [hbm4b:s6+s3], $0x4000, $0x38;
	[tilespmem:$0x15840] =	vst v63  }
0x18: {  	s31 =	simm.s32 $0x8000  }
0x19: {  	[tilespmem:s31], [sflag:$0x3] =	stream.linear.gather [hbm4b:s7+s3], $0x4000, $0x38;
	[tilespmem:$0x15840] =	vst v63  }
0x1a: {  	_ =	swait.ge [sflag:s16], $0x4000  }
0x1b: {  	[sflag:s16] =	ssyncset.done $0x0  }
0x1c: {  	[sflag:s16] =	ssyncadd.s32 $0xFFFFC000  }
0x1d: {  	_ =	swait.ge [sflag:s17], $0x4000  }
0x1e: {  	[sflag:s17] =	ssyncset.done $0x0  }
0x1f: {  	[sflag:s17] =	ssyncadd.s32 $0xFFFFC000  }
0x20: {  	_ =	swait.ge [sflag:s18], $0x4000  }
0x21: {  	[sflag:s18] =	ssyncset.done $0x0  }
0x22: {  	s25 =	simm.s32 $0xC000;
	[sflag:s18] =	ssyncadd.s32 $0xFFFFC000  }
0x23: {  	[tilespmem:s25], [sflag:$0x1] =	stream.indirect.gather [hbm4b:s4+s19], $0x20, s3, s19, $0xb8;
	[tilespmem:$0x15840] =	vst v63  }
0x24: {  	s26 =	simm.s32 $0xD000  }
0x25: {  	[tilespmem:s26], [sflag:$0x2] =	stream.indirect.gather [hbm4b:s4+s19], $0x20, s19, s19, $0xb8;
	[tilespmem:$0x15840] =	vst v63  }
0x26: {  	s28 =	simm.s32 $0x100;
	s29 =	simm.s32 $0xE000  }
0x27: {  	[tilespmem:s29], [sflag:$0x3] =	stream.indirect.gather [hbm4b:s4+s19], $0x20, s28, s19, $0xb8;
	[tilespmem:$0x15840] =	vst v63  }
0x28: {  	s30 =	simm.s32 $0x180;
	s31 =	simm.s32 $0xF000  }
0x29: {  	[tilespmem:s31], [sflag:$0x4] =	stream.indirect.gather [hbm4b:s4+s19], $0x20, s30, s19, $0xb8;
	[tilespmem:$0x15840] =	vst v63  }
0x2a: {  	s25 =	simm.s32 $0x200;
	s26 =	simm.s32 $0x10000  }
0x2b: {  	[tilespmem:s26], [sflag:$0x5] =	stream.indirect.gather [hbm4b:s4+s19], $0x20, s25, s19, $0xb8;
	[tilespmem:$0x15840] =	vst v63  }
0x2c: {  	s28 =	simm.s32 $0x280;
	s29 =	simm.s32 $0x11000  }
0x2d: {  	[tilespmem:s29], [sflag:$0x6] =	stream.indirect.gather [hbm4b:s4+s19], $0x20, s28, s19, $0xb8;
	[tilespmem:$0x15840] =	vst v63  }
0x2e: {  	s30 =	simm.s32 $0x300;
	s31 =	simm.s32 $0x12000;
	s25 =	simm.s32 $0x0  }
0x2f: {  	[tilespmem:s31], [sflag:$0x7] =	stream.indirect.gather [hbm4b:s4+s19], $0x20, s30, s19, $0xb8;
	[tilespmem:$0x15840] =	vst v63  }
.LBB2_2:
0x30: {  	s26 =	sshllo.u32 s25, $0x1  }
0x31: {  	_ =	swait.ge [sflag:s16], $0x1000;
	s0 =	sshll.u32 s26, $0x9  }
0x32: {  	[sflag:s16] =	ssyncset.done $0x0;
	s0 =	sand.u32 $0x3FFFFE00, s0  }
0x33: {  	s29 =	simm.s32 $0xC100;
	[sflag:s16] =	ssyncadd.s32 $0xFFFFF000;
	s0 =	sor.u32 $0x180, s0  }
0x34: {  	[tilespmem:s1], [sflag:$0x8] =	stream.indirect.gather [hbm4b:s4+s19], $0x20, s0, s19, $0xb8;
	[tilespmem:$0x15840] =	vst v63  }
0x35: {  	v1 =	vld [tilespmem:s29+$0xE0]  }
0x36: {  	v3 =	vld [tilespmem:s29+$0xC0]  }
0x37: {  	v5 =	vld [tilespmem:s29+$0xA0]  }
0x38: {  	v7 =	vld [tilespmem:s29+$0x80]  }
0x39: {  	v9 =	vld [tilespmem:s29+$0x60]  }
0x3a: {  	v11 =	vld [tilespmem:s29+$0x40]  }
0x3b: {  	v13 =	vld [tilespmem:s29+$0x20]  }
0x3c: {  	v14 =	vld [tilespmem:s29+$0x0]  }
0x3d: {  	v16 =	vld [tilespmem:s29+$0xFFFFFFC0]  }
0x3e: {  	v18 =	vld [tilespmem:s29+$0xFFFFFFA0]  }
0x3f: {  	v17 =	vimm.f32 $0.0e+00;
	v19 =	vld [tilespmem:s29+$0xFFFFFF80]  }
0x40: {  	v20 =	vld [tilespmem:s29+$0xFFFFFF60];
	v2 =	vshll.u32 v3, $0x10;
	v0 =	vshll.u32 v1, $0x10;
	v1 =	vand.u32 $0xFFFF0000, v1  }
0x41: {  	v21 =	vld [tilespmem:s29+$0xFFFFFF40];
	v4 =	vshll.u32 v5, $0x10;
	v5 =	vand.u32 $0xFFFF0000, v5;
	v3 =	vand.u32 $0xFFFF0000, v3  }
0x42: {  	v22 =	vld [tilespmem:s29+$0xFFFFFF20];
	v8 =	vshll.u32 v9, $0x10;
	v6 =	vshll.u32 v7, $0x10;
	v7 =	vand.u32 $0xFFFF0000, v7  }
0x43: {  	v23 =	vld [tilespmem:s29+$0xFFFFFF00];
	v10 =	vshll.u32 v11, $0x10;
	v11 =	vand.u32 $0xFFFF0000, v11;
	v9 =	vand.u32 $0xFFFF0000, v9  }
0x44: {  	v25 =	vld [tilespmem:s29+$0xFFFFFF10];
	v24 =	vshll.u32 v14, $0x10;
	v12 =	vshll.u32 v13, $0x10;
	v27 =	vand.u32 $0xFFFF0000, v14  }
0x45: {  	v14 =	vshll.u32 v18, $0x10;
	v28 =	vshll.u32 v16, $0x10;
	v16 =	vand.u32 $0xFFFF0000, v16  }
0x46: {  	v29 =	vld [tilespmem:s29+$0xFFFFFF30];
	v30 =	vshll.u32 v19, $0x10;
	v19 =	vand.u32 $0xFFFF0000, v19;
	v18 =	vand.u32 $0xFFFF0000, v18  }
0x47: {  	v31 =	vshll.u32 v21, $0x10;
	v32 =	vshll.u32 v20, $0x10;
	v20 =	vand.u32 $0xFFFF0000, v20  }
0x48: {  	v34 =	vld [tilespmem:s29+$0xFFFFFF50];
	v33 =	vshll.u32 v22, $0x10;
	v22 =	vand.u32 $0xFFFF0000, v22;
	v21 =	vand.u32 $0xFFFF0000, v21  }
0x49: {  	v35 =	vshll.u32 v23, $0x10;
	v23 =	vand.u32 $0xFFFF0000, v23;
	v36 =	vshll.u32 v25, $0x10  }
0x4a: {  	v37 =	vld [tilespmem:s29+$0xFFFFFF70];
	v25 =	vand.u32 $0xFFFF0000, v25;
	v35 =	vadd.f32 v35, v17;
	v23 =	vadd.f32 v23, v17  }
0x4b: {  	v58 =	vshll.u32 v29, $0x10;
	v36 =	vadd.f32 v36, v17;
	v17 =	vadd.f32 v25, v17  }
0x4c: {  	v59 =	vld [tilespmem:s29+$0xFFFFFF90];
	v33 =	vadd.f32 v33, v35;
	v22 =	vadd.f32 v22, v23;
	v23 =	vand.u32 $0xFFFF0000, v29  }
0x4d: {  	v25 =	vadd.f32 v58, v36;
	v17 =	vadd.f32 v23, v17;
	v23 =	vshll.u32 v34, $0x10  }
0x4e: {  	v60 =	vld [tilespmem:s29+$0xFFFFFFB0];
	v31 =	vadd.f32 v31, v33;
	v21 =	vadd.f32 v21, v22;
	v22 =	vand.u32 $0xFFFF0000, v34  }
0x4f: {  	v23 =	vadd.f32 v23, v25;
	v17 =	vadd.f32 v22, v17;
	v22 =	vshll.u32 v37, $0x10  }
0x50: {  	v62 =	vld [tilespmem:s29+$0xFFFFFFD0];
	v61 =	vadd.f32 v32, v31;
	v20 =	vadd.f32 v20, v21;
	v21 =	vand.u32 $0xFFFF0000, v37  }
0x51: {  	v22 =	vadd.f32 v22, v23;
	v17 =	vadd.f32 v21, v17;
	v21 =	vshll.u32 v59, $0x10  }
0x52: {  	v15 =	vld [tilespmem:s29+$0xFFFFFFE0];
	v23 =	vadd.f32 v30, v61;
	v19 =	vadd.f32 v19, v20;
	v20 =	vand.u32 $0xFFFF0000, v59  }
0x53: {  	v63 =	vld [tilespmem:s29+$0xFFFFFFF0];
	v21 =	vadd.f32 v21, v22;
	v17 =	vadd.f32 v20, v17;
	v20 =	vshll.u32 v60, $0x10  }
0x54: {  	v14 =	vadd.f32 v14, v23;
	v18 =	vadd.f32 v18, v19;
	v19 =	vand.u32 $0xFFFF0000, v60  }
0x55: {  	v22 =	vld [tilespmem:s29+$0x10];
	v20 =	vadd.f32 v20, v21;
	v17 =	vadd.f32 v19, v17;
	v19 =	vshll.u32 v62, $0x10  }
0x56: {  	v14 =	vadd.f32 v28, v14;
	v18 =	vadd.f32 v16, v18;
	v16 =	vand.u32 $0xFFFF0000, v62  }
0x57: {  	v13 =	vand.u32 $0xFFFF0000, v13;
	v19 =	vadd.f32 v19, v20;
	v20 =	vadd.f32 v16, v17;
	v16 =	vld [tilespmem:s29+$0x30]  }
0x58: {  	v26 =	vshll.u32 v15, $0x10;
	v15 =	vand.u32 $0xFFFF0000, v15;
	v17 =	vshll.u32 v63, $0x10  }
0x59: {  	v23 =	vadd.f32 v26, v14;
	v15 =	vadd.f32 v15, v18;
	v18 =	vand.u32 $0xFFFF0000, v63;
	v14 =	vld [tilespmem:s29+$0x50]  }
0x5a: {  	v21 =	vshll.u32 v22, $0x10;
	v17 =	vadd.f32 v17, v19;
	v18 =	vadd.f32 v18, v20  }
0x5b: {  	s28 =	sshll.u32 s25, $0x1;
	s30 =	simm.s32 $0x0;
	s31 =	simm.s32 $0xC300;
	v22 =	vand.u32 $0xFFFF0000, v22;
	v19 =	vadd.f32 v24, v23;
	v20 =	vadd.f32 v27, v15;
	v15 =	vld [tilespmem:s29+$0x70]  }
.LBB2_3:
0x5c: {  	v23 =	vld [tilespmem:s31+$0xE0];
	v17 =	vadd.f32 v21, v17;
	v18 =	vadd.f32 v22, v18;
	v21 =	vshll.u32 v16, $0x10  }
0x5d: {  	v16 =	vand.u32 $0xFFFF0000, v16;
	v12 =	vadd.f32 v12, v19;
	v13 =	vadd.f32 v13, v20;
	v19 =	vld [tilespmem:s29+$0x90]  }
0x5e: {  	v17 =	vadd.f32 v21, v17;
	v16 =	vadd.f32 v16, v18;
	v18 =	vshll.u32 v14, $0x10;
	v20 =	vld [tilespmem:s29+$0xF0]  }
0x5f: {  	v10 =	vadd.f32 v10, v12;
	v11 =	vadd.f32 v11, v13;
	v12 =	vand.u32 $0xFFFF0000, v14;
	v13 =	vld [tilespmem:s29+$0xB0]  }
0x60: {  	v14 =	vld [tilespmem:s31+$0xC0];
	v17 =	vadd.f32 v18, v17;
	v12 =	vadd.f32 v12, v16;
	v16 =	vshll.u32 v15, $0x10  }
0x61: {  	v8 =	vadd.f32 v8, v10;
	v9 =	vadd.f32 v9, v11;
	v10 =	vand.u32 $0xFFFF0000, v15;
	v11 =	vld [tilespmem:s29+$0xD0];
	s29 =	smov.u32 s31  }
0x62: {  	v15 =	vld [tilespmem:s31+$0xA0];
	v16 =	vadd.f32 v16, v17;
	v10 =	vadd.f32 v10, v12;
	v12 =	vshll.u32 v19, $0x10  }
0x63: {  	v17 =	vld [tilespmem:s31+$0x80];
	v6 =	vadd.f32 v6, v8;
	v7 =	vadd.f32 v7, v9;
	v8 =	vand.u32 $0xFFFF0000, v19  }
0x64: {  	v9 =	vld [tilespmem:s31+$0x60];
	v12 =	vadd.f32 v12, v16;
	v8 =	vadd.f32 v8, v10;
	v10 =	vshll.u32 v13, $0x10  }
0x65: {  	v16 =	vld [tilespmem:s31+$0x40];
	v4 =	vadd.f32 v4, v6;
	v5 =	vadd.f32 v5, v7;
	v6 =	vand.u32 $0xFFFF0000, v13  }
0x66: {  	v13 =	vld [tilespmem:s31+$0x20];
	v7 =	vadd.f32 v10, v12;
	v6 =	vadd.f32 v6, v8;
	v8 =	vshll.u32 v11, $0x10  }
0x67: {  	v18 =	vld [tilespmem:s31+$0x0];
	v2 =	vadd.f32 v2, v4;
	v3 =	vadd.f32 v3, v5;
	v4 =	vand.u32 $0xFFFF0000, v11  }
0x68: {  	v19 =	vld [tilespmem:s31+$0xFFFFFFE0];
	v5 =	vadd.f32 v8, v7;
	v4 =	vadd.f32 v4, v6;
	v6 =	vshll.u32 v20, $0x10  }
0x69: {  	v21 =	vld [tilespmem:s31+$0xFFFFFFC0];
	v22 =	vadd.f32 v0, v2;
	v24 =	vadd.f32 v1, v3;
	v0 =	vand.u32 $0xFFFF0000, v20  }
0x6a: {  	v20 =	vld [tilespmem:s31+$0xFFFFFFA0];
	v25 =	vadd.f32 v6, v5;
	v26 =	vadd.f32 v0, v4  }
0x6b: {  	v2 =	vshll.u32 v14, $0x10;
	v1 =	vand.u32 $0xFFFF0000, v23;
	v0 =	vshll.u32 v23, $0x10;
	v27 =	vld [tilespmem:s31+$0xFFFFFF80]  }
0x6c: {  	v3 =	vand.u32 $0xFFFF0000, v14;
	v4 =	vshll.u32 v15, $0x10;
	v5 =	vand.u32 $0xFFFF0000, v15;
	v23 =	vld [tilespmem:s31+$0xFFFFFF60]  }
0x6d: {  	v7 =	vand.u32 $0xFFFF0000, v17;
	v8 =	vshll.u32 v9, $0x10;
	v6 =	vshll.u32 v17, $0x10;
	v14 =	vld [tilespmem:s31+$0xFFFFFF40]  }
0x6e: {  	v9 =	vand.u32 $0xFFFF0000, v9;
	v10 =	vshll.u32 v16, $0x10;
	v11 =	vand.u32 $0xFFFF0000, v16;
	v15 =	vld [tilespmem:s31+$0xFFFFFF20]  }
0x6f: {  	v12 =	vshll.u32 v13, $0x10;
	v13 =	vand.u32 $0xFFFF0000, v13;
	v28 =	vshll.u32 v18, $0x10;
	v16 =	vld [tilespmem:s31+$0xFFFFFF00]  }
0x70: {  	v30 =	vand.u32 $0xFFFF0000, v18;
	v29 =	vshll.u32 v19, $0x10;
	v19 =	vand.u32 $0xFFFF0000, v19;
	v17 =	vld [tilespmem:s31+$0xFFFFFF10]  }
0x71: {  	s30 =	sadd.s32 $0x10, s30;
	v31 =	vshll.u32 v21, $0x10;
	v21 =	vand.u32 $0xFFFF0000, v21;
	v18 =	vshll.u32 v20, $0x10  }
0x72: {  	p0 =	slt.u32 s30, $0x70;
	v20 =	vand.u32 $0xFFFF0000, v20;
	v33 =	vshll.u32 v27, $0x10;
	v27 =	vand.u32 $0xFFFF0000, v27;
	v32 =	vld [tilespmem:s31+$0xFFFFFF30]  }
0x73: {  	v35 =	vshll.u32 v23, $0x10;
	v23 =	vand.u32 $0xFFFF0000, v23;
	v34 =	vshll.u32 v14, $0x10  }
0x74: {  	v14 =	vand.u32 $0xFFFF0000, v14;
	v36 =	vshll.u32 v15, $0x10;
	v15 =	vand.u32 $0xFFFF0000, v15;
	v37 =	vld [tilespmem:s31+$0xFFFFFF50]  }
0x75: {  	v38 =	vshll.u32 v16, $0x10;
	v16 =	vand.u32 $0xFFFF0000, v16;
	v39 =	vshll.u32 v17, $0x10  }
0x76: {  	v22 =	vadd.f32 v38, v22;
	v16 =	vadd.f32 v16, v24;
	v17 =	vand.u32 $0xFFFF0000, v17;
	v24 =	vld [tilespmem:s31+$0xFFFFFF70]  }
0x77: {  	v25 =	vadd.f32 v39, v25;
	v17 =	vadd.f32 v17, v26;
	v26 =	vshll.u32 v32, $0x10  }
0x78: {  	v22 =	vadd.f32 v36, v22;
	v15 =	vadd.f32 v15, v16;
	v16 =	vand.u32 $0xFFFF0000, v32;
	v32 =	vld [tilespmem:s31+$0xFFFFFF90]  }
0x79: {  	v25 =	vadd.f32 v26, v25;
	v16 =	vadd.f32 v16, v17;
	v17 =	vshll.u32 v37, $0x10  }
0x7a: {  	v22 =	vadd.f32 v34, v22;
	v14 =	vadd.f32 v14, v15;
	v15 =	vand.u32 $0xFFFF0000, v37;
	v26 =	vld [tilespmem:s31+$0xFFFFFFB0]  }
0x7b: {  	v17 =	vadd.f32 v17, v25;
	v15 =	vadd.f32 v15, v16;
	v16 =	vshll.u32 v24, $0x10  }
0x7c: {  	v22 =	vadd.f32 v35, v22;
	v14 =	vadd.f32 v23, v14;
	v23 =	vand.u32 $0xFFFF0000, v24;
	v24 =	vld [tilespmem:s31+$0xFFFFFFD0]  }
0x7d: {  	v16 =	vadd.f32 v16, v17;
	v15 =	vadd.f32 v23, v15;
	v17 =	vshll.u32 v32, $0x10  }
0x7e: {  	v22 =	vadd.f32 v33, v22;
	v14 =	vadd.f32 v27, v14;
	v23 =	vand.u32 $0xFFFF0000, v32;
	v25 =	vld [tilespmem:s31+$0xFFFFFFF0]  }
0x7f: {  	v16 =	vadd.f32 v17, v16;
	v15 =	vadd.f32 v23, v15;
	v17 =	vshll.u32 v26, $0x10  }
0x80: {  	v18 =	vadd.f32 v18, v22;
	v14 =	vadd.f32 v20, v14;
	v20 =	vand.u32 $0xFFFF0000, v26;
	v22 =	vld [tilespmem:s31+$0x10]  }
0x81: {  	v17 =	vadd.f32 v17, v16;
	v15 =	vadd.f32 v20, v15;
	v20 =	vshll.u32 v24, $0x10  }
.Ltmp0:
0x82: {  	v18 =	vadd.f32 v31, v18;
	v14 =	vadd.f32 v21, v14;
	v21 =	vand.u32 $0xFFFF0000, v24;
	v16 =	vld [tilespmem:s31+$0x30];
	(pc) =	sbr.rel @p0 .LBB2_3-.Ltmp0, $4  }
0x83: {  	v17 =	vadd.f32 v20, v17;
	v15 =	vadd.f32 v21, v15;
	v20 =	vshll.u32 v25, $0x10  }
0x84: {  	v23 =	vadd.f32 v29, v18;
	v24 =	vadd.f32 v19, v14;
	v18 =	vand.u32 $0xFFFF0000, v25;
	v14 =	vld [tilespmem:s31+$0x50]  }
0x85: {  	v17 =	vadd.f32 v20, v17;
	v18 =	vadd.f32 v18, v15;
	v21 =	vshll.u32 v22, $0x10  }
0x86: {  	s31 =	sadd.s32 $0x200, s31;
	v19 =	vadd.f32 v28, v23;
	v20 =	vadd.f32 v30, v24;
	v22 =	vand.u32 $0xFFFF0000, v22;
	v15 =	vld [tilespmem:s29+$0x70]  }
0x87: {  	v23 =	vld [tilespmem:s29+$0x90]  }
0x88: {  	v24 =	vld [tilespmem:s29+$0xF0]  }
0x89: {  	v25 =	vld [tilespmem:s29+$0xB0]  }
0x8a: {  	v26 =	vld [tilespmem:s29+$0xD0];
	_ =	swait.ge [sflag:s17], $0x1000;
	s0 =	sadd.s32 $0x2, s28;
	p0 =	seq.s32 s25, $0x2F  }
0x8b: {  	v17 =	vadd.f32 v21, v17;
	[sflag:s17] =	ssyncset.done $0x0;
	s0 =	sshll.u32 @!p0 s0, $0x9;
	s30 =	simm.s32 @!p0 $0xC000  }
0x8c: {  	v18 =	vadd.f32 v22, v18;
	v21 =	vshll.u32 v16, $0x10;
	v12 =	vadd.f32 v12, v19;
	[sflag:s17] =	ssyncadd.s32 $0xFFFFF000;
	s29 =	sand.u32 @!p0 $0x3FFFFE00, s0;
	s0 =	simm.s32 @!p0 $0x80  }
0x8d: {  	v16 =	vand.u32 $0xFFFF0000, v16;
	v13 =	vadd.f32 v13, v20;
	v17 =	vadd.f32 v21, v17;
	[tilespmem:s30], [sflag:$0x1] =	stream.indirect.gather @!p0 [hbm4b:s4+s0], $0x20, s29, s0, $0xb8;
	[tilespmem:$0x15840] =	vst v63  }
0x8e: {  	v16 =	vadd.f32 v16, v18;
	v18 =	vshll.u32 v14, $0x10;
	v10 =	vadd.f32 v10, v12;
	s30 =	simm.s32 $0xD100  }
0x8f: {  	v11 =	vadd.f32 v11, v13;
	v12 =	vand.u32 $0xFFFF0000, v14;
	v13 =	vadd.f32 v18, v17;
	v18 =	vld [tilespmem:s30+$0x0]  }
0x90: {  	v12 =	vadd.f32 v12, v16;
	v14 =	vshll.u32 v15, $0x10;
	v19 =	vld [tilespmem:s30+$0xFFFFFFE0]  }
0x91: {  	v22 =	vld [tilespmem:s30+$0xFFFFFFC0];
	v8 =	vadd.f32 v8, v10;
	v9 =	vadd.f32 v9, v11;
	v10 =	vand.u32 $0xFFFF0000, v15  }
0x92: {  	v56 =	vld [tilespmem:s30+$0xFFFFFFA0];
	v13 =	vadd.f32 v14, v13;
	v10 =	vadd.f32 v10, v12;
	v12 =	vshll.u32 v23, $0x10  }
0x93: {  	v17 =	vld [tilespmem:s30+$0x20];
	v6 =	vadd.f32 v6, v8;
	v7 =	vadd.f32 v7, v9;
	v8 =	vand.u32 $0xFFFF0000, v23  }
0x94: {  	v15 =	vld [tilespmem:s30+$0x40];
	v12 =	vadd.f32 v12, v13;
	v8 =	vadd.f32 v8, v10  }
0x95: {  	v16 =	vld [tilespmem:s30+$0xE0];
	v10 =	vshll.u32 v25, $0x10;
	v4 =	vadd.f32 v4, v6;
	v5 =	vadd.f32 v5, v7  }
0x96: {  	v57 =	vld [tilespmem:s30+$0xFFFFFF80];
	v6 =	vand.u32 $0xFFFF0000, v25;
	v28 =	vshll.u32 v18, $0x10;
	v29 =	vshll.u32 v19, $0x10  }
0x97: {  	v9 =	vld [tilespmem:s30+$0x80];
	v30 =	vand.u32 $0xFFFF0000, v18;
	v18 =	vshll.u32 v56, $0x10;
	v31 =	vshll.u32 v22, $0x10  }
0x98: {  	v11 =	vld [tilespmem:s30+$0xC0];
	v22 =	vand.u32 $0xFFFF0000, v22;
	v7 =	vadd.f32 v10, v12;
	v6 =	vadd.f32 v6, v8  }
0x99: {  	v13 =	vld [tilespmem:s30+$0x60];
	v8 =	vshll.u32 v26, $0x10;
	v10 =	vshll.u32 v15, $0x10;
	v12 =	vshll.u32 v17, $0x10  }
0x9a: {  	v14 =	vld [tilespmem:s30+$0xA0];
	v2 =	vadd.f32 v2, v4;
	v3 =	vadd.f32 v3, v5;
	v4 =	vand.u32 $0xFFFF0000, v26  }
0x9b: {  	v27 =	vld [tilespmem:s30+$0xFFFFFF20];
	v5 =	vadd.f32 v8, v7;
	v4 =	vadd.f32 v4, v6;
	v6 =	vshll.u32 v24, $0x10  }
0x9c: {  	v32 =	vld [tilespmem:s30+$0xFFFFFF30];
	v7 =	vand.u32 $0xFFFF0000, v9;
	v20 =	vadd.f32 v0, v2;
	v21 =	vadd.f32 v1, v3  }
0x9d: {  	v37 =	vld [tilespmem:s30+$0xFFFFFF50];
	v0 =	vand.u32 $0xFFFF0000, v24;
	v2 =	vshll.u32 v11, $0x10;
	v3 =	vand.u32 $0xFFFF0000, v11  }
0x9e: {  	v8 =	vshll.u32 v13, $0x10;
	v11 =	vand.u32 $0xFFFF0000, v15;
	v15 =	vld [tilespmem:s30+$0xFFFFFF00];
	v23 =	vadd.f32 v6, v5  }
0x9f: {  	v24 =	vadd.f32 v0, v4;
	v4 =	vshll.u32 v14, $0x10;
	v5 =	vand.u32 $0xFFFF0000, v14;
	v14 =	vld [tilespmem:s30+$0xFFFFFF40]  }
0xa0: {  	v6 =	vshll.u32 v9, $0x10;
	v9 =	vand.u32 $0xFFFF0000, v13;
	v13 =	vand.u32 $0xFFFF0000, v17;
	v17 =	vld [tilespmem:s30+$0xFFFFFF10]  }
0xa1: {  	v33 =	vshll.u32 v57, $0x10;
	v25 =	vand.u32 $0xFFFF0000, v56;
	v36 =	vshll.u32 v27, $0x10  }
0xa2: {  	v27 =	vand.u32 $0xFFFF0000, v27;
	v1 =	vand.u32 $0xFFFF0000, v16;
	v0 =	vshll.u32 v16, $0x10;
	v16 =	vld [tilespmem:s30+$0xFFFFFF60]  }
0xa3: {  	v58 =	vshll.u32 v32, $0x10;
	v59 =	vand.u32 $0xFFFF0000, v32;
	v61 =	vshll.u32 v37, $0x10  }
0xa4: {  	v26 =	vand.u32 $0xFFFF0000, v57;
	v38 =	vshll.u32 v15, $0x10;
	v15 =	vand.u32 $0xFFFF0000, v15  }
0xa5: {  	v34 =	vshll.u32 v14, $0x10;
	v39 =	vshll.u32 v17, $0x10;
	v20 =	vadd.f32 v38, v20  }
0xa6: {  	v15 =	vadd.f32 v15, v21;
	v17 =	vand.u32 $0xFFFF0000, v17;
	v21 =	vld [tilespmem:s30+$0xFFFFFF70];
	v23 =	vadd.f32 v39, v23  }
0xa7: {  	v35 =	vshll.u32 v16, $0x10;
	v17 =	vadd.f32 v17, v24;
	v20 =	vadd.f32 v36, v20  }
0xa8: {  	v60 =	vld [tilespmem:s30+$0xFFFFFF90];
	v16 =	vand.u32 $0xFFFF0000, v16;
	v15 =	vadd.f32 v27, v15;
	v23 =	vadd.f32 v58, v23  }
0xa9: {  	v14 =	vand.u32 $0xFFFF0000, v14;
	v17 =	vadd.f32 v59, v17;
	v20 =	vadd.f32 v34, v20  }
0xaa: {  	v62 =	vld [tilespmem:s30+$0xFFFFFFB0];
	v14 =	vadd.f32 v14, v15;
	v15 =	vand.u32 $0xFFFF0000, v37;
	v23 =	vadd.f32 v61, v23  }
0xab: {  	v15 =	vadd.f32 v15, v17;
	v17 =	vshll.u32 v21, $0x10;
	v20 =	vadd.f32 v35, v20  }
0xac: {  	v14 =	vadd.f32 v16, v14;
	v16 =	vand.u32 $0xFFFF0000, v21;
	v21 =	vld [tilespmem:s30+$0xFFFFFFD0];
	v17 =	vadd.f32 v17, v23  }
0xad: {  	v15 =	vadd.f32 v16, v15;
	v16 =	vshll.u32 v60, $0x10;
	v20 =	vadd.f32 v33, v20  }
0xae: {  	v63 =	vld [tilespmem:s30+$0xFFFFFFF0];
	v23 =	vand.u32 $0xFFFF0000, v60;
	v14 =	vadd.f32 v26, v14;
	v16 =	vadd.f32 v16, v17  }
0xaf: {  	v15 =	vadd.f32 v23, v15;
	v17 =	vshll.u32 v62, $0x10;
	v18 =	vadd.f32 v18, v20  }
0xb0: {  	v23 =	vld [tilespmem:s30+$0x10];
	v14 =	vadd.f32 v25, v14;
	v20 =	vand.u32 $0xFFFF0000, v62;
	v16 =	vadd.f32 v17, v16  }
0xb1: {  	v15 =	vadd.f32 v20, v15;
	v17 =	vshll.u32 v21, $0x10;
	v18 =	vadd.f32 v31, v18  }
0xb2: {  	v20 =	vand.u32 $0xFFFF0000, v21;
	v14 =	vadd.f32 v22, v14;
	v17 =	vadd.f32 v17, v16;
	v16 =	vld [tilespmem:s30+$0x30]  }
0xb3: {  	v19 =	vand.u32 $0xFFFF0000, v19;
	v21 =	vshll.u32 v63, $0x10;
	v20 =	vadd.f32 v20, v15  }
0xb4: {  	v15 =	vld [tilespmem:s30+$0x50];
	v22 =	vadd.f32 v29, v18;
	v14 =	vadd.f32 v19, v14;
	v18 =	vand.u32 $0xFFFF0000, v63  }
0xb5: {  	v17 =	vadd.f32 v21, v17;
	v18 =	vadd.f32 v18, v20;
	v21 =	vshll.u32 v23, $0x10  }
0xb6: {  	s31 =	simm.s32 $0x0;
	s0 =	simm.s32 $0xD300;
	v19 =	vadd.f32 v28, v22;
	v20 =	vadd.f32 v30, v14;
	v22 =	vand.u32 $0xFFFF0000, v23;
	v14 =	vld [tilespmem:s30+$0x70]  }
.LBB2_5:
0xb7: {  	v23 =	vld [tilespmem:s0+$0xE0];
	v17 =	vadd.f32 v21, v17;
	v18 =	vadd.f32 v22, v18;
	v21 =	vshll.u32 v16, $0x10  }
0xb8: {  	v16 =	vand.u32 $0xFFFF0000, v16;
	v12 =	vadd.f32 v12, v19;
	v13 =	vadd.f32 v13, v20;
	v19 =	vld [tilespmem:s30+$0x90]  }
0xb9: {  	v17 =	vadd.f32 v21, v17;
	v16 =	vadd.f32 v16, v18;
	v18 =	vshll.u32 v15, $0x10;
	v20 =	vld [tilespmem:s30+$0xF0]  }
0xba: {  	v10 =	vadd.f32 v10, v12;
	v11 =	vadd.f32 v11, v13;
	v12 =	vand.u32 $0xFFFF0000, v15;
	v13 =	vld [tilespmem:s30+$0xB0]  }
0xbb: {  	v15 =	vld [tilespmem:s0+$0xC0];
	v17 =	vadd.f32 v18, v17;
	v12 =	vadd.f32 v12, v16;
	v16 =	vshll.u32 v14, $0x10  }
0xbc: {  	v8 =	vadd.f32 v8, v10;
	v9 =	vadd.f32 v9, v11;
	v10 =	vand.u32 $0xFFFF0000, v14;
	v11 =	vld [tilespmem:s30+$0xD0];
	s30 =	smov.u32 s0  }
0xbd: {  	v14 =	vld [tilespmem:s0+$0xA0];
	v16 =	vadd.f32 v16, v17;
	v10 =	vadd.f32 v10, v12;
	v12 =	vshll.u32 v19, $0x10  }
0xbe: {  	v17 =	vld [tilespmem:s0+$0x80];
	v6 =	vadd.f32 v6, v8;
	v7 =	vadd.f32 v7, v9;
	v8 =	vand.u32 $0xFFFF0000, v19  }
0xbf: {  	v9 =	vld [tilespmem:s0+$0x60];
	v12 =	vadd.f32 v12, v16;
	v8 =	vadd.f32 v8, v10;
	v10 =	vshll.u32 v13, $0x10  }
0xc0: {  	v16 =	vld [tilespmem:s0+$0x40];
	v4 =	vadd.f32 v4, v6;
	v5 =	vadd.f32 v5, v7;
	v6 =	vand.u32 $0xFFFF0000, v13  }
0xc1: {  	v13 =	vld [tilespmem:s0+$0x20];
	v7 =	vadd.f32 v10, v12;
	v6 =	vadd.f32 v6, v8;
	v8 =	vshll.u32 v11, $0x10  }
0xc2: {  	v18 =	vld [tilespmem:s0+$0x0];
	v2 =	vadd.f32 v2, v4;
	v3 =	vadd.f32 v3, v5;
	v4 =	vand.u32 $0xFFFF0000, v11  }
0xc3: {  	v19 =	vld [tilespmem:s0+$0xFFFFFFE0];
	v5 =	vadd.f32 v8, v7;
	v4 =	vadd.f32 v4, v6;
	v6 =	vshll.u32 v20, $0x10  }
0xc4: {  	v21 =	vld [tilespmem:s0+$0xFFFFFFC0];
	v22 =	vadd.f32 v0, v2;
	v24 =	vadd.f32 v1, v3;
	v0 =	vand.u32 $0xFFFF0000, v20  }
0xc5: {  	v20 =	vld [tilespmem:s0+$0xFFFFFFA0];
	v25 =	vadd.f32 v6, v5;
	v26 =	vadd.f32 v0, v4  }
0xc6: {  	v2 =	vshll.u32 v15, $0x10;
	v1 =	vand.u32 $0xFFFF0000, v23;
	v0 =	vshll.u32 v23, $0x10;
	v27 =	vld [tilespmem:s0+$0xFFFFFF80]  }
0xc7: {  	v3 =	vand.u32 $0xFFFF0000, v15;
	v4 =	vshll.u32 v14, $0x10;
	v5 =	vand.u32 $0xFFFF0000, v14;
	v23 =	vld [tilespmem:s0+$0xFFFFFF60]  }
0xc8: {  	v7 =	vand.u32 $0xFFFF0000, v17;
	v8 =	vshll.u32 v9, $0x10;
	v6 =	vshll.u32 v17, $0x10;
	v14 =	vld [tilespmem:s0+$0xFFFFFF40]  }
0xc9: {  	v9 =	vand.u32 $0xFFFF0000, v9;
	v10 =	vshll.u32 v16, $0x10;
	v11 =	vand.u32 $0xFFFF0000, v16;
	v15 =	vld [tilespmem:s0+$0xFFFFFF20]  }
0xca: {  	v12 =	vshll.u32 v13, $0x10;
	v13 =	vand.u32 $0xFFFF0000, v13;
	v28 =	vshll.u32 v18, $0x10;
	v16 =	vld [tilespmem:s0+$0xFFFFFF00]  }
0xcb: {  	v30 =	vand.u32 $0xFFFF0000, v18;
	v29 =	vshll.u32 v19, $0x10;
	v19 =	vand.u32 $0xFFFF0000, v19;
	v17 =	vld [tilespmem:s0+$0xFFFFFF10]  }
0xcc: {  	s31 =	sadd.s32 $0x10, s31;
	v31 =	vshll.u32 v21, $0x10;
	v21 =	vand.u32 $0xFFFF0000, v21;
	v18 =	vshll.u32 v20, $0x10  }
0xcd: {  	p1 =	slt.u32 s31, $0x70;
	v20 =	vand.u32 $0xFFFF0000, v20;
	v33 =	vshll.u32 v27, $0x10;
	v27 =	vand.u32 $0xFFFF0000, v27;
	v32 =	vld [tilespmem:s0+$0xFFFFFF30]  }
0xce: {  	v35 =	vshll.u32 v23, $0x10;
	v23 =	vand.u32 $0xFFFF0000, v23;
	v34 =	vshll.u32 v14, $0x10  }
0xcf: {  	v14 =	vand.u32 $0xFFFF0000, v14;
	v36 =	vshll.u32 v15, $0x10;
	v15 =	vand.u32 $0xFFFF0000, v15;
	v37 =	vld [tilespmem:s0+$0xFFFFFF50]  }
0xd0: {  	v38 =	vshll.u32 v16, $0x10;
	v16 =	vand.u32 $0xFFFF0000, v16;
	v39 =	vshll.u32 v17, $0x10  }
0xd1: {  	v22 =	vadd.f32 v38, v22;
	v16 =	vadd.f32 v16, v24;
	v17 =	vand.u32 $0xFFFF0000, v17;
	v24 =	vld [tilespmem:s0+$0xFFFFFF70]  }
0xd2: {  	v25 =	vadd.f32 v39, v25;
	v17 =	vadd.f32 v17, v26;
	v26 =	vshll.u32 v32, $0x10  }
0xd3: {  	v22 =	vadd.f32 v36, v22;
	v15 =	vadd.f32 v15, v16;
	v16 =	vand.u32 $0xFFFF0000, v32;
	v32 =	vld [tilespmem:s0+$0xFFFFFF90]  }
0xd4: {  	v25 =	vadd.f32 v26, v25;
	v16 =	vadd.f32 v16, v17;
	v17 =	vshll.u32 v37, $0x10  }
0xd5: {  	v22 =	vadd.f32 v34, v22;
	v14 =	vadd.f32 v14, v15;
	v15 =	vand.u32 $0xFFFF0000, v37;
	v26 =	vld [tilespmem:s0+$0xFFFFFFB0]  }
0xd6: {  	v17 =	vadd.f32 v17, v25;
	v15 =	vadd.f32 v15, v16;
	v16 =	vshll.u32 v24, $0x10  }
0xd7: {  	v22 =	vadd.f32 v35, v22;
	v14 =	vadd.f32 v23, v14;
	v23 =	vand.u32 $0xFFFF0000, v24;
	v24 =	vld [tilespmem:s0+$0xFFFFFFD0]  }
0xd8: {  	v16 =	vadd.f32 v16, v17;
	v15 =	vadd.f32 v23, v15;
	v17 =	vshll.u32 v32, $0x10  }
0xd9: {  	v22 =	vadd.f32 v33, v22;
	v14 =	vadd.f32 v27, v14;
	v23 =	vand.u32 $0xFFFF0000, v32;
	v25 =	vld [tilespmem:s0+$0xFFFFFFF0]  }
0xda: {  	v16 =	vadd.f32 v17, v16;
	v15 =	vadd.f32 v23, v15;
	v17 =	vshll.u32 v26, $0x10  }
0xdb: {  	v18 =	vadd.f32 v18, v22;
	v14 =	vadd.f32 v20, v14;
	v20 =	vand.u32 $0xFFFF0000, v26;
	v22 =	vld [tilespmem:s0+$0x10]  }
0xdc: {  	v17 =	vadd.f32 v17, v16;
	v15 =	vadd.f32 v20, v15;
	v20 =	vshll.u32 v24, $0x10  }
.Ltmp1:
0xdd: {  	v18 =	vadd.f32 v31, v18;
	v14 =	vadd.f32 v21, v14;
	v21 =	vand.u32 $0xFFFF0000, v24;
	v16 =	vld [tilespmem:s0+$0x30];
	(pc) =	sbr.rel @p1 .LBB2_5-.Ltmp1, $4  }
0xde: {  	v17 =	vadd.f32 v20, v17;
	v20 =	vadd.f32 v21, v15;
	v21 =	vshll.u32 v25, $0x10  }
0xdf: {  	v23 =	vadd.f32 v29, v18;
	v14 =	vadd.f32 v19, v14;
	v18 =	vand.u32 $0xFFFF0000, v25;
	v15 =	vld [tilespmem:s0+$0x50]  }
0xe0: {  	v17 =	vadd.f32 v21, v17;
	v18 =	vadd.f32 v18, v20;
	v21 =	vshll.u32 v22, $0x10  }
0xe1: {  	s0 =	sadd.s32 $0x200, s0;
	v19 =	vadd.f32 v28, v23;
	v20 =	vadd.f32 v30, v14;
	v22 =	vand.u32 $0xFFFF0000, v22;
	v14 =	vld [tilespmem:s30+$0x70]  }
0xe2: {  	v23 =	vld [tilespmem:s30+$0x90]  }
0xe3: {  	v24 =	vld [tilespmem:s30+$0xF0]  }
0xe4: {  	v25 =	vld [tilespmem:s30+$0xB0]  }
0xe5: {  	v26 =	vld [tilespmem:s30+$0xD0];
	_ =	swait.ge [sflag:s18], $0x1000  }
0xe6: {  	v17 =	vadd.f32 v21, v17;
	s0 =	sor.u32 @!p0 $0x80, s29;
	[sflag:s18] =	ssyncset.done $0x0  }
0xe7: {  	v18 =	vadd.f32 v22, v18;
	v21 =	vshll.u32 v16, $0x10;
	s30 =	simm.s32 @!p0 $0x80;
	s31 =	simm.s32 @!p0 $0xD000;
	v12 =	vadd.f32 v12, v19;
	[sflag:s18] =	ssyncadd.s32 $0xFFFFF000  }
0xe8: {  	v16 =	vand.u32 $0xFFFF0000, v16;
	v13 =	vadd.f32 v13, v20;
	v17 =	vadd.f32 v21, v17;
	[tilespmem:s31], [sflag:$0x2] =	stream.indirect.gather @!p0 [hbm4b:s4+s30], $0x20, s0, s30, $0xb8;
	[tilespmem:$0x15840] =	vst v63  }
0xe9: {  	v16 =	vadd.f32 v16, v18;
	v18 =	vshll.u32 v15, $0x10;
	v10 =	vadd.f32 v10, v12;
	s30 =	simm.s32 $0xE100  }
0xea: {  	v11 =	vadd.f32 v11, v13;
	v12 =	vand.u32 $0xFFFF0000, v15;
	v13 =	vadd.f32 v18, v17;
	v18 =	vld [tilespmem:s30+$0x0]  }
0xeb: {  	v12 =	vadd.f32 v12, v16;
	v15 =	vshll.u32 v14, $0x10;
	v19 =	vld [tilespmem:s30+$0xFFFFFFE0]  }
0xec: {  	v22 =	vld [tilespmem:s30+$0xFFFFFFC0];
	v8 =	vadd.f32 v8, v10;
	v9 =	vadd.f32 v9, v11;
	v10 =	vand.u32 $0xFFFF0000, v14  }
0xed: {  	v56 =	vld [tilespmem:s30+$0xFFFFFFA0];
	v13 =	vadd.f32 v15, v13;
	v10 =	vadd.f32 v10, v12;
	v12 =	vshll.u32 v23, $0x10  }
0xee: {  	v16 =	vld [tilespmem:s30+$0xE0];
	v6 =	vadd.f32 v6, v8;
	v7 =	vadd.f32 v7, v9;
	v8 =	vand.u32 $0xFFFF0000, v23  }
0xef: {  	v17 =	vld [tilespmem:s30+$0x20];
	v12 =	vadd.f32 v12, v13;
	v8 =	vadd.f32 v8, v10  }
0xf0: {  	v15 =	vld [tilespmem:s30+$0x40];
	v10 =	vshll.u32 v25, $0x10;
	v4 =	vadd.f32 v4, v6;
	v5 =	vadd.f32 v5, v7  }
0xf1: {  	v57 =	vld [tilespmem:s30+$0xFFFFFF80];
	v6 =	vand.u32 $0xFFFF0000, v25;
	v28 =	vshll.u32 v18, $0x10;
	v29 =	vshll.u32 v19, $0x10  }
0xf2: {  	v9 =	vld [tilespmem:s30+$0x80];
	v30 =	vand.u32 $0xFFFF0000, v18;
	v18 =	vshll.u32 v56, $0x10;
	v31 =	vshll.u32 v22, $0x10  }
0xf3: {  	v11 =	vld [tilespmem:s30+$0xC0];
	v22 =	vand.u32 $0xFFFF0000, v22;
	v7 =	vadd.f32 v10, v12;
	v6 =	vadd.f32 v6, v8  }
0xf4: {  	v13 =	vld [tilespmem:s30+$0x60];
	v8 =	vshll.u32 v26, $0x10;
	v12 =	vshll.u32 v17, $0x10;
	v2 =	vadd.f32 v2, v4  }
0xf5: {  	v14 =	vld [tilespmem:s30+$0xA0];
	v3 =	vadd.f32 v3, v5;
	v4 =	vand.u32 $0xFFFF0000, v26;
	v10 =	vshll.u32 v15, $0x10  }
0xf6: {  	v27 =	vld [tilespmem:s30+$0xFFFFFF20];
	v5 =	vadd.f32 v8, v7;
	v4 =	vadd.f32 v4, v6;
	v6 =	vshll.u32 v24, $0x10  }
0xf7: {  	v32 =	vld [tilespmem:s30+$0xFFFFFF30];
	v7 =	vand.u32 $0xFFFF0000, v9;
	v20 =	vadd.f32 v0, v2;
	v21 =	vadd.f32 v1, v3  }
0xf8: {  	v37 =	vld [tilespmem:s30+$0xFFFFFF50];
	v0 =	vand.u32 $0xFFFF0000, v24;
	v2 =	vshll.u32 v11, $0x10;
	v3 =	vand.u32 $0xFFFF0000, v11  }
0xf9: {  	v8 =	vshll.u32 v13, $0x10;
	v11 =	vand.u32 $0xFFFF0000, v15;
	v15 =	vld [tilespmem:s30+$0xFFFFFF00];
	v23 =	vadd.f32 v6, v5  }
0xfa: {  	v24 =	vadd.f32 v0, v4;
	v4 =	vshll.u32 v14, $0x10;
	v5 =	vand.u32 $0xFFFF0000, v14;
	v14 =	vld [tilespmem:s30+$0xFFFFFF40]  }
0xfb: {  	v6 =	vshll.u32 v9, $0x10;
	v9 =	vand.u32 $0xFFFF0000, v13;
	v13 =	vand.u32 $0xFFFF0000, v17;
	v17 =	vld [tilespmem:s30+$0xFFFFFF10]  }
0xfc: {  	v33 =	vshll.u32 v57, $0x10;
	v25 =	vand.u32 $0xFFFF0000, v56;
	v36 =	vshll.u32 v27, $0x10  }
0xfd: {  	v27 =	vand.u32 $0xFFFF0000, v27;
	v1 =	vand.u32 $0xFFFF0000, v16;
	v0 =	vshll.u32 v16, $0x10;
	v16 =	vld [tilespmem:s30+$0xFFFFFF60]  }
0xfe: {  	v58 =	vshll.u32 v32, $0x10;
	v59 =	vand.u32 $0xFFFF0000, v32;
	v61 =	vshll.u32 v37, $0x10  }
0xff: {  	v26 =	vand.u32 $0xFFFF0000, v57;
	v38 =	vshll.u32 v15, $0x10;
	v15 =	vand.u32 $0xFFFF0000, v15  }
0x100: {  	v34 =	vshll.u32 v14, $0x10;
	v39 =	vshll.u32 v17, $0x10;
	v20 =	vadd.f32 v38, v20  }
0x101: {  	v15 =	vadd.f32 v15, v21;
	v17 =	vand.u32 $0xFFFF0000, v17;
	v21 =	vld [tilespmem:s30+$0xFFFFFF70];
	v23 =	vadd.f32 v39, v23  }
0x102: {  	v35 =	vshll.u32 v16, $0x10;
	v17 =	vadd.f32 v17, v24;
	v20 =	vadd.f32 v36, v20  }
0x103: {  	v60 =	vld [tilespmem:s30+$0xFFFFFF90];
	v16 =	vand.u32 $0xFFFF0000, v16;
	v15 =	vadd.f32 v27, v15;
	v23 =	vadd.f32 v58, v23  }
0x104: {  	v14 =	vand.u32 $0xFFFF0000, v14;
	v17 =	vadd.f32 v59, v17;
	v20 =	vadd.f32 v34, v20  }
0x105: {  	v62 =	vld [tilespmem:s30+$0xFFFFFFB0];
	v14 =	vadd.f32 v14, v15;
	v15 =	vand.u32 $0xFFFF0000, v37;
	v23 =	vadd.f32 v61, v23  }
0x106: {  	v15 =	vadd.f32 v15, v17;
	v17 =	vshll.u32 v21, $0x10;
	v20 =	vadd.f32 v35, v20  }
0x107: {  	v14 =	vadd.f32 v16, v14;
	v16 =	vand.u32 $0xFFFF0000, v21;
	v21 =	vld [tilespmem:s30+$0xFFFFFFD0];
	v17 =	vadd.f32 v17, v23  }
0x108: {  	v15 =	vadd.f32 v16, v15;
	v16 =	vshll.u32 v60, $0x10;
	v20 =	vadd.f32 v33, v20  }
0x109: {  	v63 =	vld [tilespmem:s30+$0xFFFFFFF0];
	v23 =	vand.u32 $0xFFFF0000, v60;
	v14 =	vadd.f32 v26, v14;
	v16 =	vadd.f32 v16, v17  }
0x10a: {  	v15 =	vadd.f32 v23, v15;
	v17 =	vshll.u32 v62, $0x10;
	v18 =	vadd.f32 v18, v20  }
0x10b: {  	v23 =	vld [tilespmem:s30+$0x10];
	v14 =	vadd.f32 v25, v14;
	v20 =	vand.u32 $0xFFFF0000, v62;
	v16 =	vadd.f32 v17, v16  }
0x10c: {  	v15 =	vadd.f32 v20, v15;
	v17 =	vshll.u32 v21, $0x10;
	v18 =	vadd.f32 v31, v18  }
0x10d: {  	v20 =	vand.u32 $0xFFFF0000, v21;
	v14 =	vadd.f32 v22, v14;
	v17 =	vadd.f32 v17, v16;
	v16 =	vld [tilespmem:s30+$0x30]  }
0x10e: {  	v19 =	vand.u32 $0xFFFF0000, v19;
	v21 =	vshll.u32 v63, $0x10;
	v20 =	vadd.f32 v20, v15  }
0x10f: {  	v15 =	vld [tilespmem:s30+$0x50];
	v22 =	vadd.f32 v29, v18;
	v14 =	vadd.f32 v19, v14;
	v18 =	vand.u32 $0xFFFF0000, v63  }
0x110: {  	v17 =	vadd.f32 v21, v17;
	v18 =	vadd.f32 v18, v20;
	v21 =	vshll.u32 v23, $0x10  }
0x111: {  	s31 =	simm.s32 $0x0;
	s0 =	simm.s32 $0xE300;
	v19 =	vadd.f32 v28, v22;
	v20 =	vadd.f32 v30, v14;
	v22 =	vand.u32 $0xFFFF0000, v23;
	v14 =	vld [tilespmem:s30+$0x70]  }
.LBB2_7:
0x112: {  	v23 =	vld [tilespmem:s0+$0xE0];
	v17 =	vadd.f32 v21, v17;
	v18 =	vadd.f32 v22, v18;
	v21 =	vshll.u32 v16, $0x10  }
0x113: {  	v16 =	vand.u32 $0xFFFF0000, v16;
	v12 =	vadd.f32 v12, v19;
	v13 =	vadd.f32 v13, v20;
	v19 =	vld [tilespmem:s30+$0x90]  }
0x114: {  	v17 =	vadd.f32 v21, v17;
	v16 =	vadd.f32 v16, v18;
	v18 =	vshll.u32 v15, $0x10;
	v20 =	vld [tilespmem:s30+$0xF0]  }
0x115: {  	v10 =	vadd.f32 v10, v12;
	v11 =	vadd.f32 v11, v13;
	v12 =	vand.u32 $0xFFFF0000, v15;
	v13 =	vld [tilespmem:s30+$0xB0]  }
0x116: {  	v15 =	vld [tilespmem:s0+$0xC0];
	v17 =	vadd.f32 v18, v17;
	v12 =	vadd.f32 v12, v16;
	v16 =	vshll.u32 v14, $0x10  }
0x117: {  	v8 =	vadd.f32 v8, v10;
	v9 =	vadd.f32 v9, v11;
	v10 =	vand.u32 $0xFFFF0000, v14;
	v11 =	vld [tilespmem:s30+$0xD0];
	s30 =	smov.u32 s0  }
0x118: {  	v14 =	vld [tilespmem:s0+$0xA0];
	v16 =	vadd.f32 v16, v17;
	v10 =	vadd.f32 v10, v12;
	v12 =	vshll.u32 v19, $0x10  }
0x119: {  	v17 =	vld [tilespmem:s0+$0x80];
	v6 =	vadd.f32 v6, v8;
	v7 =	vadd.f32 v7, v9;
	v8 =	vand.u32 $0xFFFF0000, v19  }
0x11a: {  	v9 =	vld [tilespmem:s0+$0x60];
	v12 =	vadd.f32 v12, v16;
	v8 =	vadd.f32 v8, v10;
	v10 =	vshll.u32 v13, $0x10  }
0x11b: {  	v16 =	vld [tilespmem:s0+$0x40];
	v4 =	vadd.f32 v4, v6;
	v5 =	vadd.f32 v5, v7;
	v6 =	vand.u32 $0xFFFF0000, v13  }
0x11c: {  	v13 =	vld [tilespmem:s0+$0x20];
	v7 =	vadd.f32 v10, v12;
	v6 =	vadd.f32 v6, v8;
	v8 =	vshll.u32 v11, $0x10  }
0x11d: {  	v18 =	vld [tilespmem:s0+$0x0];
	v2 =	vadd.f32 v2, v4;
	v3 =	vadd.f32 v3, v5;
	v4 =	vand.u32 $0xFFFF0000, v11  }
0x11e: {  	v19 =	vld [tilespmem:s0+$0xFFFFFFE0];
	v5 =	vadd.f32 v8, v7;
	v4 =	vadd.f32 v4, v6;
	v6 =	vshll.u32 v20, $0x10  }
0x11f: {  	v21 =	vld [tilespmem:s0+$0xFFFFFFC0];
	v22 =	vadd.f32 v0, v2;
	v24 =	vadd.f32 v1, v3;
	v0 =	vand.u32 $0xFFFF0000, v20  }
0x120: {  	v20 =	vld [tilespmem:s0+$0xFFFFFFA0];
	v25 =	vadd.f32 v6, v5;
	v26 =	vadd.f32 v0, v4  }
0x121: {  	v2 =	vshll.u32 v15, $0x10;
	v1 =	vand.u32 $0xFFFF0000, v23;
	v0 =	vshll.u32 v23, $0x10;
	v27 =	vld [tilespmem:s0+$0xFFFFFF80]  }
0x122: {  	v3 =	vand.u32 $0xFFFF0000, v15;
	v4 =	vshll.u32 v14, $0x10;
	v5 =	vand.u32 $0xFFFF0000, v14;
	v23 =	vld [tilespmem:s0+$0xFFFFFF60]  }
0x123: {  	v7 =	vand.u32 $0xFFFF0000, v17;
	v8 =	vshll.u32 v9, $0x10;
	v6 =	vshll.u32 v17, $0x10;
	v14 =	vld [tilespmem:s0+$0xFFFFFF40]  }
0x124: {  	v9 =	vand.u32 $0xFFFF0000, v9;
	v10 =	vshll.u32 v16, $0x10;
	v11 =	vand.u32 $0xFFFF0000, v16;
	v15 =	vld [tilespmem:s0+$0xFFFFFF20]  }
0x125: {  	v12 =	vshll.u32 v13, $0x10;
	v13 =	vand.u32 $0xFFFF0000, v13;
	v28 =	vshll.u32 v18, $0x10;
	v16 =	vld [tilespmem:s0+$0xFFFFFF00]  }
0x126: {  	v30 =	vand.u32 $0xFFFF0000, v18;
	v29 =	vshll.u32 v19, $0x10;
	v19 =	vand.u32 $0xFFFF0000, v19;
	v17 =	vld [tilespmem:s0+$0xFFFFFF10]  }
0x127: {  	s31 =	sadd.s32 $0x10, s31;
	v31 =	vshll.u32 v21, $0x10;
	v21 =	vand.u32 $0xFFFF0000, v21;
	v18 =	vshll.u32 v20, $0x10  }
0x128: {  	p1 =	slt.u32 s31, $0x70;
	v20 =	vand.u32 $0xFFFF0000, v20;
	v33 =	vshll.u32 v27, $0x10;
	v27 =	vand.u32 $0xFFFF0000, v27;
	v32 =	vld [tilespmem:s0+$0xFFFFFF30]  }
0x129: {  	v35 =	vshll.u32 v23, $0x10;
	v23 =	vand.u32 $0xFFFF0000, v23;
	v34 =	vshll.u32 v14, $0x10  }
0x12a: {  	v14 =	vand.u32 $0xFFFF0000, v14;
	v36 =	vshll.u32 v15, $0x10;
	v15 =	vand.u32 $0xFFFF0000, v15;
	v37 =	vld [tilespmem:s0+$0xFFFFFF50]  }
0x12b: {  	v38 =	vshll.u32 v16, $0x10;
	v16 =	vand.u32 $0xFFFF0000, v16;
	v39 =	vshll.u32 v17, $0x10  }
0x12c: {  	v22 =	vadd.f32 v38, v22;
	v16 =	vadd.f32 v16, v24;
	v17 =	vand.u32 $0xFFFF0000, v17;
	v24 =	vld [tilespmem:s0+$0xFFFFFF70]  }
0x12d: {  	v25 =	vadd.f32 v39, v25;
	v17 =	vadd.f32 v17, v26;
	v26 =	vshll.u32 v32, $0x10  }
0x12e: {  	v22 =	vadd.f32 v36, v22;
	v15 =	vadd.f32 v15, v16;
	v16 =	vand.u32 $0xFFFF0000, v32;
	v32 =	vld [tilespmem:s0+$0xFFFFFF90]  }
0x12f: {  	v25 =	vadd.f32 v26, v25;
	v16 =	vadd.f32 v16, v17;
	v17 =	vshll.u32 v37, $0x10  }
0x130: {  	v22 =	vadd.f32 v34, v22;
	v14 =	vadd.f32 v14, v15;
	v15 =	vand.u32 $0xFFFF0000, v37;
	v26 =	vld [tilespmem:s0+$0xFFFFFFB0]  }
0x131: {  	v17 =	vadd.f32 v17, v25;
	v15 =	vadd.f32 v15, v16;
	v16 =	vshll.u32 v24, $0x10  }
0x132: {  	v22 =	vadd.f32 v35, v22;
	v14 =	vadd.f32 v23, v14;
	v23 =	vand.u32 $0xFFFF0000, v24;
	v24 =	vld [tilespmem:s0+$0xFFFFFFD0]  }
0x133: {  	v16 =	vadd.f32 v16, v17;
	v15 =	vadd.f32 v23, v15;
	v17 =	vshll.u32 v32, $0x10  }
0x134: {  	v22 =	vadd.f32 v33, v22;
	v14 =	vadd.f32 v27, v14;
	v23 =	vand.u32 $0xFFFF0000, v32;
	v25 =	vld [tilespmem:s0+$0xFFFFFFF0]  }
0x135: {  	v16 =	vadd.f32 v17, v16;
	v15 =	vadd.f32 v23, v15;
	v17 =	vshll.u32 v26, $0x10  }
0x136: {  	v18 =	vadd.f32 v18, v22;
	v14 =	vadd.f32 v20, v14;
	v20 =	vand.u32 $0xFFFF0000, v26;
	v22 =	vld [tilespmem:s0+$0x10]  }
0x137: {  	v17 =	vadd.f32 v17, v16;
	v15 =	vadd.f32 v20, v15;
	v20 =	vshll.u32 v24, $0x10  }
.Ltmp2:
0x138: {  	v18 =	vadd.f32 v31, v18;
	v14 =	vadd.f32 v21, v14;
	v21 =	vand.u32 $0xFFFF0000, v24;
	v16 =	vld [tilespmem:s0+$0x30];
	(pc) =	sbr.rel @p1 .LBB2_7-.Ltmp2, $4  }
0x139: {  	v17 =	vadd.f32 v20, v17;
	v20 =	vadd.f32 v21, v15;
	v21 =	vshll.u32 v25, $0x10  }
0x13a: {  	v23 =	vadd.f32 v29, v18;
	v14 =	vadd.f32 v19, v14;
	v18 =	vand.u32 $0xFFFF0000, v25;
	v15 =	vld [tilespmem:s0+$0x50]  }
0x13b: {  	v17 =	vadd.f32 v21, v17;
	v18 =	vadd.f32 v18, v20;
	v21 =	vshll.u32 v22, $0x10  }
0x13c: {  	s0 =	sadd.s32 $0x200, s0;
	v19 =	vadd.f32 v28, v23;
	v20 =	vadd.f32 v30, v14;
	v22 =	vand.u32 $0xFFFF0000, v22;
	v14 =	vld [tilespmem:s30+$0x70]  }
0x13d: {  	v23 =	vld [tilespmem:s30+$0x90]  }
0x13e: {  	v24 =	vld [tilespmem:s30+$0xF0]  }
0x13f: {  	v25 =	vld [tilespmem:s30+$0xB0]  }
0x140: {  	v26 =	vld [tilespmem:s30+$0xD0];
	_ =	swait.ge [sflag:s2], $0x1000  }
0x141: {  	v17 =	vadd.f32 v21, v17;
	s0 =	sor.u32 @!p0 $0x100, s29;
	[sflag:s2] =	ssyncset.done $0x0  }
0x142: {  	v18 =	vadd.f32 v22, v18;
	v21 =	vshll.u32 v16, $0x10;
	s30 =	simm.s32 @!p0 $0x80;
	s31 =	simm.s32 @!p0 $0xE000;
	v12 =	vadd.f32 v12, v19;
	[sflag:s2] =	ssyncadd.s32 $0xFFFFF000  }
0x143: {  	v16 =	vand.u32 $0xFFFF0000, v16;
	v13 =	vadd.f32 v13, v20;
	v17 =	vadd.f32 v21, v17;
	[tilespmem:s31], [sflag:$0x3] =	stream.indirect.gather @!p0 [hbm4b:s4+s30], $0x20, s0, s30, $0xb8;
	[tilespmem:$0x15840] =	vst v63  }
0x144: {  	v16 =	vadd.f32 v16, v18;
	v18 =	vshll.u32 v15, $0x10;
	v10 =	vadd.f32 v10, v12;
	s30 =	simm.s32 $0xF100  }
0x145: {  	v11 =	vadd.f32 v11, v13;
	v12 =	vand.u32 $0xFFFF0000, v15;
	v13 =	vadd.f32 v18, v17;
	v17 =	vld [tilespmem:s30+$0x0]  }
0x146: {  	v12 =	vadd.f32 v12, v16;
	v15 =	vshll.u32 v14, $0x10;
	v18 =	vld [tilespmem:s30+$0xFFFFFFE0]  }
0x147: {  	v21 =	vld [tilespmem:s30+$0xFFFFFFC0];
	v8 =	vadd.f32 v8, v10;
	v9 =	vadd.f32 v9, v11;
	v10 =	vand.u32 $0xFFFF0000, v14  }
0x148: {  	v55 =	vld [tilespmem:s30+$0xFFFFFFA0];
	v13 =	vadd.f32 v15, v13;
	v10 =	vadd.f32 v10, v12;
	v12 =	vshll.u32 v23, $0x10  }
0x149: {  	v56 =	vld [tilespmem:s30+$0xFFFFFF80];
	v6 =	vadd.f32 v6, v8;
	v7 =	vadd.f32 v7, v9;
	v8 =	vand.u32 $0xFFFF0000, v23  }
0x14a: {  	v57 =	vld [tilespmem:s30+$0xFFFFFF20];
	v12 =	vadd.f32 v12, v13;
	v8 =	vadd.f32 v8, v10  }
0x14b: {  	v16 =	vld [tilespmem:s30+$0xE0];
	v10 =	vshll.u32 v25, $0x10;
	v4 =	vadd.f32 v4, v6;
	v5 =	vadd.f32 v5, v7  }
0x14c: {  	v15 =	vld [tilespmem:s30+$0x40];
	v6 =	vand.u32 $0xFFFF0000, v25;
	v27 =	vshll.u32 v17, $0x10;
	v29 =	vshll.u32 v18, $0x10  }
0x14d: {  	v28 =	vld [tilespmem:s30+$0xFFFFFF10];
	v18 =	vand.u32 $0xFFFF0000, v18;
	v30 =	vand.u32 $0xFFFF0000, v17;
	v17 =	vshll.u32 v55, $0x10  }
0x14e: {  	v32 =	vld [tilespmem:s30+$0xFFFFFF30];
	v31 =	vshll.u32 v21, $0x10;
	v21 =	vand.u32 $0xFFFF0000, v21;
	v33 =	vshll.u32 v56, $0x10  }
0x14f: {  	v11 =	vld [tilespmem:s30+$0xC0];
	v25 =	vand.u32 $0xFFFF0000, v56;
	v36 =	vshll.u32 v57, $0x10;
	v7 =	vadd.f32 v10, v12  }
0x150: {  	v14 =	vld [tilespmem:s30+$0xA0];
	v6 =	vadd.f32 v6, v8;
	v8 =	vshll.u32 v26, $0x10;
	v2 =	vadd.f32 v2, v4  }
0x151: {  	v9 =	vld [tilespmem:s30+$0x80];
	v3 =	vadd.f32 v3, v5;
	v4 =	vand.u32 $0xFFFF0000, v26;
	v10 =	vand.u32 $0xFFFF0000, v15  }
0x152: {  	v13 =	vld [tilespmem:s30+$0x60];
	v5 =	vadd.f32 v8, v7;
	v4 =	vadd.f32 v4, v6;
	v6 =	vshll.u32 v24, $0x10  }
0x153: {  	v12 =	vld [tilespmem:s30+$0x20];
	v19 =	vadd.f32 v0, v2;
	v20 =	vadd.f32 v1, v3;
	v0 =	vand.u32 $0xFFFF0000, v24  }
0x154: {  	v3 =	vshll.u32 v11, $0x10;
	v2 =	vand.u32 $0xFFFF0000, v11;
	v11 =	vshll.u32 v15, $0x10;
	v15 =	vld [tilespmem:s30+$0xFFFFFF00]  }
0x155: {  	v1 =	vshll.u32 v16, $0x10;
	v23 =	vadd.f32 v0, v4;
	v0 =	vand.u32 $0xFFFF0000, v16;
	v16 =	vld [tilespmem:s30+$0xFFFFFF60]  }
0x156: {  	v22 =	vadd.f32 v6, v5;
	v5 =	vshll.u32 v14, $0x10;
	v4 =	vand.u32 $0xFFFF0000, v14;
	v14 =	vld [tilespmem:s30+$0xFFFFFF40]  }
0x157: {  	v39 =	vshll.u32 v28, $0x10;
	v59 =	vand.u32 $0xFFFF0000, v32;
	v26 =	vand.u32 $0xFFFF0000, v57  }
0x158: {  	v7 =	vshll.u32 v9, $0x10;
	v8 =	vshll.u32 v13, $0x10;
	v24 =	vand.u32 $0xFFFF0000, v55  }
0x159: {  	v6 =	vand.u32 $0xFFFF0000, v9;
	v9 =	vand.u32 $0xFFFF0000, v13;
	v13 =	vshll.u32 v12, $0x10  }
0x15a: {  	v37 =	vld [tilespmem:s30+$0xFFFFFF50];
	v22 =	vadd.f32 v39, v22;
	v38 =	vshll.u32 v15, $0x10;
	v15 =	vand.u32 $0xFFFF0000, v15  }
0x15b: {  	v34 =	vshll.u32 v14, $0x10;
	v35 =	vshll.u32 v16, $0x10;
	v19 =	vadd.f32 v38, v19  }
0x15c: {  	v58 =	vld [tilespmem:s30+$0xFFFFFF70];
	v16 =	vand.u32 $0xFFFF0000, v16;
	v15 =	vadd.f32 v15, v20;
	v20 =	vand.u32 $0xFFFF0000, v28  }
0x15d: {  	v20 =	vadd.f32 v20, v23;
	v23 =	vshll.u32 v32, $0x10;
	v19 =	vadd.f32 v36, v19  }
0x15e: {  	v60 =	vld [tilespmem:s30+$0xFFFFFF90];
	v14 =	vand.u32 $0xFFFF0000, v14;
	v15 =	vadd.f32 v26, v15;
	v22 =	vadd.f32 v23, v22  }
0x15f: {  	v23 =	vshll.u32 v37, $0x10;
	v20 =	vadd.f32 v59, v20;
	v19 =	vadd.f32 v34, v19  }
0x160: {  	v61 =	vld [tilespmem:s30+$0xFFFFFFB0];
	v14 =	vadd.f32 v14, v15;
	v15 =	vand.u32 $0xFFFF0000, v37;
	v22 =	vadd.f32 v23, v22  }
0x161: {  	v15 =	vadd.f32 v15, v20;
	v20 =	vshll.u32 v58, $0x10;
	v19 =	vadd.f32 v35, v19  }
0x162: {  	v23 =	vld [tilespmem:s30+$0xFFFFFFD0];
	v14 =	vadd.f32 v16, v14;
	v16 =	vand.u32 $0xFFFF0000, v58;
	v20 =	vadd.f32 v20, v22  }
0x163: {  	v15 =	vadd.f32 v16, v15;
	v16 =	vshll.u32 v60, $0x10;
	v19 =	vadd.f32 v33, v19  }
0x164: {  	v62 =	vld [tilespmem:s30+$0xFFFFFFF0];
	v22 =	vand.u32 $0xFFFF0000, v60;
	v14 =	vadd.f32 v25, v14;
	v16 =	vadd.f32 v16, v20  }
0x165: {  	v20 =	vshll.u32 v61, $0x10;
	v15 =	vadd.f32 v22, v15;
	v17 =	vadd.f32 v17, v19  }
0x166: {  	v63 =	vld [tilespmem:s30+$0x10];
	v14 =	vadd.f32 v24, v14;
	v19 =	vand.u32 $0xFFFF0000, v61;
	v16 =	vadd.f32 v20, v16  }
0x167: {  	v15 =	vadd.f32 v19, v15;
	v19 =	vshll.u32 v23, $0x10;
	v17 =	vadd.f32 v31, v17  }
0x168: {  	v20 =	vand.u32 $0xFFFF0000, v23;
	v14 =	vadd.f32 v21, v14;
	v19 =	vadd.f32 v19, v16;
	v16 =	vld [tilespmem:s30+$0x30]  }
0x169: {  	v12 =	vand.u32 $0xFFFF0000, v12;
	v15 =	vadd.f32 v20, v15;
	v20 =	vshll.u32 v62, $0x10  }
0x16a: {  	v21 =	vadd.f32 v29, v17;
	v18 =	vadd.f32 v18, v14;
	v17 =	vand.u32 $0xFFFF0000, v62;
	v14 =	vld [tilespmem:s30+$0x50]  }
0x16b: {  	v19 =	vadd.f32 v20, v19;
	v20 =	vshll.u32 v63, $0x10;
	v17 =	vadd.f32 v17, v15  }
0x16c: {  	s31 =	simm.s32 $0x0;
	s0 =	simm.s32 $0xF300;
	v15 =	vld [tilespmem:s30+$0x70];
	v22 =	vadd.f32 v27, v21;
	v21 =	vadd.f32 v30, v18;
	v18 =	vand.u32 $0xFFFF0000, v63  }
.LBB2_9:
0x16d: {  	v23 =	vld [tilespmem:s0+$0xE0];
	v19 =	vadd.f32 v20, v19;
	v17 =	vadd.f32 v18, v17;
	v18 =	vshll.u32 v16, $0x10  }
0x16e: {  	v16 =	vand.u32 $0xFFFF0000, v16;
	v13 =	vadd.f32 v13, v22;
	v12 =	vadd.f32 v12, v21;
	v20 =	vld [tilespmem:s30+$0x90]  }
0x16f: {  	v18 =	vadd.f32 v18, v19;
	v16 =	vadd.f32 v16, v17;
	v17 =	vshll.u32 v14, $0x10;
	v19 =	vld [tilespmem:s30+$0xF0]  }
0x170: {  	v11 =	vadd.f32 v11, v13;
	v10 =	vadd.f32 v10, v12;
	v12 =	vand.u32 $0xFFFF0000, v14;
	v13 =	vld [tilespmem:s30+$0xB0]  }
0x171: {  	v14 =	vld [tilespmem:s0+$0xC0];
	v17 =	vadd.f32 v17, v18;
	v12 =	vadd.f32 v12, v16;
	v16 =	vshll.u32 v15, $0x10  }
0x172: {  	v8 =	vadd.f32 v8, v11;
	v9 =	vadd.f32 v9, v10;
	v10 =	vand.u32 $0xFFFF0000, v15;
	v11 =	vld [tilespmem:s30+$0xD0];
	s30 =	smov.u32 s0  }
0x173: {  	v15 =	vld [tilespmem:s0+$0xA0];
	v16 =	vadd.f32 v16, v17;
	v10 =	vadd.f32 v10, v12;
	v12 =	vshll.u32 v20, $0x10  }
0x174: {  	v17 =	vld [tilespmem:s0+$0x80];
	v7 =	vadd.f32 v7, v8;
	v6 =	vadd.f32 v6, v9;
	v8 =	vand.u32 $0xFFFF0000, v20  }
0x175: {  	v9 =	vld [tilespmem:s0+$0x60];
	v12 =	vadd.f32 v12, v16;
	v8 =	vadd.f32 v8, v10;
	v10 =	vshll.u32 v13, $0x10  }
0x176: {  	v16 =	vld [tilespmem:s0+$0x40];
	v5 =	vadd.f32 v5, v7;
	v4 =	vadd.f32 v4, v6;
	v6 =	vand.u32 $0xFFFF0000, v13  }
0x177: {  	v18 =	vld [tilespmem:s0+$0x20];
	v7 =	vadd.f32 v10, v12;
	v6 =	vadd.f32 v6, v8;
	v8 =	vshll.u32 v11, $0x10  }
0x178: {  	v20 =	vld [tilespmem:s0+$0x0];
	v3 =	vadd.f32 v3, v5;
	v2 =	vadd.f32 v2, v4;
	v4 =	vand.u32 $0xFFFF0000, v11  }
0x179: {  	v21 =	vld [tilespmem:s0+$0xFFFFFFE0];
	v5 =	vadd.f32 v8, v7;
	v4 =	vadd.f32 v4, v6;
	v6 =	vshll.u32 v19, $0x10  }
0x17a: {  	v22 =	vld [tilespmem:s0+$0xFFFFFFC0];
	v24 =	vadd.f32 v1, v3;
	v25 =	vadd.f32 v0, v2;
	v0 =	vand.u32 $0xFFFF0000, v19  }
0x17b: {  	v19 =	vld [tilespmem:s0+$0xFFFFFFA0];
	v26 =	vadd.f32 v6, v5;
	v27 =	vadd.f32 v0, v4  }
0x17c: {  	v3 =	vshll.u32 v14, $0x10;
	v1 =	vshll.u32 v23, $0x10;
	v0 =	vand.u32 $0xFFFF0000, v23;
	v28 =	vld [tilespmem:s0+$0xFFFFFF80]  }
0x17d: {  	v2 =	vand.u32 $0xFFFF0000, v14;
	v5 =	vshll.u32 v15, $0x10;
	v4 =	vand.u32 $0xFFFF0000, v15;
	v23 =	vld [tilespmem:s0+$0xFFFFFF60]  }
0x17e: {  	v7 =	vshll.u32 v17, $0x10;
	v8 =	vshll.u32 v9, $0x10;
	v6 =	vand.u32 $0xFFFF0000, v17;
	v14 =	vld [tilespmem:s0+$0xFFFFFF40]  }
0x17f: {  	v9 =	vand.u32 $0xFFFF0000, v9;
	v11 =	vshll.u32 v16, $0x10;
	v10 =	vand.u32 $0xFFFF0000, v16;
	v15 =	vld [tilespmem:s0+$0xFFFFFF20]  }
0x180: {  	v13 =	vshll.u32 v18, $0x10;
	v12 =	vand.u32 $0xFFFF0000, v18;
	v29 =	vshll.u32 v20, $0x10;
	v16 =	vld [tilespmem:s0+$0xFFFFFF00]  }
0x181: {  	v30 =	vand.u32 $0xFFFF0000, v20;
	v18 =	vshll.u32 v21, $0x10;
	v21 =	vand.u32 $0xFFFF0000, v21;
	v17 =	vld [tilespmem:s0+$0xFFFFFF10]  }
0x182: {  	s31 =	sadd.s32 $0x10, s31;
	v31 =	vshll.u32 v22, $0x10;
	v22 =	vand.u32 $0xFFFF0000, v22;
	v20 =	vshll.u32 v19, $0x10  }
0x183: {  	p1 =	slt.u32 s31, $0x70;
	v19 =	vand.u32 $0xFFFF0000, v19;
	v33 =	vshll.u32 v28, $0x10;
	v28 =	vand.u32 $0xFFFF0000, v28;
	v32 =	vld [tilespmem:s0+$0xFFFFFF30]  }
0x184: {  	v35 =	vshll.u32 v23, $0x10;
	v23 =	vand.u32 $0xFFFF0000, v23;
	v34 =	vshll.u32 v14, $0x10  }
0x185: {  	v14 =	vand.u32 $0xFFFF0000, v14;
	v36 =	vshll.u32 v15, $0x10;
	v15 =	vand.u32 $0xFFFF0000, v15;
	v37 =	vld [tilespmem:s0+$0xFFFFFF50]  }
0x186: {  	v38 =	vshll.u32 v16, $0x10;
	v16 =	vand.u32 $0xFFFF0000, v16;
	v39 =	vshll.u32 v17, $0x10  }
0x187: {  	v24 =	vadd.f32 v38, v24;
	v16 =	vadd.f32 v16, v25;
	v17 =	vand.u32 $0xFFFF0000, v17;
	v25 =	vld [tilespmem:s0+$0xFFFFFF70]  }
0x188: {  	v26 =	vadd.f32 v39, v26;
	v17 =	vadd.f32 v17, v27;
	v27 =	vshll.u32 v32, $0x10  }
0x189: {  	v24 =	vadd.f32 v36, v24;
	v15 =	vadd.f32 v15, v16;
	v16 =	vand.u32 $0xFFFF0000, v32;
	v32 =	vld [tilespmem:s0+$0xFFFFFF90]  }
0x18a: {  	v26 =	vadd.f32 v27, v26;
	v16 =	vadd.f32 v16, v17;
	v17 =	vshll.u32 v37, $0x10  }
0x18b: {  	v24 =	vadd.f32 v34, v24;
	v14 =	vadd.f32 v14, v15;
	v15 =	vand.u32 $0xFFFF0000, v37;
	v27 =	vld [tilespmem:s0+$0xFFFFFFB0]  }
0x18c: {  	v17 =	vadd.f32 v17, v26;
	v15 =	vadd.f32 v15, v16;
	v16 =	vshll.u32 v25, $0x10  }
0x18d: {  	v24 =	vadd.f32 v35, v24;
	v14 =	vadd.f32 v23, v14;
	v23 =	vand.u32 $0xFFFF0000, v25;
	v25 =	vld [tilespmem:s0+$0xFFFFFFD0]  }
0x18e: {  	v16 =	vadd.f32 v16, v17;
	v15 =	vadd.f32 v23, v15;
	v17 =	vshll.u32 v32, $0x10  }
0x18f: {  	v23 =	vadd.f32 v33, v24;
	v14 =	vadd.f32 v28, v14;
	v24 =	vand.u32 $0xFFFF0000, v32;
	v26 =	vld [tilespmem:s0+$0xFFFFFFF0]  }
0x190: {  	v16 =	vadd.f32 v17, v16;
	v15 =	vadd.f32 v24, v15;
	v17 =	vshll.u32 v27, $0x10  }
0x191: {  	v20 =	vadd.f32 v20, v23;
	v14 =	vadd.f32 v19, v14;
	v19 =	vand.u32 $0xFFFF0000, v27;
	v23 =	vld [tilespmem:s0+$0x10]  }
0x192: {  	v17 =	vadd.f32 v17, v16;
	v15 =	vadd.f32 v19, v15;
	v19 =	vshll.u32 v25, $0x10  }
.Ltmp3:
0x193: {  	v20 =	vadd.f32 v31, v20;
	v14 =	vadd.f32 v22, v14;
	v22 =	vand.u32 $0xFFFF0000, v25;
	v16 =	vld [tilespmem:s0+$0x30];
	(pc) =	sbr.rel @p1 .LBB2_9-.Ltmp3, $4  }
0x194: {  	v17 =	vadd.f32 v19, v17;
	v15 =	vadd.f32 v22, v15;
	v19 =	vshll.u32 v26, $0x10  }
0x195: {  	v18 =	vadd.f32 v18, v20;
	v21 =	vadd.f32 v21, v14;
	v20 =	vand.u32 $0xFFFF0000, v26;
	v14 =	vld [tilespmem:s0+$0x50]  }
0x196: {  	v19 =	vadd.f32 v19, v17;
	v17 =	vadd.f32 v20, v15;
	v20 =	vshll.u32 v23, $0x10  }
0x197: {  	s0 =	sadd.s32 $0x200, s0;
	v22 =	vadd.f32 v29, v18;
	v21 =	vadd.f32 v30, v21;
	v18 =	vand.u32 $0xFFFF0000, v23;
	v15 =	vld [tilespmem:s30+$0x70]  }
0x198: {  	_ = 	snop  }
0x199: {  	v13 =	vadd.f32 v13, v22;
	_ =	sdelay $0x1  }
0x19a: {  	v11 =	vadd.f32 v11, v13;
	_ =	sdelay $0x1  }
0x19b: {  	v8 =	vadd.f32 v8, v11;
	_ =	sdelay $0x1  }
0x19c: {  	v7 =	vadd.f32 v7, v8;
	_ =	sdelay $0x1  }
0x19d: {  	v5 =	vadd.f32 v5, v7  }
0x19e: {  	v7 =	vadd.f32 v12, v21  }
0x19f: {  	v3 =	vadd.f32 v3, v5  }
0x1a0: {  	v5 =	vadd.f32 v10, v7;
	v7 =	vld [tilespmem:$0x15800]  }
0x1a1: {  	v1 =	vadd.f32 v1, v3  }
0x1a2: {  	v3 =	vadd.f32 v9, v5  }
0x1a3: {  	v1 =	vmul.f32 $1.953125000e-03, v1  }
0x1a4: {  	v3 =	vadd.f32 v6, v3  }
0x1a5: {  	v8 =	vld [tilespmem:s30+$0xF0];
	v6 =	vadd.f32 v20, v19;
	v1 =	vadd.f32 v7, v1  }
0x1a6: {  	s0 =	sshll.u32 s25, $0x7;
	v5 =	vld [tilespmem:s30+$0x90];
	v7 =	vshll.u32 v16, $0x10;
	v3 =	vadd.f32 v4, v3  }
0x1a7: {  	s0 =	sand.u32 $0x3FFFFF80, s0;
	v9 =	vld [tilespmem:s30+$0xB0];
	v4 =	vadd.f32 v7, v6;
	v1 =	vmax.f32 v1, $0.0e+00  }
0x1a8: {  	v6 =	vld [tilespmem:s30+$0xD0];
	v7 =	vshll.u32 v14, $0x10;
	v2 =	vadd.f32 v2, v3;
	[tilespmem:s0+$0x14000] =	vst v1  }
0x1a9: {  	v1 =	vadd.f32 v7, v4;
	v3 =	vld [tilespmem:$0x15810]  }
0x1aa: {  	v4 =	vshll.u32 v15, $0x10;
	v0 =	vadd.f32 v0, v2  }
0x1ab: {  	v1 =	vadd.f32 v4, v1  }
0x1ac: {  	v2 =	vshll.u32 v5, $0x10;
	v0 =	vmul.f32 $1.953125000e-03, v0  }
0x1ad: {  	v1 =	vadd.f32 v2, v1  }
0x1ae: {  	v4 =	vshll.u32 v9, $0x10;
	v2 =	vadd.f32 v18, v17;
	v0 =	vadd.f32 v3, v0  }
0x1af: {  	v3 =	vand.u32 $0xFFFF0000, v16;
	v1 =	vadd.f32 v4, v1  }
0x1b0: {  	v2 =	vadd.f32 v3, v2;
	v3 =	vshll.u32 v6, $0x10;
	v0 =	vmax.f32 v0, $0.0e+00  }
0x1b1: {  	v4 =	vand.u32 $0xFFFF0000, v14;
	v1 =	vadd.f32 v3, v1;
	[tilespmem:s0+$0x14010] =	vst v0  }
0x1b2: {  	v0 =	vadd.f32 v4, v2;
	v2 =	vshll.u32 v8, $0x10;
	v3 =	vld [tilespmem:$0x15820]  }
0x1b3: {  	v4 =	vand.u32 $0xFFFF0000, v15;
	v1 =	vadd.f32 v2, v1  }
0x1b4: {  	v0 =	vadd.f32 v4, v0  }
0x1b5: {  	v2 =	vand.u32 $0xFFFF0000, v5;
	v1 =	vmul.f32 $1.953125000e-03, v1  }
0x1b6: {  	v0 =	vadd.f32 v2, v0  }
0x1b7: {  	v2 =	vand.u32 $0xFFFF0000, v9;
	v1 =	vadd.f32 v3, v1  }
0x1b8: {  	v0 =	vadd.f32 v2, v0  }
0x1b9: {  	v2 =	vand.u32 $0xFFFF0000, v6;
	v1 =	vmax.f32 v1, $0.0e+00  }
0x1ba: {  	v0 =	vadd.f32 v2, v0;
	[tilespmem:s0+$0x14020] =	vst v1  }
0x1bb: {  	v1 =	vand.u32 $0xFFFF0000, v8;
	v2 =	vld [tilespmem:$0x15830]  }
0x1bc: {  	v0 =	vadd.f32 v1, v0;
	_ =	sdelay $0x1  }
0x1bd: {  	v0 =	vmul.f32 $1.953125000e-03, v0;
	_ =	sdelay $0x1  }
0x1be: {  	v0 =	vadd.f32 v2, v0;
	_ =	sdelay $0x1  }
0x1bf: {  	v0 =	vmax.f32 v0, $0.0e+00  }
0x1c0: {  	[tilespmem:s0+$0x14030] =	vst v0  }
0x1c1: {  	_ =	swait.ge [sflag:s12], $0x1000  }
0x1c2: {  	s30 =	simm.s32 @!p0 $0xF000;
	[sflag:s12] =	ssyncset.done $0x0  }
0x1c3: {  	s0 =	sor.u32 @!p0 $0x180, s29;
	s29 =	simm.s32 @!p0 $0x80;
	[sflag:s12] =	ssyncadd.s32 $0xFFFFF000  }
0x1c4: {  	[tilespmem:s30], [sflag:$0x4] =	stream.indirect.gather @!p0 [hbm4b:s4+s29], $0x20, s0, s29, $0xb8;
	[tilespmem:$0x15840] =	vst v63  }
0x1c5: {  	s29 =	simm.s32 $0x10100  }
0x1c6: {  	v1 =	vld [tilespmem:s29+$0xE0]  }
0x1c7: {  	v3 =	vld [tilespmem:s29+$0xC0]  }
0x1c8: {  	v5 =	vld [tilespmem:s29+$0xA0]  }
0x1c9: {  	v7 =	vld [tilespmem:s29+$0x80]  }
0x1ca: {  	v9 =	vld [tilespmem:s29+$0x60]  }
0x1cb: {  	v11 =	vld [tilespmem:s29+$0x40]  }
0x1cc: {  	v13 =	vld [tilespmem:s29+$0x20]  }
0x1cd: {  	v14 =	vld [tilespmem:s29+$0x0]  }
0x1ce: {  	v15 =	vld [tilespmem:s29+$0xFFFFFFE0]  }
0x1cf: {  	v16 =	vld [tilespmem:s29+$0xFFFFFFC0]  }
0x1d0: {  	v18 =	vld [tilespmem:s29+$0xFFFFFFA0]  }
0x1d1: {  	v17 =	vimm.f32 $0.0e+00;
	v19 =	vld [tilespmem:s29+$0xFFFFFF80]  }
0x1d2: {  	v20 =	vld [tilespmem:s29+$0xFFFFFF60];
	v2 =	vshll.u32 v3, $0x10;
	v0 =	vshll.u32 v1, $0x10;
	v1 =	vand.u32 $0xFFFF0000, v1  }
0x1d3: {  	v21 =	vld [tilespmem:s29+$0xFFFFFF40];
	v4 =	vshll.u32 v5, $0x10;
	v5 =	vand.u32 $0xFFFF0000, v5;
	v3 =	vand.u32 $0xFFFF0000, v3  }
0x1d4: {  	v22 =	vld [tilespmem:s29+$0xFFFFFF20];
	v8 =	vshll.u32 v9, $0x10;
	v6 =	vshll.u32 v7, $0x10;
	v7 =	vand.u32 $0xFFFF0000, v7  }
0x1d5: {  	v23 =	vld [tilespmem:s29+$0xFFFFFF00];
	v10 =	vshll.u32 v11, $0x10;
	v11 =	vand.u32 $0xFFFF0000, v11;
	v9 =	vand.u32 $0xFFFF0000, v9  }
0x1d6: {  	v25 =	vld [tilespmem:s29+$0xFFFFFF10];
	v24 =	vshll.u32 v14, $0x10;
	v12 =	vshll.u32 v13, $0x10;
	v13 =	vand.u32 $0xFFFF0000, v13  }
0x1d7: {  	v26 =	vshll.u32 v15, $0x10;
	v15 =	vand.u32 $0xFFFF0000, v15;
	v27 =	vshll.u32 v18, $0x10  }
0x1d8: {  	v28 =	vshll.u32 v16, $0x10;
	v16 =	vand.u32 $0xFFFF0000, v16;
	v30 =	vshll.u32 v19, $0x10  }
0x1d9: {  	v29 =	vld [tilespmem:s29+$0xFFFFFF30];
	v19 =	vand.u32 $0xFFFF0000, v19;
	v18 =	vand.u32 $0xFFFF0000, v18;
	v31 =	vshll.u32 v21, $0x10  }
0x1da: {  	v32 =	vshll.u32 v20, $0x10;
	v20 =	vand.u32 $0xFFFF0000, v20;
	v33 =	vshll.u32 v22, $0x10  }
0x1db: {  	v34 =	vld [tilespmem:s29+$0xFFFFFF50];
	v35 =	vshll.u32 v23, $0x10;
	v23 =	vand.u32 $0xFFFF0000, v23;
	v36 =	vshll.u32 v25, $0x10  }
0x1dc: {  	v25 =	vand.u32 $0xFFFF0000, v25;
	v35 =	vadd.f32 v35, v17;
	v23 =	vadd.f32 v23, v17  }
0x1dd: {  	v37 =	vld [tilespmem:s29+$0xFFFFFF70];
	v22 =	vand.u32 $0xFFFF0000, v22;
	v36 =	vadd.f32 v36, v17;
	v17 =	vadd.f32 v25, v17  }
0x1de: {  	v21 =	vand.u32 $0xFFFF0000, v21;
	v22 =	vadd.f32 v22, v23;
	v23 =	vand.u32 $0xFFFF0000, v29  }
0x1df: {  	v59 =	vld [tilespmem:s29+$0xFFFFFF90];
	v58 =	vshll.u32 v29, $0x10;
	v33 =	vadd.f32 v33, v35;
	v17 =	vadd.f32 v23, v17  }
0x1e0: {  	v25 =	vadd.f32 v58, v36;
	v21 =	vadd.f32 v21, v22;
	v22 =	vand.u32 $0xFFFF0000, v34  }
0x1e1: {  	v60 =	vld [tilespmem:s29+$0xFFFFFFB0];
	v23 =	vshll.u32 v34, $0x10;
	v31 =	vadd.f32 v31, v33;
	v17 =	vadd.f32 v22, v17  }
0x1e2: {  	v23 =	vadd.f32 v23, v25;
	v20 =	vadd.f32 v20, v21;
	v21 =	vand.u32 $0xFFFF0000, v37  }
0x1e3: {  	v62 =	vld [tilespmem:s29+$0xFFFFFFD0];
	v22 =	vshll.u32 v37, $0x10;
	v61 =	vadd.f32 v32, v31;
	v17 =	vadd.f32 v21, v17  }
0x1e4: {  	v22 =	vadd.f32 v22, v23;
	v19 =	vadd.f32 v19, v20;
	v20 =	vand.u32 $0xFFFF0000, v59  }
0x1e5: {  	v63 =	vld [tilespmem:s29+$0xFFFFFFF0];
	v21 =	vshll.u32 v59, $0x10;
	v23 =	vadd.f32 v30, v61;
	v17 =	vadd.f32 v20, v17  }
0x1e6: {  	v21 =	vadd.f32 v21, v22;
	v18 =	vadd.f32 v18, v19;
	v19 =	vand.u32 $0xFFFF0000, v60  }
0x1e7: {  	v20 =	vshll.u32 v60, $0x10;
	v22 =	vadd.f32 v27, v23;
	v23 =	vld [tilespmem:s29+$0x10];
	v17 =	vadd.f32 v19, v17  }
0x1e8: {  	v20 =	vadd.f32 v20, v21;
	v18 =	vadd.f32 v16, v18;
	v16 =	vand.u32 $0xFFFF0000, v62  }
0x1e9: {  	v19 =	vshll.u32 v62, $0x10;
	v21 =	vadd.f32 v28, v22;
	v17 =	vadd.f32 v16, v17;
	v16 =	vld [tilespmem:s29+$0x30]  }
0x1ea: {  	v14 =	vand.u32 $0xFFFF0000, v14;
	v19 =	vadd.f32 v19, v20;
	v20 =	vshll.u32 v63, $0x10  }
0x1eb: {  	v22 =	vadd.f32 v26, v21;
	v18 =	vadd.f32 v15, v18;
	v21 =	vand.u32 $0xFFFF0000, v63;
	v15 =	vld [tilespmem:s29+$0x50]  }
0x1ec: {  	v19 =	vadd.f32 v20, v19;
	v20 =	vadd.f32 v21, v17;
	v21 =	vshll.u32 v23, $0x10  }
0x1ed: {  	s30 =	simm.s32 $0x0;
	s0 =	simm.s32 $0x10300;
	v17 =	vadd.f32 v24, v22;
	v18 =	vadd.f32 v14, v18;
	v22 =	vand.u32 $0xFFFF0000, v23;
	v14 =	vld [tilespmem:s29+$0x70]  }
.LBB2_11:
0x1ee: {  	v23 =	vld [tilespmem:s0+$0xE0];
	v19 =	vadd.f32 v21, v19;
	v20 =	vadd.f32 v22, v20;
	v21 =	vshll.u32 v16, $0x10  }
0x1ef: {  	v16 =	vand.u32 $0xFFFF0000, v16;
	v12 =	vadd.f32 v12, v17;
	v13 =	vadd.f32 v13, v18;
	v17 =	vld [tilespmem:s29+$0x90]  }
0x1f0: {  	v18 =	vadd.f32 v21, v19;
	v16 =	vadd.f32 v16, v20;
	v19 =	vshll.u32 v15, $0x10;
	v20 =	vld [tilespmem:s29+$0xF0]  }
0x1f1: {  	v10 =	vadd.f32 v10, v12;
	v11 =	vadd.f32 v11, v13;
	v12 =	vand.u32 $0xFFFF0000, v15;
	v13 =	vld [tilespmem:s29+$0xB0]  }
0x1f2: {  	v15 =	vld [tilespmem:s0+$0xC0];
	v18 =	vadd.f32 v19, v18;
	v12 =	vadd.f32 v12, v16;
	v16 =	vshll.u32 v14, $0x10  }
0x1f3: {  	v8 =	vadd.f32 v8, v10;
	v9 =	vadd.f32 v9, v11;
	v10 =	vand.u32 $0xFFFF0000, v14;
	v11 =	vld [tilespmem:s29+$0xD0];
	s29 =	smov.u32 s0  }
0x1f4: {  	v14 =	vld [tilespmem:s0+$0xA0];
	v16 =	vadd.f32 v16, v18;
	v10 =	vadd.f32 v10, v12;
	v12 =	vshll.u32 v17, $0x10  }
0x1f5: {  	v18 =	vld [tilespmem:s0+$0x80];
	v6 =	vadd.f32 v6, v8;
	v7 =	vadd.f32 v7, v9;
	v8 =	vand.u32 $0xFFFF0000, v17  }
0x1f6: {  	v9 =	vld [tilespmem:s0+$0x60];
	v12 =	vadd.f32 v12, v16;
	v8 =	vadd.f32 v8, v10;
	v10 =	vshll.u32 v13, $0x10  }
0x1f7: {  	v16 =	vld [tilespmem:s0+$0x40];
	v4 =	vadd.f32 v4, v6;
	v5 =	vadd.f32 v5, v7;
	v6 =	vand.u32 $0xFFFF0000, v13  }
0x1f8: {  	v13 =	vld [tilespmem:s0+$0x20];
	v7 =	vadd.f32 v10, v12;
	v6 =	vadd.f32 v6, v8;
	v8 =	vshll.u32 v11, $0x10  }
0x1f9: {  	v17 =	vld [tilespmem:s0+$0x0];
	v2 =	vadd.f32 v2, v4;
	v3 =	vadd.f32 v3, v5;
	v4 =	vand.u32 $0xFFFF0000, v11  }
0x1fa: {  	v19 =	vld [tilespmem:s0+$0xFFFFFFE0];
	v5 =	vadd.f32 v8, v7;
	v4 =	vadd.f32 v4, v6;
	v6 =	vshll.u32 v20, $0x10  }
0x1fb: {  	v21 =	vld [tilespmem:s0+$0xFFFFFFC0];
	v22 =	vadd.f32 v0, v2;
	v24 =	vadd.f32 v1, v3;
	v0 =	vand.u32 $0xFFFF0000, v20  }
0x1fc: {  	v20 =	vld [tilespmem:s0+$0xFFFFFFA0];
	v25 =	vadd.f32 v6, v5;
	v26 =	vadd.f32 v0, v4  }
0x1fd: {  	v2 =	vshll.u32 v15, $0x10;
	v1 =	vand.u32 $0xFFFF0000, v23;
	v0 =	vshll.u32 v23, $0x10;
	v27 =	vld [tilespmem:s0+$0xFFFFFF80]  }
0x1fe: {  	v3 =	vand.u32 $0xFFFF0000, v15;
	v4 =	vshll.u32 v14, $0x10;
	v5 =	vand.u32 $0xFFFF0000, v14;
	v23 =	vld [tilespmem:s0+$0xFFFFFF60]  }
0x1ff: {  	v7 =	vand.u32 $0xFFFF0000, v18;
	v8 =	vshll.u32 v9, $0x10;
	v6 =	vshll.u32 v18, $0x10;
	v14 =	vld [tilespmem:s0+$0xFFFFFF40]  }
0x200: {  	v9 =	vand.u32 $0xFFFF0000, v9;
	v10 =	vshll.u32 v16, $0x10;
	v11 =	vand.u32 $0xFFFF0000, v16;
	v15 =	vld [tilespmem:s0+$0xFFFFFF20]  }
0x201: {  	v12 =	vshll.u32 v13, $0x10;
	v13 =	vand.u32 $0xFFFF0000, v13;
	v18 =	vshll.u32 v17, $0x10;
	v16 =	vld [tilespmem:s0+$0xFFFFFF00]  }
0x202: {  	v30 =	vand.u32 $0xFFFF0000, v17;
	v29 =	vshll.u32 v19, $0x10;
	v19 =	vand.u32 $0xFFFF0000, v19;
	v28 =	vld [tilespmem:s0+$0xFFFFFF10]  }
0x203: {  	s30 =	sadd.s32 $0x10, s30;
	v31 =	vshll.u32 v21, $0x10;
	v21 =	vand.u32 $0xFFFF0000, v21;
	v17 =	vshll.u32 v20, $0x10  }
0x204: {  	p1 =	slt.u32 s30, $0x70;
	v20 =	vand.u32 $0xFFFF0000, v20;
	v33 =	vshll.u32 v27, $0x10;
	v27 =	vand.u32 $0xFFFF0000, v27;
	v32 =	vld [tilespmem:s0+$0xFFFFFF30]  }
0x205: {  	v35 =	vshll.u32 v23, $0x10;
	v23 =	vand.u32 $0xFFFF0000, v23;
	v34 =	vshll.u32 v14, $0x10  }
0x206: {  	v14 =	vand.u32 $0xFFFF0000, v14;
	v36 =	vshll.u32 v15, $0x10;
	v15 =	vand.u32 $0xFFFF0000, v15;
	v37 =	vld [tilespmem:s0+$0xFFFFFF50]  }
0x207: {  	v38 =	vshll.u32 v16, $0x10;
	v16 =	vand.u32 $0xFFFF0000, v16;
	v39 =	vshll.u32 v28, $0x10  }
0x208: {  	v22 =	vadd.f32 v38, v22;
	v16 =	vadd.f32 v16, v24;
	v24 =	vand.u32 $0xFFFF0000, v28;
	v28 =	vld [tilespmem:s0+$0xFFFFFF70]  }
0x209: {  	v25 =	vadd.f32 v39, v25;
	v24 =	vadd.f32 v24, v26;
	v26 =	vshll.u32 v32, $0x10  }
0x20a: {  	v22 =	vadd.f32 v36, v22;
	v15 =	vadd.f32 v15, v16;
	v16 =	vand.u32 $0xFFFF0000, v32;
	v32 =	vld [tilespmem:s0+$0xFFFFFF90]  }
0x20b: {  	v25 =	vadd.f32 v26, v25;
	v16 =	vadd.f32 v16, v24;
	v24 =	vshll.u32 v37, $0x10  }
0x20c: {  	v22 =	vadd.f32 v34, v22;
	v14 =	vadd.f32 v14, v15;
	v15 =	vand.u32 $0xFFFF0000, v37;
	v26 =	vld [tilespmem:s0+$0xFFFFFFB0]  }
0x20d: {  	v24 =	vadd.f32 v24, v25;
	v15 =	vadd.f32 v15, v16;
	v16 =	vshll.u32 v28, $0x10  }
0x20e: {  	v22 =	vadd.f32 v35, v22;
	v14 =	vadd.f32 v23, v14;
	v23 =	vand.u32 $0xFFFF0000, v28;
	v25 =	vld [tilespmem:s0+$0xFFFFFFD0]  }
0x20f: {  	v16 =	vadd.f32 v16, v24;
	v15 =	vadd.f32 v23, v15;
	v23 =	vshll.u32 v32, $0x10  }
0x210: {  	v22 =	vadd.f32 v33, v22;
	v14 =	vadd.f32 v27, v14;
	v24 =	vand.u32 $0xFFFF0000, v32;
	v27 =	vld [tilespmem:s0+$0xFFFFFFF0]  }
0x211: {  	v16 =	vadd.f32 v23, v16;
	v15 =	vadd.f32 v24, v15;
	v23 =	vshll.u32 v26, $0x10  }
0x212: {  	v17 =	vadd.f32 v17, v22;
	v14 =	vadd.f32 v20, v14;
	v20 =	vand.u32 $0xFFFF0000, v26;
	v22 =	vld [tilespmem:s0+$0x10]  }
0x213: {  	v23 =	vadd.f32 v23, v16;
	v15 =	vadd.f32 v20, v15;
	v20 =	vshll.u32 v25, $0x10  }
.Ltmp4:
0x214: {  	v17 =	vadd.f32 v31, v17;
	v14 =	vadd.f32 v21, v14;
	v21 =	vand.u32 $0xFFFF0000, v25;
	v16 =	vld [tilespmem:s0+$0x30];
	(pc) =	sbr.rel @p1 .LBB2_11-.Ltmp4, $4  }
0x215: {  	v20 =	vadd.f32 v20, v23;
	v21 =	vadd.f32 v21, v15;
	v23 =	vshll.u32 v27, $0x10  }
0x216: {  	v17 =	vadd.f32 v29, v17;
	v14 =	vadd.f32 v19, v14;
	v24 =	vand.u32 $0xFFFF0000, v27;
	v15 =	vld [tilespmem:s0+$0x50]  }
0x217: {  	v19 =	vadd.f32 v23, v20;
	v20 =	vadd.f32 v24, v21;
	v21 =	vshll.u32 v22, $0x10  }
0x218: {  	s0 =	sadd.s32 $0x200, s0;
	v17 =	vadd.f32 v18, v17;
	v18 =	vadd.f32 v30, v14;
	v22 =	vand.u32 $0xFFFF0000, v22;
	v14 =	vld [tilespmem:s29+$0x70]  }
0x219: {  	v23 =	vld [tilespmem:s29+$0x90]  }
0x21a: {  	v24 =	vld [tilespmem:s29+$0xF0]  }
0x21b: {  	v25 =	vld [tilespmem:s29+$0xB0]  }
0x21c: {  	v26 =	vld [tilespmem:s29+$0xD0];
	_ =	swait.ge [sflag:s14], $0x1000;
	s0 =	sadd.s32 $0x3, s28  }
0x21d: {  	v19 =	vadd.f32 v21, v19;
	s29 =	simm.s32 @!p0 $0x10000;
	[sflag:s14] =	ssyncset.done $0x0;
	s0 =	sshll.u32 @!p0 s0, $0x9  }
0x21e: {  	v20 =	vadd.f32 v22, v20;
	v21 =	vshll.u32 v16, $0x10;
	v12 =	vadd.f32 v12, v17;
	[sflag:s14] =	ssyncadd.s32 $0xFFFFF000;
	s28 =	sand.u32 @!p0 $0x3FFFFE00, s0;
	s0 =	simm.s32 @!p0 $0x80  }
0x21f: {  	v16 =	vand.u32 $0xFFFF0000, v16;
	v13 =	vadd.f32 v13, v18;
	v17 =	vadd.f32 v21, v19;
	[tilespmem:s29], [sflag:$0x5] =	stream.indirect.gather @!p0 [hbm4b:s4+s0], $0x20, s28, s0, $0xb8;
	[tilespmem:$0x15840] =	vst v63  }
0x220: {  	v16 =	vadd.f32 v16, v20;
	v18 =	vshll.u32 v15, $0x10;
	v10 =	vadd.f32 v10, v12;
	s29 =	simm.s32 $0x11100  }
0x221: {  	v11 =	vadd.f32 v11, v13;
	v12 =	vand.u32 $0xFFFF0000, v15;
	v13 =	vadd.f32 v18, v17;
	v18 =	vld [tilespmem:s29+$0x0]  }
0x222: {  	v12 =	vadd.f32 v12, v16;
	v15 =	vshll.u32 v14, $0x10;
	v19 =	vld [tilespmem:s29+$0xFFFFFFE0]  }
0x223: {  	v22 =	vld [tilespmem:s29+$0xFFFFFFC0];
	v8 =	vadd.f32 v8, v10;
	v9 =	vadd.f32 v9, v11;
	v10 =	vand.u32 $0xFFFF0000, v14  }
0x224: {  	v56 =	vld [tilespmem:s29+$0xFFFFFFA0];
	v13 =	vadd.f32 v15, v13;
	v10 =	vadd.f32 v10, v12;
	v12 =	vshll.u32 v23, $0x10  }
0x225: {  	v16 =	vld [tilespmem:s29+$0xE0];
	v6 =	vadd.f32 v6, v8;
	v7 =	vadd.f32 v7, v9;
	v8 =	vand.u32 $0xFFFF0000, v23  }
0x226: {  	v17 =	vld [tilespmem:s29+$0x20];
	v12 =	vadd.f32 v12, v13;
	v8 =	vadd.f32 v8, v10  }
0x227: {  	v15 =	vld [tilespmem:s29+$0x40];
	v10 =	vshll.u32 v25, $0x10;
	v4 =	vadd.f32 v4, v6;
	v5 =	vadd.f32 v5, v7  }
0x228: {  	v57 =	vld [tilespmem:s29+$0xFFFFFF80];
	v6 =	vand.u32 $0xFFFF0000, v25;
	v28 =	vshll.u32 v18, $0x10;
	v29 =	vshll.u32 v19, $0x10  }
0x229: {  	v9 =	vld [tilespmem:s29+$0x80];
	v30 =	vand.u32 $0xFFFF0000, v18;
	v18 =	vshll.u32 v56, $0x10;
	v31 =	vshll.u32 v22, $0x10  }
0x22a: {  	v11 =	vld [tilespmem:s29+$0xC0];
	v22 =	vand.u32 $0xFFFF0000, v22;
	v7 =	vadd.f32 v10, v12;
	v6 =	vadd.f32 v6, v8  }
0x22b: {  	v13 =	vld [tilespmem:s29+$0x60];
	v8 =	vshll.u32 v26, $0x10;
	v12 =	vshll.u32 v17, $0x10;
	v2 =	vadd.f32 v2, v4  }
0x22c: {  	v14 =	vld [tilespmem:s29+$0xA0];
	v3 =	vadd.f32 v3, v5;
	v4 =	vand.u32 $0xFFFF0000, v26;
	v10 =	vshll.u32 v15, $0x10  }
0x22d: {  	v27 =	vld [tilespmem:s29+$0xFFFFFF20];
	v5 =	vadd.f32 v8, v7;
	v4 =	vadd.f32 v4, v6;
	v6 =	vshll.u32 v24, $0x10  }
0x22e: {  	v32 =	vld [tilespmem:s29+$0xFFFFFF30];
	v7 =	vand.u32 $0xFFFF0000, v9;
	v20 =	vadd.f32 v0, v2;
	v21 =	vadd.f32 v1, v3  }
0x22f: {  	v37 =	vld [tilespmem:s29+$0xFFFFFF50];
	v0 =	vand.u32 $0xFFFF0000, v24;
	v2 =	vshll.u32 v11, $0x10;
	v3 =	vand.u32 $0xFFFF0000, v11  }
0x230: {  	v8 =	vshll.u32 v13, $0x10;
	v11 =	vand.u32 $0xFFFF0000, v15;
	v15 =	vld [tilespmem:s29+$0xFFFFFF00];
	v23 =	vadd.f32 v6, v5  }
0x231: {  	v24 =	vadd.f32 v0, v4;
	v4 =	vshll.u32 v14, $0x10;
	v5 =	vand.u32 $0xFFFF0000, v14;
	v14 =	vld [tilespmem:s29+$0xFFFFFF40]  }
0x232: {  	v6 =	vshll.u32 v9, $0x10;
	v9 =	vand.u32 $0xFFFF0000, v13;
	v13 =	vand.u32 $0xFFFF0000, v17;
	v17 =	vld [tilespmem:s29+$0xFFFFFF10]  }
0x233: {  	v33 =	vshll.u32 v57, $0x10;
	v25 =	vand.u32 $0xFFFF0000, v56;
	v36 =	vshll.u32 v27, $0x10  }
0x234: {  	v27 =	vand.u32 $0xFFFF0000, v27;
	v1 =	vand.u32 $0xFFFF0000, v16;
	v0 =	vshll.u32 v16, $0x10;
	v16 =	vld [tilespmem:s29+$0xFFFFFF60]  }
0x235: {  	v58 =	vshll.u32 v32, $0x10;
	v59 =	vand.u32 $0xFFFF0000, v32;
	v61 =	vshll.u32 v37, $0x10  }
0x236: {  	v26 =	vand.u32 $0xFFFF0000, v57;
	v38 =	vshll.u32 v15, $0x10;
	v15 =	vand.u32 $0xFFFF0000, v15  }
0x237: {  	v34 =	vshll.u32 v14, $0x10;
	v39 =	vshll.u32 v17, $0x10;
	v20 =	vadd.f32 v38, v20  }
0x238: {  	v15 =	vadd.f32 v15, v21;
	v17 =	vand.u32 $0xFFFF0000, v17;
	v21 =	vld [tilespmem:s29+$0xFFFFFF70];
	v23 =	vadd.f32 v39, v23  }
0x239: {  	v35 =	vshll.u32 v16, $0x10;
	v17 =	vadd.f32 v17, v24;
	v20 =	vadd.f32 v36, v20  }
0x23a: {  	v60 =	vld [tilespmem:s29+$0xFFFFFF90];
	v16 =	vand.u32 $0xFFFF0000, v16;
	v15 =	vadd.f32 v27, v15;
	v23 =	vadd.f32 v58, v23  }
0x23b: {  	v14 =	vand.u32 $0xFFFF0000, v14;
	v17 =	vadd.f32 v59, v17;
	v20 =	vadd.f32 v34, v20  }
0x23c: {  	v62 =	vld [tilespmem:s29+$0xFFFFFFB0];
	v14 =	vadd.f32 v14, v15;
	v15 =	vand.u32 $0xFFFF0000, v37;
	v23 =	vadd.f32 v61, v23  }
0x23d: {  	v15 =	vadd.f32 v15, v17;
	v17 =	vshll.u32 v21, $0x10;
	v20 =	vadd.f32 v35, v20  }
0x23e: {  	v14 =	vadd.f32 v16, v14;
	v16 =	vand.u32 $0xFFFF0000, v21;
	v21 =	vld [tilespmem:s29+$0xFFFFFFD0];
	v17 =	vadd.f32 v17, v23  }
0x23f: {  	v15 =	vadd.f32 v16, v15;
	v16 =	vshll.u32 v60, $0x10;
	v20 =	vadd.f32 v33, v20  }
0x240: {  	v63 =	vld [tilespmem:s29+$0xFFFFFFF0];
	v23 =	vand.u32 $0xFFFF0000, v60;
	v14 =	vadd.f32 v26, v14;
	v16 =	vadd.f32 v16, v17  }
0x241: {  	v15 =	vadd.f32 v23, v15;
	v17 =	vshll.u32 v62, $0x10;
	v18 =	vadd.f32 v18, v20  }
0x242: {  	v23 =	vld [tilespmem:s29+$0x10];
	v14 =	vadd.f32 v25, v14;
	v20 =	vand.u32 $0xFFFF0000, v62;
	v16 =	vadd.f32 v17, v16  }
0x243: {  	v15 =	vadd.f32 v20, v15;
	v17 =	vshll.u32 v21, $0x10;
	v18 =	vadd.f32 v31, v18  }
0x244: {  	v20 =	vand.u32 $0xFFFF0000, v21;
	v14 =	vadd.f32 v22, v14;
	v17 =	vadd.f32 v17, v16;
	v16 =	vld [tilespmem:s29+$0x30]  }
0x245: {  	v19 =	vand.u32 $0xFFFF0000, v19;
	v21 =	vshll.u32 v63, $0x10;
	v20 =	vadd.f32 v20, v15  }
0x246: {  	v15 =	vld [tilespmem:s29+$0x50];
	v22 =	vadd.f32 v29, v18;
	v14 =	vadd.f32 v19, v14;
	v18 =	vand.u32 $0xFFFF0000, v63  }
0x247: {  	v17 =	vadd.f32 v21, v17;
	v18 =	vadd.f32 v18, v20;
	v21 =	vshll.u32 v23, $0x10  }
0x248: {  	s30 =	simm.s32 $0x0;
	s0 =	simm.s32 $0x11300;
	v19 =	vadd.f32 v28, v22;
	v20 =	vadd.f32 v30, v14;
	v22 =	vand.u32 $0xFFFF0000, v23;
	v14 =	vld [tilespmem:s29+$0x70]  }
.LBB2_13:
0x249: {  	v23 =	vld [tilespmem:s0+$0xE0];
	v17 =	vadd.f32 v21, v17;
	v18 =	vadd.f32 v22, v18;
	v21 =	vshll.u32 v16, $0x10  }
0x24a: {  	v16 =	vand.u32 $0xFFFF0000, v16;
	v12 =	vadd.f32 v12, v19;
	v13 =	vadd.f32 v13, v20;
	v19 =	vld [tilespmem:s29+$0x90]  }
0x24b: {  	v17 =	vadd.f32 v21, v17;
	v16 =	vadd.f32 v16, v18;
	v18 =	vshll.u32 v15, $0x10;
	v20 =	vld [tilespmem:s29+$0xF0]  }
0x24c: {  	v10 =	vadd.f32 v10, v12;
	v11 =	vadd.f32 v11, v13;
	v12 =	vand.u32 $0xFFFF0000, v15;
	v13 =	vld [tilespmem:s29+$0xB0]  }
0x24d: {  	v15 =	vld [tilespmem:s0+$0xC0];
	v17 =	vadd.f32 v18, v17;
	v12 =	vadd.f32 v12, v16;
	v16 =	vshll.u32 v14, $0x10  }
0x24e: {  	v8 =	vadd.f32 v8, v10;
	v9 =	vadd.f32 v9, v11;
	v10 =	vand.u32 $0xFFFF0000, v14;
	v11 =	vld [tilespmem:s29+$0xD0];
	s29 =	smov.u32 s0  }
0x24f: {  	v14 =	vld [tilespmem:s0+$0xA0];
	v16 =	vadd.f32 v16, v17;
	v10 =	vadd.f32 v10, v12;
	v12 =	vshll.u32 v19, $0x10  }
0x250: {  	v17 =	vld [tilespmem:s0+$0x80];
	v6 =	vadd.f32 v6, v8;
	v7 =	vadd.f32 v7, v9;
	v8 =	vand.u32 $0xFFFF0000, v19  }
0x251: {  	v9 =	vld [tilespmem:s0+$0x60];
	v12 =	vadd.f32 v12, v16;
	v8 =	vadd.f32 v8, v10;
	v10 =	vshll.u32 v13, $0x10  }
0x252: {  	v16 =	vld [tilespmem:s0+$0x40];
	v4 =	vadd.f32 v4, v6;
	v5 =	vadd.f32 v5, v7;
	v6 =	vand.u32 $0xFFFF0000, v13  }
0x253: {  	v13 =	vld [tilespmem:s0+$0x20];
	v7 =	vadd.f32 v10, v12;
	v6 =	vadd.f32 v6, v8;
	v8 =	vshll.u32 v11, $0x10  }
0x254: {  	v18 =	vld [tilespmem:s0+$0x0];
	v2 =	vadd.f32 v2, v4;
	v3 =	vadd.f32 v3, v5;
	v4 =	vand.u32 $0xFFFF0000, v11  }
0x255: {  	v19 =	vld [tilespmem:s0+$0xFFFFFFE0];
	v5 =	vadd.f32 v8, v7;
	v4 =	vadd.f32 v4, v6;
	v6 =	vshll.u32 v20, $0x10  }
0x256: {  	v21 =	vld [tilespmem:s0+$0xFFFFFFC0];
	v22 =	vadd.f32 v0, v2;
	v24 =	vadd.f32 v1, v3;
	v0 =	vand.u32 $0xFFFF0000, v20  }
0x257: {  	v20 =	vld [tilespmem:s0+$0xFFFFFFA0];
	v25 =	vadd.f32 v6, v5;
	v26 =	vadd.f32 v0, v4  }
0x258: {  	v2 =	vshll.u32 v15, $0x10;
	v1 =	vand.u32 $0xFFFF0000, v23;
	v0 =	vshll.u32 v23, $0x10;
	v27 =	vld [tilespmem:s0+$0xFFFFFF80]  }
0x259: {  	v3 =	vand.u32 $0xFFFF0000, v15;
	v4 =	vshll.u32 v14, $0x10;
	v5 =	vand.u32 $0xFFFF0000, v14;
	v23 =	vld [tilespmem:s0+$0xFFFFFF60]  }
0x25a: {  	v7 =	vand.u32 $0xFFFF0000, v17;
	v8 =	vshll.u32 v9, $0x10;
	v6 =	vshll.u32 v17, $0x10;
	v14 =	vld [tilespmem:s0+$0xFFFFFF40]  }
0x25b: {  	v9 =	vand.u32 $0xFFFF0000, v9;
	v10 =	vshll.u32 v16, $0x10;
	v11 =	vand.u32 $0xFFFF0000, v16;
	v15 =	vld [tilespmem:s0+$0xFFFFFF20]  }
0x25c: {  	v12 =	vshll.u32 v13, $0x10;
	v13 =	vand.u32 $0xFFFF0000, v13;
	v28 =	vshll.u32 v18, $0x10;
	v16 =	vld [tilespmem:s0+$0xFFFFFF00]  }
0x25d: {  	v30 =	vand.u32 $0xFFFF0000, v18;
	v29 =	vshll.u32 v19, $0x10;
	v19 =	vand.u32 $0xFFFF0000, v19;
	v17 =	vld [tilespmem:s0+$0xFFFFFF10]  }
0x25e: {  	s30 =	sadd.s32 $0x10, s30;
	v31 =	vshll.u32 v21, $0x10;
	v21 =	vand.u32 $0xFFFF0000, v21;
	v18 =	vshll.u32 v20, $0x10  }
0x25f: {  	p1 =	slt.u32 s30, $0x70;
	v20 =	vand.u32 $0xFFFF0000, v20;
	v33 =	vshll.u32 v27, $0x10;
	v27 =	vand.u32 $0xFFFF0000, v27;
	v32 =	vld [tilespmem:s0+$0xFFFFFF30]  }
0x260: {  	v35 =	vshll.u32 v23, $0x10;
	v23 =	vand.u32 $0xFFFF0000, v23;
	v34 =	vshll.u32 v14, $0x10  }
0x261: {  	v14 =	vand.u32 $0xFFFF0000, v14;
	v36 =	vshll.u32 v15, $0x10;
	v15 =	vand.u32 $0xFFFF0000, v15;
	v37 =	vld [tilespmem:s0+$0xFFFFFF50]  }
0x262: {  	v38 =	vshll.u32 v16, $0x10;
	v16 =	vand.u32 $0xFFFF0000, v16;
	v39 =	vshll.u32 v17, $0x10  }
0x263: {  	v22 =	vadd.f32 v38, v22;
	v16 =	vadd.f32 v16, v24;
	v17 =	vand.u32 $0xFFFF0000, v17;
	v24 =	vld [tilespmem:s0+$0xFFFFFF70]  }
0x264: {  	v25 =	vadd.f32 v39, v25;
	v17 =	vadd.f32 v17, v26;
	v26 =	vshll.u32 v32, $0x10  }
0x265: {  	v22 =	vadd.f32 v36, v22;
	v15 =	vadd.f32 v15, v16;
	v16 =	vand.u32 $0xFFFF0000, v32;
	v32 =	vld [tilespmem:s0+$0xFFFFFF90]  }
0x266: {  	v25 =	vadd.f32 v26, v25;
	v16 =	vadd.f32 v16, v17;
	v17 =	vshll.u32 v37, $0x10  }
0x267: {  	v22 =	vadd.f32 v34, v22;
	v14 =	vadd.f32 v14, v15;
	v15 =	vand.u32 $0xFFFF0000, v37;
	v26 =	vld [tilespmem:s0+$0xFFFFFFB0]  }
0x268: {  	v17 =	vadd.f32 v17, v25;
	v15 =	vadd.f32 v15, v16;
	v16 =	vshll.u32 v24, $0x10  }
0x269: {  	v22 =	vadd.f32 v35, v22;
	v14 =	vadd.f32 v23, v14;
	v23 =	vand.u32 $0xFFFF0000, v24;
	v24 =	vld [tilespmem:s0+$0xFFFFFFD0]  }
0x26a: {  	v16 =	vadd.f32 v16, v17;
	v15 =	vadd.f32 v23, v15;
	v17 =	vshll.u32 v32, $0x10  }
0x26b: {  	v22 =	vadd.f32 v33, v22;
	v14 =	vadd.f32 v27, v14;
	v23 =	vand.u32 $0xFFFF0000, v32;
	v25 =	vld [tilespmem:s0+$0xFFFFFFF0]  }
0x26c: {  	v16 =	vadd.f32 v17, v16;
	v15 =	vadd.f32 v23, v15;
	v17 =	vshll.u32 v26, $0x10  }
0x26d: {  	v18 =	vadd.f32 v18, v22;
	v14 =	vadd.f32 v20, v14;
	v20 =	vand.u32 $0xFFFF0000, v26;
	v22 =	vld [tilespmem:s0+$0x10]  }
0x26e: {  	v17 =	vadd.f32 v17, v16;
	v15 =	vadd.f32 v20, v15;
	v20 =	vshll.u32 v24, $0x10  }
.Ltmp5:
0x26f: {  	v18 =	vadd.f32 v31, v18;
	v14 =	vadd.f32 v21, v14;
	v21 =	vand.u32 $0xFFFF0000, v24;
	v16 =	vld [tilespmem:s0+$0x30];
	(pc) =	sbr.rel @p1 .LBB2_13-.Ltmp5, $4  }
0x270: {  	v17 =	vadd.f32 v20, v17;
	v20 =	vadd.f32 v21, v15;
	v21 =	vshll.u32 v25, $0x10  }
0x271: {  	v23 =	vadd.f32 v29, v18;
	v14 =	vadd.f32 v19, v14;
	v18 =	vand.u32 $0xFFFF0000, v25;
	v15 =	vld [tilespmem:s0+$0x50]  }
0x272: {  	v17 =	vadd.f32 v21, v17;
	v18 =	vadd.f32 v18, v20;
	v21 =	vshll.u32 v22, $0x10  }
0x273: {  	s0 =	sadd.s32 $0x200, s0;
	v19 =	vadd.f32 v28, v23;
	v20 =	vadd.f32 v30, v14;
	v22 =	vand.u32 $0xFFFF0000, v22;
	v14 =	vld [tilespmem:s29+$0x70]  }
0x274: {  	v23 =	vld [tilespmem:s29+$0x90]  }
0x275: {  	v24 =	vld [tilespmem:s29+$0xF0]  }
0x276: {  	v25 =	vld [tilespmem:s29+$0xB0]  }
0x277: {  	v26 =	vld [tilespmem:s29+$0xD0];
	_ =	swait.ge [sflag:s15], $0x1000  }
0x278: {  	v17 =	vadd.f32 v21, v17;
	s0 =	sor.u32 @!p0 $0x80, s28;
	[sflag:s15] =	ssyncset.done $0x0  }
0x279: {  	v18 =	vadd.f32 v22, v18;
	v21 =	vshll.u32 v16, $0x10;
	s29 =	simm.s32 @!p0 $0x80;
	s30 =	simm.s32 @!p0 $0x11000;
	v12 =	vadd.f32 v12, v19;
	[sflag:s15] =	ssyncadd.s32 $0xFFFFF000  }
0x27a: {  	v16 =	vand.u32 $0xFFFF0000, v16;
	v13 =	vadd.f32 v13, v20;
	v17 =	vadd.f32 v21, v17;
	[tilespmem:s30], [sflag:$0x6] =	stream.indirect.gather @!p0 [hbm4b:s4+s29], $0x20, s0, s29, $0xb8;
	[tilespmem:$0x15840] =	vst v63  }
0x27b: {  	v16 =	vadd.f32 v16, v18;
	v18 =	vshll.u32 v15, $0x10;
	v10 =	vadd.f32 v10, v12;
	s29 =	simm.s32 $0x12100  }
0x27c: {  	v11 =	vadd.f32 v11, v13;
	v12 =	vand.u32 $0xFFFF0000, v15;
	v13 =	vadd.f32 v18, v17;
	v18 =	vld [tilespmem:s29+$0x0]  }
0x27d: {  	v12 =	vadd.f32 v12, v16;
	v15 =	vshll.u32 v14, $0x10;
	v19 =	vld [tilespmem:s29+$0xFFFFFFE0]  }
0x27e: {  	v22 =	vld [tilespmem:s29+$0xFFFFFFC0];
	v8 =	vadd.f32 v8, v10;
	v9 =	vadd.f32 v9, v11;
	v10 =	vand.u32 $0xFFFF0000, v14  }
0x27f: {  	v56 =	vld [tilespmem:s29+$0xFFFFFFA0];
	v13 =	vadd.f32 v15, v13;
	v10 =	vadd.f32 v10, v12;
	v12 =	vshll.u32 v23, $0x10  }
0x280: {  	v16 =	vld [tilespmem:s29+$0xE0];
	v6 =	vadd.f32 v6, v8;
	v7 =	vadd.f32 v7, v9;
	v8 =	vand.u32 $0xFFFF0000, v23  }
0x281: {  	v17 =	vld [tilespmem:s29+$0x20];
	v12 =	vadd.f32 v12, v13;
	v8 =	vadd.f32 v8, v10  }
0x282: {  	v15 =	vld [tilespmem:s29+$0x40];
	v10 =	vshll.u32 v25, $0x10;
	v4 =	vadd.f32 v4, v6;
	v5 =	vadd.f32 v5, v7  }
0x283: {  	v57 =	vld [tilespmem:s29+$0xFFFFFF80];
	v6 =	vand.u32 $0xFFFF0000, v25;
	v28 =	vshll.u32 v18, $0x10;
	v29 =	vshll.u32 v19, $0x10  }
0x284: {  	v9 =	vld [tilespmem:s29+$0x80];
	v30 =	vand.u32 $0xFFFF0000, v18;
	v18 =	vshll.u32 v56, $0x10;
	v31 =	vshll.u32 v22, $0x10  }
0x285: {  	v11 =	vld [tilespmem:s29+$0xC0];
	v22 =	vand.u32 $0xFFFF0000, v22;
	v7 =	vadd.f32 v10, v12;
	v6 =	vadd.f32 v6, v8  }
0x286: {  	v13 =	vld [tilespmem:s29+$0x60];
	v8 =	vshll.u32 v26, $0x10;
	v12 =	vshll.u32 v17, $0x10;
	v2 =	vadd.f32 v2, v4  }
0x287: {  	v14 =	vld [tilespmem:s29+$0xA0];
	v3 =	vadd.f32 v3, v5;
	v4 =	vand.u32 $0xFFFF0000, v26;
	v10 =	vshll.u32 v15, $0x10  }
0x288: {  	v27 =	vld [tilespmem:s29+$0xFFFFFF20];
	v5 =	vadd.f32 v8, v7;
	v4 =	vadd.f32 v4, v6;
	v6 =	vshll.u32 v24, $0x10  }
0x289: {  	v32 =	vld [tilespmem:s29+$0xFFFFFF30];
	v7 =	vand.u32 $0xFFFF0000, v9;
	v20 =	vadd.f32 v0, v2;
	v21 =	vadd.f32 v1, v3  }
0x28a: {  	v37 =	vld [tilespmem:s29+$0xFFFFFF50];
	v0 =	vand.u32 $0xFFFF0000, v24;
	v2 =	vshll.u32 v11, $0x10;
	v3 =	vand.u32 $0xFFFF0000, v11  }
0x28b: {  	v8 =	vshll.u32 v13, $0x10;
	v11 =	vand.u32 $0xFFFF0000, v15;
	v15 =	vld [tilespmem:s29+$0xFFFFFF00];
	v23 =	vadd.f32 v6, v5  }
0x28c: {  	v24 =	vadd.f32 v0, v4;
	v4 =	vshll.u32 v14, $0x10;
	v5 =	vand.u32 $0xFFFF0000, v14;
	v14 =	vld [tilespmem:s29+$0xFFFFFF40]  }
0x28d: {  	v6 =	vshll.u32 v9, $0x10;
	v9 =	vand.u32 $0xFFFF0000, v13;
	v13 =	vand.u32 $0xFFFF0000, v17;
	v17 =	vld [tilespmem:s29+$0xFFFFFF10]  }
0x28e: {  	v33 =	vshll.u32 v57, $0x10;
	v25 =	vand.u32 $0xFFFF0000, v56;
	v36 =	vshll.u32 v27, $0x10  }
0x28f: {  	v27 =	vand.u32 $0xFFFF0000, v27;
	v1 =	vand.u32 $0xFFFF0000, v16;
	v0 =	vshll.u32 v16, $0x10;
	v16 =	vld [tilespmem:s29+$0xFFFFFF60]  }
0x290: {  	v58 =	vshll.u32 v32, $0x10;
	v59 =	vand.u32 $0xFFFF0000, v32;
	v61 =	vshll.u32 v37, $0x10  }
0x291: {  	v26 =	vand.u32 $0xFFFF0000, v57;
	v38 =	vshll.u32 v15, $0x10;
	v15 =	vand.u32 $0xFFFF0000, v15  }
0x292: {  	v34 =	vshll.u32 v14, $0x10;
	v39 =	vshll.u32 v17, $0x10;
	v20 =	vadd.f32 v38, v20  }
0x293: {  	v15 =	vadd.f32 v15, v21;
	v17 =	vand.u32 $0xFFFF0000, v17;
	v21 =	vld [tilespmem:s29+$0xFFFFFF70];
	v23 =	vadd.f32 v39, v23  }
0x294: {  	v35 =	vshll.u32 v16, $0x10;
	v17 =	vadd.f32 v17, v24;
	v20 =	vadd.f32 v36, v20  }
0x295: {  	v60 =	vld [tilespmem:s29+$0xFFFFFF90];
	v16 =	vand.u32 $0xFFFF0000, v16;
	v15 =	vadd.f32 v27, v15;
	v23 =	vadd.f32 v58, v23  }
0x296: {  	v14 =	vand.u32 $0xFFFF0000, v14;
	v17 =	vadd.f32 v59, v17;
	v20 =	vadd.f32 v34, v20  }
0x297: {  	v62 =	vld [tilespmem:s29+$0xFFFFFFB0];
	v14 =	vadd.f32 v14, v15;
	v15 =	vand.u32 $0xFFFF0000, v37;
	v23 =	vadd.f32 v61, v23  }
0x298: {  	v15 =	vadd.f32 v15, v17;
	v17 =	vshll.u32 v21, $0x10;
	v20 =	vadd.f32 v35, v20  }
0x299: {  	v14 =	vadd.f32 v16, v14;
	v16 =	vand.u32 $0xFFFF0000, v21;
	v21 =	vld [tilespmem:s29+$0xFFFFFFD0];
	v17 =	vadd.f32 v17, v23  }
0x29a: {  	v15 =	vadd.f32 v16, v15;
	v16 =	vshll.u32 v60, $0x10;
	v20 =	vadd.f32 v33, v20  }
0x29b: {  	v63 =	vld [tilespmem:s29+$0xFFFFFFF0];
	v23 =	vand.u32 $0xFFFF0000, v60;
	v14 =	vadd.f32 v26, v14;
	v16 =	vadd.f32 v16, v17  }
0x29c: {  	v15 =	vadd.f32 v23, v15;
	v17 =	vshll.u32 v62, $0x10;
	v18 =	vadd.f32 v18, v20  }
0x29d: {  	v23 =	vld [tilespmem:s29+$0x10];
	v14 =	vadd.f32 v25, v14;
	v20 =	vand.u32 $0xFFFF0000, v62;
	v16 =	vadd.f32 v17, v16  }
0x29e: {  	v15 =	vadd.f32 v20, v15;
	v17 =	vshll.u32 v21, $0x10;
	v18 =	vadd.f32 v31, v18  }
0x29f: {  	v20 =	vand.u32 $0xFFFF0000, v21;
	v14 =	vadd.f32 v22, v14;
	v17 =	vadd.f32 v17, v16;
	v16 =	vld [tilespmem:s29+$0x30]  }
0x2a0: {  	v19 =	vand.u32 $0xFFFF0000, v19;
	v21 =	vshll.u32 v63, $0x10;
	v20 =	vadd.f32 v20, v15  }
0x2a1: {  	v15 =	vld [tilespmem:s29+$0x50];
	v22 =	vadd.f32 v29, v18;
	v14 =	vadd.f32 v19, v14;
	v18 =	vand.u32 $0xFFFF0000, v63  }
0x2a2: {  	v17 =	vadd.f32 v21, v17;
	v18 =	vadd.f32 v18, v20;
	v21 =	vshll.u32 v23, $0x10  }
0x2a3: {  	s30 =	simm.s32 $0x0;
	s0 =	simm.s32 $0x12300;
	v19 =	vadd.f32 v28, v22;
	v20 =	vadd.f32 v30, v14;
	v22 =	vand.u32 $0xFFFF0000, v23;
	v14 =	vld [tilespmem:s29+$0x70]  }
.LBB2_15:
0x2a4: {  	v23 =	vld [tilespmem:s0+$0xE0];
	v17 =	vadd.f32 v21, v17;
	v18 =	vadd.f32 v22, v18;
	v21 =	vshll.u32 v16, $0x10  }
0x2a5: {  	v16 =	vand.u32 $0xFFFF0000, v16;
	v12 =	vadd.f32 v12, v19;
	v13 =	vadd.f32 v13, v20;
	v19 =	vld [tilespmem:s29+$0x90]  }
0x2a6: {  	v17 =	vadd.f32 v21, v17;
	v16 =	vadd.f32 v16, v18;
	v18 =	vshll.u32 v15, $0x10;
	v20 =	vld [tilespmem:s29+$0xF0]  }
0x2a7: {  	v10 =	vadd.f32 v10, v12;
	v11 =	vadd.f32 v11, v13;
	v12 =	vand.u32 $0xFFFF0000, v15;
	v13 =	vld [tilespmem:s29+$0xB0]  }
0x2a8: {  	v15 =	vld [tilespmem:s0+$0xC0];
	v17 =	vadd.f32 v18, v17;
	v12 =	vadd.f32 v12, v16;
	v16 =	vshll.u32 v14, $0x10  }
0x2a9: {  	v8 =	vadd.f32 v8, v10;
	v9 =	vadd.f32 v9, v11;
	v10 =	vand.u32 $0xFFFF0000, v14;
	v11 =	vld [tilespmem:s29+$0xD0];
	s29 =	smov.u32 s0  }
0x2aa: {  	v14 =	vld [tilespmem:s0+$0xA0];
	v16 =	vadd.f32 v16, v17;
	v10 =	vadd.f32 v10, v12;
	v12 =	vshll.u32 v19, $0x10  }
0x2ab: {  	v17 =	vld [tilespmem:s0+$0x80];
	v6 =	vadd.f32 v6, v8;
	v7 =	vadd.f32 v7, v9;
	v8 =	vand.u32 $0xFFFF0000, v19  }
0x2ac: {  	v9 =	vld [tilespmem:s0+$0x60];
	v12 =	vadd.f32 v12, v16;
	v8 =	vadd.f32 v8, v10;
	v10 =	vshll.u32 v13, $0x10  }
0x2ad: {  	v16 =	vld [tilespmem:s0+$0x40];
	v4 =	vadd.f32 v4, v6;
	v5 =	vadd.f32 v5, v7;
	v6 =	vand.u32 $0xFFFF0000, v13  }
0x2ae: {  	v13 =	vld [tilespmem:s0+$0x20];
	v7 =	vadd.f32 v10, v12;
	v6 =	vadd.f32 v6, v8;
	v8 =	vshll.u32 v11, $0x10  }
0x2af: {  	v18 =	vld [tilespmem:s0+$0x0];
	v2 =	vadd.f32 v2, v4;
	v3 =	vadd.f32 v3, v5;
	v4 =	vand.u32 $0xFFFF0000, v11  }
0x2b0: {  	v19 =	vld [tilespmem:s0+$0xFFFFFFE0];
	v5 =	vadd.f32 v8, v7;
	v4 =	vadd.f32 v4, v6;
	v6 =	vshll.u32 v20, $0x10  }
0x2b1: {  	v21 =	vld [tilespmem:s0+$0xFFFFFFC0];
	v22 =	vadd.f32 v0, v2;
	v24 =	vadd.f32 v1, v3;
	v0 =	vand.u32 $0xFFFF0000, v20  }
0x2b2: {  	v20 =	vld [tilespmem:s0+$0xFFFFFFA0];
	v25 =	vadd.f32 v6, v5;
	v26 =	vadd.f32 v0, v4  }
0x2b3: {  	v2 =	vshll.u32 v15, $0x10;
	v1 =	vand.u32 $0xFFFF0000, v23;
	v0 =	vshll.u32 v23, $0x10;
	v27 =	vld [tilespmem:s0+$0xFFFFFF80]  }
0x2b4: {  	v3 =	vand.u32 $0xFFFF0000, v15;
	v4 =	vshll.u32 v14, $0x10;
	v5 =	vand.u32 $0xFFFF0000, v14;
	v23 =	vld [tilespmem:s0+$0xFFFFFF60]  }
0x2b5: {  	v7 =	vand.u32 $0xFFFF0000, v17;
	v8 =	vshll.u32 v9, $0x10;
	v6 =	vshll.u32 v17, $0x10;
	v14 =	vld [tilespmem:s0+$0xFFFFFF40]  }
0x2b6: {  	v9 =	vand.u32 $0xFFFF0000, v9;
	v10 =	vshll.u32 v16, $0x10;
	v11 =	vand.u32 $0xFFFF0000, v16;
	v15 =	vld [tilespmem:s0+$0xFFFFFF20]  }
0x2b7: {  	v12 =	vshll.u32 v13, $0x10;
	v13 =	vand.u32 $0xFFFF0000, v13;
	v28 =	vshll.u32 v18, $0x10;
	v16 =	vld [tilespmem:s0+$0xFFFFFF00]  }
0x2b8: {  	v30 =	vand.u32 $0xFFFF0000, v18;
	v29 =	vshll.u32 v19, $0x10;
	v19 =	vand.u32 $0xFFFF0000, v19;
	v17 =	vld [tilespmem:s0+$0xFFFFFF10]  }
0x2b9: {  	s30 =	sadd.s32 $0x10, s30;
	v31 =	vshll.u32 v21, $0x10;
	v21 =	vand.u32 $0xFFFF0000, v21;
	v18 =	vshll.u32 v20, $0x10  }
0x2ba: {  	p1 =	slt.u32 s30, $0x70;
	v20 =	vand.u32 $0xFFFF0000, v20;
	v33 =	vshll.u32 v27, $0x10;
	v27 =	vand.u32 $0xFFFF0000, v27;
	v32 =	vld [tilespmem:s0+$0xFFFFFF30]  }
0x2bb: {  	v35 =	vshll.u32 v23, $0x10;
	v23 =	vand.u32 $0xFFFF0000, v23;
	v34 =	vshll.u32 v14, $0x10  }
0x2bc: {  	v14 =	vand.u32 $0xFFFF0000, v14;
	v36 =	vshll.u32 v15, $0x10;
	v15 =	vand.u32 $0xFFFF0000, v15;
	v37 =	vld [tilespmem:s0+$0xFFFFFF50]  }
0x2bd: {  	v38 =	vshll.u32 v16, $0x10;
	v16 =	vand.u32 $0xFFFF0000, v16;
	v39 =	vshll.u32 v17, $0x10  }
0x2be: {  	v22 =	vadd.f32 v38, v22;
	v16 =	vadd.f32 v16, v24;
	v17 =	vand.u32 $0xFFFF0000, v17;
	v24 =	vld [tilespmem:s0+$0xFFFFFF70]  }
0x2bf: {  	v25 =	vadd.f32 v39, v25;
	v17 =	vadd.f32 v17, v26;
	v26 =	vshll.u32 v32, $0x10  }
0x2c0: {  	v22 =	vadd.f32 v36, v22;
	v15 =	vadd.f32 v15, v16;
	v16 =	vand.u32 $0xFFFF0000, v32;
	v32 =	vld [tilespmem:s0+$0xFFFFFF90]  }
0x2c1: {  	v25 =	vadd.f32 v26, v25;
	v16 =	vadd.f32 v16, v17;
	v17 =	vshll.u32 v37, $0x10  }
0x2c2: {  	v22 =	vadd.f32 v34, v22;
	v14 =	vadd.f32 v14, v15;
	v15 =	vand.u32 $0xFFFF0000, v37;
	v26 =	vld [tilespmem:s0+$0xFFFFFFB0]  }
0x2c3: {  	v17 =	vadd.f32 v17, v25;
	v15 =	vadd.f32 v15, v16;
	v16 =	vshll.u32 v24, $0x10  }
0x2c4: {  	v22 =	vadd.f32 v35, v22;
	v14 =	vadd.f32 v23, v14;
	v23 =	vand.u32 $0xFFFF0000, v24;
	v24 =	vld [tilespmem:s0+$0xFFFFFFD0]  }
0x2c5: {  	v16 =	vadd.f32 v16, v17;
	v15 =	vadd.f32 v23, v15;
	v17 =	vshll.u32 v32, $0x10  }
0x2c6: {  	v22 =	vadd.f32 v33, v22;
	v14 =	vadd.f32 v27, v14;
	v23 =	vand.u32 $0xFFFF0000, v32;
	v25 =	vld [tilespmem:s0+$0xFFFFFFF0]  }
0x2c7: {  	v16 =	vadd.f32 v17, v16;
	v15 =	vadd.f32 v23, v15;
	v17 =	vshll.u32 v26, $0x10  }
0x2c8: {  	v18 =	vadd.f32 v18, v22;
	v14 =	vadd.f32 v20, v14;
	v20 =	vand.u32 $0xFFFF0000, v26;
	v22 =	vld [tilespmem:s0+$0x10]  }
0x2c9: {  	v17 =	vadd.f32 v17, v16;
	v15 =	vadd.f32 v20, v15;
	v20 =	vshll.u32 v24, $0x10  }
.Ltmp6:
0x2ca: {  	v18 =	vadd.f32 v31, v18;
	v14 =	vadd.f32 v21, v14;
	v21 =	vand.u32 $0xFFFF0000, v24;
	v16 =	vld [tilespmem:s0+$0x30];
	(pc) =	sbr.rel @p1 .LBB2_15-.Ltmp6, $4  }
0x2cb: {  	v17 =	vadd.f32 v20, v17;
	v20 =	vadd.f32 v21, v15;
	v21 =	vshll.u32 v25, $0x10  }
0x2cc: {  	v23 =	vadd.f32 v29, v18;
	v14 =	vadd.f32 v19, v14;
	v18 =	vand.u32 $0xFFFF0000, v25;
	v15 =	vld [tilespmem:s0+$0x50]  }
0x2cd: {  	v17 =	vadd.f32 v21, v17;
	v18 =	vadd.f32 v18, v20;
	v21 =	vshll.u32 v22, $0x10  }
0x2ce: {  	s0 =	sadd.s32 $0x200, s0;
	v19 =	vadd.f32 v28, v23;
	v20 =	vadd.f32 v30, v14;
	v22 =	vand.u32 $0xFFFF0000, v22;
	v14 =	vld [tilespmem:s29+$0x70]  }
0x2cf: {  	v23 =	vld [tilespmem:s29+$0x90]  }
0x2d0: {  	v24 =	vld [tilespmem:s29+$0xF0]  }
0x2d1: {  	v25 =	vld [tilespmem:s29+$0xB0]  }
0x2d2: {  	v26 =	vld [tilespmem:s29+$0xD0];
	_ =	swait.ge [sflag:s20], $0x1000  }
0x2d3: {  	v17 =	vadd.f32 v21, v17;
	s0 =	sor.u32 @!p0 $0x100, s28;
	[sflag:s20] =	ssyncset.done $0x0  }
0x2d4: {  	v18 =	vadd.f32 v22, v18;
	v21 =	vshll.u32 v16, $0x10;
	s28 =	simm.s32 @!p0 $0x80;
	s29 =	simm.s32 @!p0 $0x12000;
	v12 =	vadd.f32 v12, v19;
	[sflag:s20] =	ssyncadd.s32 $0xFFFFF000  }
0x2d5: {  	v16 =	vand.u32 $0xFFFF0000, v16;
	v13 =	vadd.f32 v13, v20;
	v17 =	vadd.f32 v21, v17;
	[tilespmem:s29], [sflag:$0x7] =	stream.indirect.gather @!p0 [hbm4b:s4+s28], $0x20, s0, s28, $0xb8;
	[tilespmem:$0x15840] =	vst v63  }
0x2d6: {  	v16 =	vadd.f32 v16, v18;
	v18 =	vshll.u32 v15, $0x10;
	v10 =	vadd.f32 v10, v12;
	s28 =	simm.s32 $0x13100  }
0x2d7: {  	v11 =	vadd.f32 v11, v13;
	v12 =	vand.u32 $0xFFFF0000, v15;
	v13 =	vadd.f32 v18, v17;
	v17 =	vld [tilespmem:s28+$0x0]  }
0x2d8: {  	v12 =	vadd.f32 v12, v16;
	v15 =	vshll.u32 v14, $0x10;
	v18 =	vld [tilespmem:s28+$0xFFFFFFE0]  }
0x2d9: {  	v21 =	vld [tilespmem:s28+$0xFFFFFFC0];
	v8 =	vadd.f32 v8, v10;
	v9 =	vadd.f32 v9, v11;
	v10 =	vand.u32 $0xFFFF0000, v14  }
0x2da: {  	v55 =	vld [tilespmem:s28+$0xFFFFFFA0];
	v13 =	vadd.f32 v15, v13;
	v10 =	vadd.f32 v10, v12;
	v12 =	vshll.u32 v23, $0x10  }
0x2db: {  	v56 =	vld [tilespmem:s28+$0xFFFFFF80];
	v6 =	vadd.f32 v6, v8;
	v7 =	vadd.f32 v7, v9;
	v8 =	vand.u32 $0xFFFF0000, v23  }
0x2dc: {  	v57 =	vld [tilespmem:s28+$0xFFFFFF20];
	v12 =	vadd.f32 v12, v13;
	v8 =	vadd.f32 v8, v10  }
0x2dd: {  	v16 =	vld [tilespmem:s28+$0xE0];
	v10 =	vshll.u32 v25, $0x10;
	v4 =	vadd.f32 v4, v6;
	v5 =	vadd.f32 v5, v7  }
0x2de: {  	v15 =	vld [tilespmem:s28+$0x40];
	v6 =	vand.u32 $0xFFFF0000, v25;
	v27 =	vshll.u32 v17, $0x10;
	v29 =	vshll.u32 v18, $0x10  }
0x2df: {  	v28 =	vld [tilespmem:s28+$0xFFFFFF10];
	v18 =	vand.u32 $0xFFFF0000, v18;
	v30 =	vand.u32 $0xFFFF0000, v17;
	v17 =	vshll.u32 v55, $0x10  }
0x2e0: {  	v32 =	vld [tilespmem:s28+$0xFFFFFF30];
	v31 =	vshll.u32 v21, $0x10;
	v21 =	vand.u32 $0xFFFF0000, v21;
	v33 =	vshll.u32 v56, $0x10  }
0x2e1: {  	v11 =	vld [tilespmem:s28+$0xC0];
	v25 =	vand.u32 $0xFFFF0000, v56;
	v36 =	vshll.u32 v57, $0x10;
	v7 =	vadd.f32 v10, v12  }
0x2e2: {  	v14 =	vld [tilespmem:s28+$0xA0];
	v6 =	vadd.f32 v6, v8;
	v8 =	vshll.u32 v26, $0x10;
	v2 =	vadd.f32 v2, v4  }
0x2e3: {  	v9 =	vld [tilespmem:s28+$0x80];
	v3 =	vadd.f32 v3, v5;
	v4 =	vand.u32 $0xFFFF0000, v26;
	v10 =	vand.u32 $0xFFFF0000, v15  }
0x2e4: {  	v13 =	vld [tilespmem:s28+$0x60];
	v5 =	vadd.f32 v8, v7;
	v4 =	vadd.f32 v4, v6;
	v6 =	vshll.u32 v24, $0x10  }
0x2e5: {  	v12 =	vld [tilespmem:s28+$0x20];
	v19 =	vadd.f32 v0, v2;
	v20 =	vadd.f32 v1, v3;
	v0 =	vand.u32 $0xFFFF0000, v24  }
0x2e6: {  	v3 =	vshll.u32 v11, $0x10;
	v2 =	vand.u32 $0xFFFF0000, v11;
	v11 =	vshll.u32 v15, $0x10;
	v15 =	vld [tilespmem:s28+$0xFFFFFF00]  }
0x2e7: {  	v1 =	vshll.u32 v16, $0x10;
	v23 =	vadd.f32 v0, v4;
	v0 =	vand.u32 $0xFFFF0000, v16;
	v16 =	vld [tilespmem:s28+$0xFFFFFF60]  }
0x2e8: {  	v22 =	vadd.f32 v6, v5;
	v5 =	vshll.u32 v14, $0x10;
	v4 =	vand.u32 $0xFFFF0000, v14;
	v14 =	vld [tilespmem:s28+$0xFFFFFF40]  }
0x2e9: {  	v39 =	vshll.u32 v28, $0x10;
	v59 =	vand.u32 $0xFFFF0000, v32;
	v26 =	vand.u32 $0xFFFF0000, v57  }
0x2ea: {  	v7 =	vshll.u32 v9, $0x10;
	v8 =	vshll.u32 v13, $0x10;
	v24 =	vand.u32 $0xFFFF0000, v55  }
0x2eb: {  	v6 =	vand.u32 $0xFFFF0000, v9;
	v9 =	vand.u32 $0xFFFF0000, v13;
	v13 =	vshll.u32 v12, $0x10  }
0x2ec: {  	v37 =	vld [tilespmem:s28+$0xFFFFFF50];
	v22 =	vadd.f32 v39, v22;
	v38 =	vshll.u32 v15, $0x10;
	v15 =	vand.u32 $0xFFFF0000, v15  }
0x2ed: {  	v34 =	vshll.u32 v14, $0x10;
	v35 =	vshll.u32 v16, $0x10;
	v19 =	vadd.f32 v38, v19  }
0x2ee: {  	v58 =	vld [tilespmem:s28+$0xFFFFFF70];
	v16 =	vand.u32 $0xFFFF0000, v16;
	v15 =	vadd.f32 v15, v20;
	v20 =	vand.u32 $0xFFFF0000, v28  }
0x2ef: {  	v20 =	vadd.f32 v20, v23;
	v23 =	vshll.u32 v32, $0x10;
	v19 =	vadd.f32 v36, v19  }
0x2f0: {  	v60 =	vld [tilespmem:s28+$0xFFFFFF90];
	v14 =	vand.u32 $0xFFFF0000, v14;
	v15 =	vadd.f32 v26, v15;
	v22 =	vadd.f32 v23, v22  }
0x2f1: {  	v23 =	vshll.u32 v37, $0x10;
	v20 =	vadd.f32 v59, v20;
	v19 =	vadd.f32 v34, v19  }
0x2f2: {  	v61 =	vld [tilespmem:s28+$0xFFFFFFB0];
	v14 =	vadd.f32 v14, v15;
	v15 =	vand.u32 $0xFFFF0000, v37;
	v22 =	vadd.f32 v23, v22  }
0x2f3: {  	v15 =	vadd.f32 v15, v20;
	v20 =	vshll.u32 v58, $0x10;
	v19 =	vadd.f32 v35, v19  }
0x2f4: {  	v23 =	vld [tilespmem:s28+$0xFFFFFFD0];
	v14 =	vadd.f32 v16, v14;
	v16 =	vand.u32 $0xFFFF0000, v58;
	v20 =	vadd.f32 v20, v22  }
0x2f5: {  	v15 =	vadd.f32 v16, v15;
	v16 =	vshll.u32 v60, $0x10;
	v19 =	vadd.f32 v33, v19  }
0x2f6: {  	v62 =	vld [tilespmem:s28+$0xFFFFFFF0];
	v22 =	vand.u32 $0xFFFF0000, v60;
	v14 =	vadd.f32 v25, v14;
	v16 =	vadd.f32 v16, v20  }
0x2f7: {  	v20 =	vshll.u32 v61, $0x10;
	v15 =	vadd.f32 v22, v15;
	v17 =	vadd.f32 v17, v19  }
0x2f8: {  	v63 =	vld [tilespmem:s28+$0x10];
	v14 =	vadd.f32 v24, v14;
	v19 =	vand.u32 $0xFFFF0000, v61;
	v16 =	vadd.f32 v20, v16  }
0x2f9: {  	v15 =	vadd.f32 v19, v15;
	v19 =	vshll.u32 v23, $0x10;
	v17 =	vadd.f32 v31, v17  }
0x2fa: {  	v20 =	vand.u32 $0xFFFF0000, v23;
	v14 =	vadd.f32 v21, v14;
	v19 =	vadd.f32 v19, v16;
	v16 =	vld [tilespmem:s28+$0x30]  }
0x2fb: {  	v12 =	vand.u32 $0xFFFF0000, v12;
	v15 =	vadd.f32 v20, v15;
	v20 =	vshll.u32 v62, $0x10  }
0x2fc: {  	v21 =	vadd.f32 v29, v17;
	v18 =	vadd.f32 v18, v14;
	v17 =	vand.u32 $0xFFFF0000, v62;
	v14 =	vld [tilespmem:s28+$0x50]  }
0x2fd: {  	v19 =	vadd.f32 v20, v19;
	v20 =	vshll.u32 v63, $0x10;
	v17 =	vadd.f32 v17, v15  }
0x2fe: {  	s29 =	simm.s32 $0x0;
	s0 =	simm.s32 $0x13300;
	v15 =	vld [tilespmem:s28+$0x70];
	v22 =	vadd.f32 v27, v21;
	v21 =	vadd.f32 v30, v18;
	v18 =	vand.u32 $0xFFFF0000, v63  }
.LBB2_17:
0x2ff: {  	v23 =	vld [tilespmem:s0+$0xE0];
	v19 =	vadd.f32 v20, v19;
	v17 =	vadd.f32 v18, v17;
	v18 =	vshll.u32 v16, $0x10  }
0x300: {  	v16 =	vand.u32 $0xFFFF0000, v16;
	v13 =	vadd.f32 v13, v22;
	v12 =	vadd.f32 v12, v21;
	v20 =	vld [tilespmem:s28+$0x90]  }
0x301: {  	v18 =	vadd.f32 v18, v19;
	v16 =	vadd.f32 v16, v17;
	v17 =	vshll.u32 v14, $0x10;
	v19 =	vld [tilespmem:s28+$0xF0]  }
0x302: {  	v11 =	vadd.f32 v11, v13;
	v10 =	vadd.f32 v10, v12;
	v12 =	vand.u32 $0xFFFF0000, v14;
	v13 =	vld [tilespmem:s28+$0xB0]  }
0x303: {  	v14 =	vld [tilespmem:s0+$0xC0];
	v17 =	vadd.f32 v17, v18;
	v12 =	vadd.f32 v12, v16;
	v16 =	vshll.u32 v15, $0x10  }
0x304: {  	v8 =	vadd.f32 v8, v11;
	v9 =	vadd.f32 v9, v10;
	v10 =	vand.u32 $0xFFFF0000, v15;
	v11 =	vld [tilespmem:s28+$0xD0];
	s28 =	smov.u32 s0  }
0x305: {  	v15 =	vld [tilespmem:s0+$0xA0];
	v16 =	vadd.f32 v16, v17;
	v10 =	vadd.f32 v10, v12;
	v12 =	vshll.u32 v20, $0x10  }
0x306: {  	v17 =	vld [tilespmem:s0+$0x80];
	v7 =	vadd.f32 v7, v8;
	v6 =	vadd.f32 v6, v9;
	v8 =	vand.u32 $0xFFFF0000, v20  }
0x307: {  	v9 =	vld [tilespmem:s0+$0x60];
	v12 =	vadd.f32 v12, v16;
	v8 =	vadd.f32 v8, v10;
	v10 =	vshll.u32 v13, $0x10  }
0x308: {  	v16 =	vld [tilespmem:s0+$0x40];
	v5 =	vadd.f32 v5, v7;
	v4 =	vadd.f32 v4, v6;
	v6 =	vand.u32 $0xFFFF0000, v13  }
0x309: {  	v18 =	vld [tilespmem:s0+$0x20];
	v7 =	vadd.f32 v10, v12;
	v6 =	vadd.f32 v6, v8;
	v8 =	vshll.u32 v11, $0x10  }
0x30a: {  	v20 =	vld [tilespmem:s0+$0x0];
	v3 =	vadd.f32 v3, v5;
	v2 =	vadd.f32 v2, v4;
	v4 =	vand.u32 $0xFFFF0000, v11  }
0x30b: {  	v21 =	vld [tilespmem:s0+$0xFFFFFFE0];
	v5 =	vadd.f32 v8, v7;
	v4 =	vadd.f32 v4, v6;
	v6 =	vshll.u32 v19, $0x10  }
0x30c: {  	v22 =	vld [tilespmem:s0+$0xFFFFFFC0];
	v24 =	vadd.f32 v1, v3;
	v25 =	vadd.f32 v0, v2;
	v0 =	vand.u32 $0xFFFF0000, v19  }
0x30d: {  	v19 =	vld [tilespmem:s0+$0xFFFFFFA0];
	v26 =	vadd.f32 v6, v5;
	v27 =	vadd.f32 v0, v4  }
0x30e: {  	v3 =	vshll.u32 v14, $0x10;
	v1 =	vshll.u32 v23, $0x10;
	v0 =	vand.u32 $0xFFFF0000, v23;
	v28 =	vld [tilespmem:s0+$0xFFFFFF80]  }
0x30f: {  	v2 =	vand.u32 $0xFFFF0000, v14;
	v5 =	vshll.u32 v15, $0x10;
	v4 =	vand.u32 $0xFFFF0000, v15;
	v23 =	vld [tilespmem:s0+$0xFFFFFF60]  }
0x310: {  	v7 =	vshll.u32 v17, $0x10;
	v8 =	vshll.u32 v9, $0x10;
	v6 =	vand.u32 $0xFFFF0000, v17;
	v14 =	vld [tilespmem:s0+$0xFFFFFF40]  }
0x311: {  	v9 =	vand.u32 $0xFFFF0000, v9;
	v11 =	vshll.u32 v16, $0x10;
	v10 =	vand.u32 $0xFFFF0000, v16;
	v15 =	vld [tilespmem:s0+$0xFFFFFF20]  }
0x312: {  	v13 =	vshll.u32 v18, $0x10;
	v12 =	vand.u32 $0xFFFF0000, v18;
	v29 =	vshll.u32 v20, $0x10;
	v16 =	vld [tilespmem:s0+$0xFFFFFF00]  }
0x313: {  	v30 =	vand.u32 $0xFFFF0000, v20;
	v18 =	vshll.u32 v21, $0x10;
	v21 =	vand.u32 $0xFFFF0000, v21;
	v17 =	vld [tilespmem:s0+$0xFFFFFF10]  }
0x314: {  	s29 =	sadd.s32 $0x10, s29;
	v31 =	vshll.u32 v22, $0x10;
	v22 =	vand.u32 $0xFFFF0000, v22;
	v20 =	vshll.u32 v19, $0x10  }
0x315: {  	p0 =	slt.u32 s29, $0x70;
	v19 =	vand.u32 $0xFFFF0000, v19;
	v33 =	vshll.u32 v28, $0x10;
	v28 =	vand.u32 $0xFFFF0000, v28;
	v32 =	vld [tilespmem:s0+$0xFFFFFF30]  }
0x316: {  	v35 =	vshll.u32 v23, $0x10;
	v23 =	vand.u32 $0xFFFF0000, v23;
	v34 =	vshll.u32 v14, $0x10  }
0x317: {  	v14 =	vand.u32 $0xFFFF0000, v14;
	v36 =	vshll.u32 v15, $0x10;
	v15 =	vand.u32 $0xFFFF0000, v15;
	v37 =	vld [tilespmem:s0+$0xFFFFFF50]  }
0x318: {  	v38 =	vshll.u32 v16, $0x10;
	v16 =	vand.u32 $0xFFFF0000, v16;
	v39 =	vshll.u32 v17, $0x10  }
0x319: {  	v24 =	vadd.f32 v38, v24;
	v16 =	vadd.f32 v16, v25;
	v17 =	vand.u32 $0xFFFF0000, v17;
	v25 =	vld [tilespmem:s0+$0xFFFFFF70]  }
0x31a: {  	v26 =	vadd.f32 v39, v26;
	v17 =	vadd.f32 v17, v27;
	v27 =	vshll.u32 v32, $0x10  }
0x31b: {  	v24 =	vadd.f32 v36, v24;
	v15 =	vadd.f32 v15, v16;
	v16 =	vand.u32 $0xFFFF0000, v32;
	v32 =	vld [tilespmem:s0+$0xFFFFFF90]  }
0x31c: {  	v26 =	vadd.f32 v27, v26;
	v16 =	vadd.f32 v16, v17;
	v17 =	vshll.u32 v37, $0x10  }
0x31d: {  	v24 =	vadd.f32 v34, v24;
	v14 =	vadd.f32 v14, v15;
	v15 =	vand.u32 $0xFFFF0000, v37;
	v27 =	vld [tilespmem:s0+$0xFFFFFFB0]  }
0x31e: {  	v17 =	vadd.f32 v17, v26;
	v15 =	vadd.f32 v15, v16;
	v16 =	vshll.u32 v25, $0x10  }
0x31f: {  	v24 =	vadd.f32 v35, v24;
	v14 =	vadd.f32 v23, v14;
	v23 =	vand.u32 $0xFFFF0000, v25;
	v25 =	vld [tilespmem:s0+$0xFFFFFFD0]  }
0x320: {  	v16 =	vadd.f32 v16, v17;
	v15 =	vadd.f32 v23, v15;
	v17 =	vshll.u32 v32, $0x10  }
0x321: {  	v23 =	vadd.f32 v33, v24;
	v14 =	vadd.f32 v28, v14;
	v24 =	vand.u32 $0xFFFF0000, v32;
	v26 =	vld [tilespmem:s0+$0xFFFFFFF0]  }
0x322: {  	v16 =	vadd.f32 v17, v16;
	v15 =	vadd.f32 v24, v15;
	v17 =	vshll.u32 v27, $0x10  }
0x323: {  	v20 =	vadd.f32 v20, v23;
	v14 =	vadd.f32 v19, v14;
	v19 =	vand.u32 $0xFFFF0000, v27;
	v23 =	vld [tilespmem:s0+$0x10]  }
0x324: {  	v17 =	vadd.f32 v17, v16;
	v15 =	vadd.f32 v19, v15;
	v19 =	vshll.u32 v25, $0x10  }
.Ltmp7:
0x325: {  	v20 =	vadd.f32 v31, v20;
	v14 =	vadd.f32 v22, v14;
	v22 =	vand.u32 $0xFFFF0000, v25;
	v16 =	vld [tilespmem:s0+$0x30];
	(pc) =	sbr.rel @p0 .LBB2_17-.Ltmp7, $4  }
0x326: {  	v17 =	vadd.f32 v19, v17;
	v15 =	vadd.f32 v22, v15;
	v19 =	vshll.u32 v26, $0x10  }
0x327: {  	v18 =	vadd.f32 v18, v20;
	v21 =	vadd.f32 v21, v14;
	v20 =	vand.u32 $0xFFFF0000, v26;
	v14 =	vld [tilespmem:s0+$0x50]  }
0x328: {  	v19 =	vadd.f32 v19, v17;
	v17 =	vadd.f32 v20, v15;
	v20 =	vshll.u32 v23, $0x10  }
0x329: {  	s0 =	sadd.s32 $0x200, s0;
	v22 =	vadd.f32 v29, v18;
	v21 =	vadd.f32 v30, v21;
	v18 =	vand.u32 $0xFFFF0000, v23;
	v15 =	vld [tilespmem:s28+$0x70]  }
0x32a: {  	_ = 	snop  }
0x32b: {  	v13 =	vadd.f32 v13, v22;
	_ =	sdelay $0x1  }
0x32c: {  	v11 =	vadd.f32 v11, v13;
	_ =	sdelay $0x1  }
0x32d: {  	v8 =	vadd.f32 v8, v11;
	_ =	sdelay $0x1  }
0x32e: {  	v7 =	vadd.f32 v7, v8;
	_ =	sdelay $0x1  }
0x32f: {  	v5 =	vadd.f32 v5, v7  }
0x330: {  	v34 =	vadd.f32 v12, v21  }
0x331: {  	v3 =	vadd.f32 v3, v5  }
0x332: {  	v36 =	vld [tilespmem:$0x15800];
	v35 =	vadd.f32 v10, v34  }
0x333: {  	v1 =	vadd.f32 v1, v3  }
0x334: {  	v37 =	vadd.f32 v9, v35  }
0x335: {  	v1 =	vmul.f32 $1.953125000e-03, v1  }
0x336: {  	v3 =	vadd.f32 v6, v37  }
0x337: {  	v38 =	vld [tilespmem:s28+$0x90];
	v39 =	vadd.f32 v20, v19;
	v1 =	vadd.f32 v36, v1  }
0x338: {  	v40 =	vld [tilespmem:s28+$0xF0];
	v41 =	vshll.u32 v16, $0x10;
	s0 =	sshll.u32 s26, $0x6;
	v3 =	vadd.f32 v4, v3  }
0x339: {  	v42 =	vld [tilespmem:s28+$0xB0];
	s0 =	sand.u32 $0x3FFFFFC0, s0;
	v43 =	vadd.f32 v41, v39;
	v1 =	vmax.f32 v1, $0.0e+00  }
0x33a: {  	v44 =	vld [tilespmem:s28+$0xD0];
	v45 =	vshll.u32 v14, $0x10;
	v2 =	vadd.f32 v2, v3;
	[tilespmem:s0+$0x14000] =	vst v1  }
0x33b: {  	v46 =	vadd.f32 v45, v43;
	v47 =	vld [tilespmem:$0x15810]  }
0x33c: {  	v48 =	vshll.u32 v15, $0x10;
	v0 =	vadd.f32 v0, v2  }
0x33d: {  	v1 =	vadd.f32 v48, v46  }
0x33e: {  	v49 =	vshll.u32 v38, $0x10;
	v0 =	vmul.f32 $1.953125000e-03, v0  }
0x33f: {  	v1 =	vadd.f32 v49, v1  }
0x340: {  	v50 =	vadd.f32 v18, v17;
	v51 =	vshll.u32 v42, $0x10;
	v0 =	vadd.f32 v47, v0  }
0x341: {  	v52 =	vand.u32 $0xFFFF0000, v16;
	v1 =	vadd.f32 v51, v1  }
0x342: {  	v53 =	vshll.u32 v44, $0x10;
	v2 =	vadd.f32 v52, v50;
	v0 =	vmax.f32 v0, $0.0e+00  }
0x343: {  	v54 =	vand.u32 $0xFFFF0000, v14;
	v1 =	vadd.f32 v53, v1;
	[tilespmem:s0+$0x14010] =	vst v0  }
0x344: {  	v56 =	vshll.u32 v40, $0x10;
	v55 =	vadd.f32 v54, v2;
	v57 =	vld [tilespmem:$0x15820]  }
0x345: {  	v58 =	vand.u32 $0xFFFF0000, v15;
	v1 =	vadd.f32 v56, v1  }
0x346: {  	v0 =	vadd.f32 v58, v55  }
0x347: {  	v59 =	vand.u32 $0xFFFF0000, v38;
	v1 =	vmul.f32 $1.953125000e-03, v1  }
0x348: {  	v0 =	vadd.f32 v59, v0  }
0x349: {  	v60 =	vand.u32 $0xFFFF0000, v42;
	v1 =	vadd.f32 v57, v1  }
0x34a: {  	v0 =	vadd.f32 v60, v0  }
0x34b: {  	v61 =	vand.u32 $0xFFFF0000, v44;
	v1 =	vmax.f32 v1, $0.0e+00  }
0x34c: {  	v0 =	vadd.f32 v61, v0;
	[tilespmem:s0+$0x14020] =	vst v1  }
0x34d: {  	v62 =	vand.u32 $0xFFFF0000, v40;
	v63 =	vld [tilespmem:$0x15830]  }
0x34e: {  	v0 =	vadd.f32 v62, v0  }
0x34f: {  	s25 =	sadd.s32 $0x1, s25  }
0x350: {  	p0 =	sne.s32 s25, $0x30;
	v0 =	vmul.f32 $1.953125000e-03, v0  }
.Ltmp8:
0x351: {  	_ = 	snop;
	(pc) =	sbr.rel @p0 .LBB2_2-.Ltmp8, $3  }
0x352: {  	v0 =	vadd.f32 v63, v0;
	_ =	sdelay $0x1  }
0x353: {  	v0 =	vmax.f32 v0, $0.0e+00  }
0x354: {  	[tilespmem:s0+$0x14030] =	vst v0  }
0x355: {  	[hbm4b:s8+s3] =	stream.linear.scatter [tilespmem:s21], [sflag:$0x9], $0x800, $0x38;
	[tilespmem:$0x15840] =	vst v63  }
0x356: {  	_ =	swait.ge [sflag:s13], $0x800  }
0x357: {  	[sflag:s13] =	ssyncset.done $0x0  }
0x358: {  	[sflag:s13] =	ssyncadd.s32 $0xFFFFF800  }
0x359: {  	[hbm4b:s9+s3] =	stream.linear.scatter [tilespmem:s22], [sflag:$0x9], $0x800, $0x38;
	[tilespmem:$0x15840] =	vst v63  }
0x35a: {  	s24 =	sadd.s32 $0x1, s24;
	_ =	swait.ge [sflag:s13], $0x800  }
0x35b: {  	p0 =	sne.s32 s24, s11;
	[sflag:s13] =	ssyncset.done $0x0  }
.Ltmp9:
0x35c: {  	[sflag:s13] =	ssyncadd.s32 $0xFFFFF800;
	(pc) =	sbr.rel @p0 .LBB2_1-.Ltmp9, $4  }
0x35d: {  	[hbm4b:s10+s3] =	stream.linear.scatter [tilespmem:s23], [sflag:$0x9], $0x800, $0x38;
	[tilespmem:$0x15840] =	vst v63  }
0x35e: {  	_ =	swait.ge [sflag:s13], $0x800  }
0x35f: {  	[sflag:s13] =	ssyncset.done $0x0  }
0x360: {  	[sflag:s13] =	ssyncadd.s32 $0xFFFFF800  }
0x361: {  	_ =	sfence.sel $0x180000  }
0x362: {  	[bflag:$0x0] =	sbarrier.arrive $0xFFFF  }
0x363: {  	_ =	strace $0x90000047  }
0x364: {  	s0 =	stileid.u32;
	[bflag:$0x2] =	sbarrier.arrive $0xFFFF  }
0x365: {  	p0 =	sne.s32 s0, $0x0;
	s0 =	rddreg [dreg:$0x3]  }
0x366: {  	s0 =	sadd.s32 @!p0 $0x100000, s0  }
0x367: {  	[sflag:s0] =	ssyncadd.tile.s32 @!p0 $0x1;
	_ =	shalt  }
.Lfunc_end2:
_tile_overlayer_lowered:
.L_overlay_start_2:
0x368: {  	(tag) =	ssettag $0x2  }
0x369: {  	s0 =	rddreg [dreg:$0x0];
	s2 =	stileid.u32  }
0x36a: {  	s1 =	rddreg [dreg:$0x1];
	p0 =	sne.s32 s2, $0x0  }
0x36b: {  	s3 =	rddreg [dreg:$0x2];
	[bflag:$0x3] =	sbarrier.arrive $0xFFFF;
	s2 =	simm.s32 @!p0 $0x1C09  }
0x36c: {  	[timem:s3], [sflag:s2] =	dma.local @!p0 [hbm:s0], s1  }
0x36d: {  	s0 =	simm.s32 @!p0 $0x9  }
0x36e: {  	_ =	swait.ge @!p0 [sflag:s0], s1  }
0x36f: {  	s1 =	ssub.s32 @!p0 $0x0, s1;
	[sflag:s0] =	ssyncset.done @!p0 $0x0  }
0x370: {  	[sflag:s0] =	ssyncadd.s32 @!p0 s1  }
0x371: {  	[bflag:$0x3] =	sbarrier.arrive $0xFFFF  }
0x372: {  	_ =	shalt  }

</sc_bundles>
